<compile_context>
chip_gen: v7x
topology: tpu7x:2x2x1
jax: 0.10.2.dev20260603
libtpu: 0.0.44.dev20260713+nightly
codegen_flags: <defaults>
</compile_context>

<pallas_src>
import functools

import jax
import jax.numpy as jnp
from jax import lax
from jax.experimental import pallas as pl
from jax.experimental.pallas import tpu as pltpu
from jax.experimental.pallas import tpu_sc as plsc

_EPS = 0.1
_N = 16384
_T = 512
_K = 64
_BR = 1024
_G = _N // _BR
_NBUF = 4
_NW = 32
_CH = _N // _NW


def _tc_rowsse_kernel(yhat_hbm, y_hbm, out_ref, hbuf, ybuf, sems):
    i = pl.program_id(0)

    def start_copy(n, slot):
        pltpu.make_async_copy(
            yhat_hbm.at[pl.ds(n * _BR, _BR), :], hbuf.at[slot], sems.at[0, slot]
        ).start(priority=0)
        pltpu.make_async_copy(
            y_hbm.at[pl.ds(n * _BR, _BR), :], ybuf.at[slot], sems.at[1, slot]
        ).start(priority=1)

    @pl.when(i == 0)
    def _prologue():
        for j in range(_NBUF):
            start_copy(j, j)

    slot = jax.lax.rem(i, _NBUF)
    pltpu.make_async_copy(
        yhat_hbm.at[pl.ds(i * _BR, _BR), :], hbuf.at[slot], sems.at[0, slot]
    ).wait()
    pltpu.make_async_copy(
        y_hbm.at[pl.ds(i * _BR, _BR), :], ybuf.at[slot], sems.at[1, slot]
    ).wait()

    d = hbuf[slot] - ybuf[slot]
    out_ref[...] = jnp.sum(d * d, axis=1, keepdims=True)

    @pl.when(i + _NBUF < _G)
    def _next():
        start_copy(i + _NBUF, slot)


@functools.partial(
    pl.kernel,
    mesh=plsc.VectorSubcoreMesh(core_axis_name="c", subcore_axis_name="s"),
    out_type=jax.ShapeDtypeStruct((_NW, 16), jnp.float32),
    scratch_types=[
        pltpu.VMEM((_CH,), jnp.int32),
        pltpu.VMEM((_CH,), jnp.float32),
        pltpu.VMEM((_K,), jnp.float32),
        pltpu.VMEM((16,), jnp.float32),
    ],
)
def _sc_weighted_dot(b_hbm, s_hbm, rss_hbm, out_hbm, idx_v, rss_v, s_v, acc_v):
    wid = lax.axis_index("s") * 2 + lax.axis_index("c")
    base = wid * _CH
    pltpu.sync_copy(b_hbm.at[pl.ds(base, _CH)], idx_v)
    pltpu.sync_copy(rss_hbm.at[pl.ds(base, _CH)], rss_v)
    pltpu.sync_copy(s_hbm, s_v)
    wt = []
    for k in range(_K // 16):
        t = s_v[pl.ds(16 * k, 16)] + _EPS
        wt.append(1.0 / (t * t))
    acc = jnp.zeros((16,), jnp.float32)
    for j in range(_CH // 16):
        idxs = idx_v[pl.ds(16 * j, 16)]
        lo = jnp.bitwise_and(idxs, 15)
        hi = jnp.right_shift(idxs, 4)
        g = wt[0].at[lo].get(mode="promise_in_bounds")
        for k in range(1, _K // 16):
            gk = wt[k].at[lo].get(mode="promise_in_bounds")
            g = jnp.where(hi == k, gk, g)
        acc = acc + g * rss_v[pl.ds(16 * j, 16)]
    acc_v[...] = acc
    pltpu.sync_copy(acc_v, out_hbm.at[wid])


def kernel(yhat, y, b, s):
    rb = pl.pallas_call(
        _tc_rowsse_kernel,
        grid=(_G,),
        in_specs=[
            pl.BlockSpec(memory_space=pl.ANY),
            pl.BlockSpec(memory_space=pl.ANY),
        ],
        out_specs=pl.BlockSpec((_BR, 1), lambda i: (i, 0)),
        out_shape=jax.ShapeDtypeStruct((_N, 1), jnp.float32),
        scratch_shapes=[
            pltpu.VMEM((_NBUF, _BR, _T), jnp.float32),
            pltpu.VMEM((_NBUF, _BR, _T), jnp.float32),
            pltpu.SemaphoreType.DMA((2, _NBUF)),
        ],
        compiler_params=pltpu.CompilerParams(
            dimension_semantics=("arbitrary",),
        ),
    )(yhat, y)
    b1 = b.astype(jnp.int32).reshape(_N)
    parts = _sc_weighted_dot(b1, s, rb.reshape(_N))
    return jnp.sum(parts) * (1.0 / (_N * _T))

# --- scband reference (transcript-rebuilt; emitter-appended) ---
"""Pipeline reference for scband-basin-nseloss-82617990906231 (READ-ONLY COPY).

The authoritative reference and input builder live on the scoring server;
editing this copy changes nothing except your own understanding.
"""

import jax, jax.numpy as jnp
import numpy as np

EPS = 0.1
_S_BASE = [0.31, 0.87, 1.45, 0.52, 2.1, 0.94, 1.78, 0.63, 1.12, 0.48, 1.96, 0.75, 1.33, 0.58, 2.45, 1.05]


def setup_inputs(seed: int = 0) -> dict:
    key = jax.random.key(seed)
    k1, k2, k3 = jax.random.split(key, 3)
    yhat = jax.random.normal(k1, (16384, 512), dtype=jnp.float32)
    y = jax.random.normal(k2, (16384, 512), dtype=jnp.float32)
    b = jax.random.randint(k3, (16384, 1), 0, 64, dtype=jnp.int64)
    s = jnp.asarray(np.tile(np.array(_S_BASE, dtype=np.float32), 4))
    return {"yhat": yhat, "y": y, "b": b, "s": s}


def reference(yhat, y, b, s):
    # w = 1 / (s[b] + eps)^2 ; loss = mean(w * (yhat - y)^2)
    w = 1.0 / (jnp.take(s, b, axis=0) + EPS) ** 2  # [B, 1], broadcasts over time
    return (w * (yhat - y) ** 2).mean()

if __name__ == "__main__":
    import jax
    _d = setup_inputs()
    print(jax.jit(kernel)(*tuple(_d.values())))

</pallas_src>

<mosaic_0001>
#map = affine_map<(d0, d1) -> (0)>
#map1 = affine_map<(d0, d1) -> (0, 0)>
module attributes {stable_mosaic.version = 14 : i64} {
  func.func @_sc_weighted_dot(%arg0: i32, %arg1: i32, %arg2: memref<16384xi32, #tpu.memory_space<hbm>>, %arg3: memref<64xf32, #tpu.memory_space<hbm>>, %arg4: memref<16384xf32, #tpu.memory_space<hbm>>, %arg5: memref<32x16xf32, #tpu.memory_space<hbm>>, %arg6: memref<512xi32, #tpu.memory_space<vmem>>, %arg7: memref<512xf32, #tpu.memory_space<vmem>>, %arg8: memref<64xf32, #tpu.memory_space<vmem>>, %arg9: memref<16xf32, #tpu.memory_space<vmem>>) attributes {dimension_semantics = [#tpu.dimension_semantics<core_parallel>, #tpu.dimension_semantics<subcore_parallel>], iteration_bounds = array<i64: 2, 16>, scalar_prefetch = 0 : i64, scratch_operands = 4 : i64, tpu.core_type = #tpu.core_type<sc_vector_subcore>, window_params = [{transform_indices = #map}, {transform_indices = #map}, {transform_indices = #map}, {transform_indices = #map1}]} {
    %mul3A = arith.constant 2 : i32
    %mul3A_0 = arith.muli %arg1, %mul3A : i32
    %add3A = arith.addi %mul3A_0, %arg0 : i32
    %mul3A_1 = arith.constant 512 : i32
    %mul3A_2 = arith.muli %add3A, %mul3A_1 : i32
    "tpu.region"() ({
      %run_scoped3A = tpu.sem_alloc : memref<!tpu.dma_semaphore, #tpu.memory_space<semaphore_mem>>
      %dma_start3A = tpu.memref_slice %arg2[%mul3A_2] : memref<16384xi32, #tpu.memory_space<hbm>> -> memref<512xi32, #tpu.memory_space<hbm>>
      %dma_start3A_2151 = tpu.memref_slice %arg2[%mul3A_2] : memref<16384xi32, #tpu.memory_space<hbm>> -> memref<512xi32, #tpu.memory_space<hbm>>
      tpu.enqueue_dma source(%dma_start3A_2151 : memref<512xi32, #tpu.memory_space<hbm>>) target(%arg6 : memref<512xi32, #tpu.memory_space<vmem>>) target_semaphore(%run_scoped3A : memref<!tpu.dma_semaphore, #tpu.memory_space<semaphore_mem>>)
      %dma_wait3A = tpu.memref_slice %arg2[%mul3A_2] : memref<16384xi32, #tpu.memory_space<hbm>> -> memref<512xi32, #tpu.memory_space<hbm>>
      %dma_wait3A_2152 = tpu.memref_slice %arg2[%mul3A_2] : memref<16384xi32, #tpu.memory_space<hbm>> -> memref<512xi32, #tpu.memory_space<hbm>>
      tpu.wait_dma2 semaphore(%run_scoped3A : memref<!tpu.dma_semaphore, #tpu.memory_space<semaphore_mem>>) src(%dma_wait3A_2152 : memref<512xi32, #tpu.memory_space<hbm>>) dst(%arg6 : memref<512xi32, #tpu.memory_space<vmem>>)
      tpu.yield
    }) : () -> ()
    "tpu.region"() ({
      %run_scoped3A = tpu.sem_alloc : memref<!tpu.dma_semaphore, #tpu.memory_space<semaphore_mem>>
      %dma_start3A = tpu.memref_slice %arg4[%mul3A_2] : memref<16384xf32, #tpu.memory_space<hbm>> -> memref<512xf32, #tpu.memory_space<hbm>>
      %dma_start3A_2151 = tpu.memref_slice %arg4[%mul3A_2] : memref<16384xf32, #tpu.memory_space<hbm>> -> memref<512xf32, #tpu.memory_space<hbm>>
      tpu.enqueue_dma source(%dma_start3A_2151 : memref<512xf32, #tpu.memory_space<hbm>>) target(%arg7 : memref<512xf32, #tpu.memory_space<vmem>>) target_semaphore(%run_scoped3A : memref<!tpu.dma_semaphore, #tpu.memory_space<semaphore_mem>>)
      %dma_wait3A = tpu.memref_slice %arg4[%mul3A_2] : memref<16384xf32, #tpu.memory_space<hbm>> -> memref<512xf32, #tpu.memory_space<hbm>>
      %dma_wait3A_2152 = tpu.memref_slice %arg4[%mul3A_2] : memref<16384xf32, #tpu.memory_space<hbm>> -> memref<512xf32, #tpu.memory_space<hbm>>
      tpu.wait_dma2 semaphore(%run_scoped3A : memref<!tpu.dma_semaphore, #tpu.memory_space<semaphore_mem>>) src(%dma_wait3A_2152 : memref<512xf32, #tpu.memory_space<hbm>>) dst(%arg7 : memref<512xf32, #tpu.memory_space<vmem>>)
      tpu.yield
    }) : () -> ()
    "tpu.region"() ({
      %run_scoped3A = tpu.sem_alloc : memref<!tpu.dma_semaphore, #tpu.memory_space<semaphore_mem>>
      tpu.enqueue_dma source(%arg3 : memref<64xf32, #tpu.memory_space<hbm>>) target(%arg8 : memref<64xf32, #tpu.memory_space<vmem>>) target_semaphore(%run_scoped3A : memref<!tpu.dma_semaphore, #tpu.memory_space<semaphore_mem>>)
      tpu.wait_dma2 semaphore(%run_scoped3A : memref<!tpu.dma_semaphore, #tpu.memory_space<semaphore_mem>>) src(%arg3 : memref<64xf32, #tpu.memory_space<hbm>>) dst(%arg8 : memref<64xf32, #tpu.memory_space<vmem>>)
      tpu.yield
    }) : () -> ()
    %get3A = arith.constant 0 : index
    %get3A_3 = tpu.vector_load %arg8[%get3A] {strides = array<i32>} : memref<64xf32, #tpu.memory_space<vmem>>, vector<16xf32>,
    %get3A_4 = vector.shape_cast %get3A_3 : vector<16xf32> to vector<16xf32>
    %add3A_5 = arith.constant 1.000000e-01 : f32
    %add3A_6 = vector.broadcast %add3A_5 : f32 to vector<16xf32>
    %add3A_7 = arith.addf %get3A_4, %add3A_6 : vector<16xf32>
    %mul3A_8 = arith.mulf %add3A_7, %add3A_7 : vector<16xf32>
    %div3A = arith.constant 1.000000e+00 : f32
    %div3A_9 = vector.broadcast %div3A : f32 to vector<16xf32>
    %div3A_10 = arith.divf %div3A_9, %mul3A_8 : vector<16xf32>
    %get3A_11 = arith.constant 16 : index
    %get3A_12 = tpu.vector_load %arg8[%get3A_11] {strides = array<i32>} : memref<64xf32, #tpu.memory_space<vmem>>, vector<16xf32>,
    %get3A_13 = vector.shape_cast %get3A_12 : vector<16xf32> to vector<16xf32>
    %add3A_14 = arith.constant 1.000000e-01 : f32
    %add3A_15 = vector.broadcast %add3A_14 : f32 to vector<16xf32>
    %add3A_16 = arith.addf %get3A_13, %add3A_15 : vector<16xf32>
    %mul3A_17 = arith.mulf %add3A_16, %add3A_16 : vector<16xf32>
    %div3A_18 = arith.constant 1.000000e+00 : f32
    %div3A_19 = vector.broadcast %div3A_18 : f32 to vector<16xf32>
    %div3A_20 = arith.divf %div3A_19, %mul3A_17 : vector<16xf32>
    %get3A_21 = arith.constant 32 : index
    %get3A_22 = tpu.vector_load %arg8[%get3A_21] {strides = array<i32>} : memref<64xf32, #tpu.memory_space<vmem>>, vector<16xf32>,
    %get3A_23 = vector.shape_cast %get3A_22 : vector<16xf32> to vector<16xf32>
    %add3A_24 = arith.constant 1.000000e-01 : f32
    %add3A_25 = vector.broadcast %add3A_24 : f32 to vector<16xf32>
    %add3A_26 = arith.addf %get3A_23, %add3A_25 : vector<16xf32>
    %mul3A_27 = arith.mulf %add3A_26, %add3A_26 : vector<16xf32>
    %div3A_28 = arith.constant 1.000000e+00 : f32
    %div3A_29 = vector.broadcast %div3A_28 : f32 to vector<16xf32>
    %div3A_30 = arith.divf %div3A_29, %mul3A_27 : vector<16xf32>
    %get3A_31 = arith.constant 48 : index
    %get3A_32 = tpu.vector_load %arg8[%get3A_31] {strides = array<i32>} : memref<64xf32, #tpu.memory_space<vmem>>, vector<16xf32>,
    %get3A_33 = vector.shape_cast %get3A_32 : vector<16xf32> to vector<16xf32>
    %add3A_34 = arith.constant 1.000000e-01 : f32
    %add3A_35 = vector.broadcast %add3A_34 : f32 to vector<16xf32>
    %add3A_36 = arith.addf %get3A_33, %add3A_35 : vector<16xf32>
    %mul3A_37 = arith.mulf %add3A_36, %add3A_36 : vector<16xf32>
    %div3A_38 = arith.constant 1.000000e+00 : f32
    %div3A_39 = vector.broadcast %div3A_38 : f32 to vector<16xf32>
    %div3A_40 = arith.divf %div3A_39, %mul3A_37 : vector<16xf32>
    %broadcast_in_dim3A = arith.constant 0.000000e+00 : f32
    %broadcast_in_dim3A_41 = vector.broadcast %broadcast_in_dim3A : f32 to vector<16xf32>
    %get3A_42 = arith.constant 0 : index
    %get3A_43 = tpu.vector_load %arg6[%get3A_42] {strides = array<i32>} : memref<512xi32, #tpu.memory_space<vmem>>, vector<16xi32>,
    %get3A_44 = vector.shape_cast %get3A_43 : vector<16xi32> to vector<16xi32>
    %and3A = arith.constant 15 : i32
    %and3A_45 = vector.broadcast %and3A : i32 to vector<16xi32>
    %and3A_46 = arith.andi %get3A_44, %and3A_45 : vector<16xi32>
    %shift_right_arithmetic3A = arith.constant 4 : i32
    %shift_right_arithmetic3A_47 = vector.broadcast %shift_right_arithmetic3A : i32 to vector<16xi32>
    %shift_right_arithmetic3A_48 = arith.shrsi %get3A_44, %shift_right_arithmetic3A_47 : vector<16xi32>
    %lt3A = arith.constant 0 : i32
    %lt3A_49 = vector.broadcast %lt3A : i32 to vector<16xi32>
    %lt3A_50 = arith.cmpi slt, %and3A_46, %lt3A_49 : vector<16xi32>
    %add3A_51 = arith.constant 16 : i32
    %add3A_52 = vector.broadcast %add3A_51 : i32 to vector<16xi32>
    %add3A_53 = arith.addi %and3A_46, %add3A_52 : vector<16xi32>
    %select_n3A = arith.select %lt3A_50, %add3A_53, %and3A_46 : vector<16xi1>, vector<16xi32>
    %broadcast_in_dim3A_54 = vector.shape_cast %select_n3A : vector<16xi32> to vector<16x1xi32>
    %gather3A = vector.shape_cast %broadcast_in_dim3A_54 : vector<16x1xi32> to vector<16xi32>
    %gather3A_55 = tpu.dynamic_gather %div3A_10[%gather3A] in [0] : vector<16xf32>, vector<16xi32> -> vector<16xf32>
    %lt3A_56 = arith.constant 0 : i32
    %lt3A_57 = vector.broadcast %lt3A_56 : i32 to vector<16xi32>
    %lt3A_58 = arith.cmpi slt, %and3A_46, %lt3A_57 : vector<16xi32>
    %add3A_59 = arith.constant 16 : i32
    %add3A_60 = vector.broadcast %add3A_59 : i32 to vector<16xi32>
    %add3A_61 = arith.addi %and3A_46, %add3A_60 : vector<16xi32>
    %select_n3A_62 = arith.select %lt3A_58, %add3A_61, %and3A_46 : vector<16xi1>, vector<16xi32>
    %broadcast_in_dim3A_63 = vector.shape_cast %select_n3A_62 : vector<16xi32> to vector<16x1xi32>
    %gather3A_64 = vector.shape_cast %broadcast_in_dim3A_63 : vector<16x1xi32> to vector<16xi32>
    %gather3A_65 = tpu.dynamic_gather %div3A_20[%gather3A_64] in [0] : vector<16xf32>, vector<16xi32> -> vector<16xf32>
    %eq3A = arith.constant 1 : i32
    %eq3A_66 = vector.broadcast %eq3A : i32 to vector<16xi32>
    %eq3A_67 = arith.cmpi eq, %shift_right_arithmetic3A_48, %eq3A_66 : vector<16xi32>
    %select_n3A_68 = arith.select %eq3A_67, %gather3A_65, %gather3A_55 : vector<16xi1>, vector<16xf32>
    %lt3A_69 = arith.constant 0 : i32
    %lt3A_70 = vector.broadcast %lt3A_69 : i32 to vector<16xi32>
    %lt3A_71 = arith.cmpi slt, %and3A_46, %lt3A_70 : vector<16xi32>
    %add3A_72 = arith.constant 16 : i32
    %add3A_73 = vector.broadcast %add3A_72 : i32 to vector<16xi32>
    %add3A_74 = arith.addi %and3A_46, %add3A_73 : vector<16xi32>
    %select_n3A_75 = arith.select %lt3A_71, %add3A_74, %and3A_46 : vector<16xi1>, vector<16xi32>
    %broadcast_in_dim3A_76 = vector.shape_cast %select_n3A_75 : vector<16xi32> to vector<16x1xi32>
    %gather3A_77 = vector.shape_cast %broadcast_in_dim3A_76 : vector<16x1xi32> to vector<16xi32>
    %gather3A_78 = tpu.dynamic_gather %div3A_30[%gather3A_77] in [0] : vector<16xf32>, vector<16xi32> -> vector<16xf32>
    %eq3A_79 = arith.constant 2 : i32
    %eq3A_80 = vector.broadcast %eq3A_79 : i32 to vector<16xi32>
    %eq3A_81 = arith.cmpi eq, %shift_right_arithmetic3A_48, %eq3A_80 : vector<16xi32>
    %select_n3A_82 = arith.select %eq3A_81, %gather3A_78, %select_n3A_68 : vector<16xi1>, vector<16xf32>
    %lt3A_83 = arith.constant 0 : i32
    %lt3A_84 = vector.broadcast %lt3A_83 : i32 to vector<16xi32>
    %lt3A_85 = arith.cmpi slt, %and3A_46, %lt3A_84 : vector<16xi32>
    %add3A_86 = arith.constant 16 : i32
    %add3A_87 = vector.broadcast %add3A_86 : i32 to vector<16xi32>
    %add3A_88 = arith.addi %and3A_46, %add3A_87 : vector<16xi32>
    %select_n3A_89 = arith.select %lt3A_85, %add3A_88, %and3A_46 : vector<16xi1>, vector<16xi32>
    %broadcast_in_dim3A_90 = vector.shape_cast %select_n3A_89 : vector<16xi32> to vector<16x1xi32>
    %gather3A_91 = vector.shape_cast %broadcast_in_dim3A_90 : vector<16x1xi32> to vector<16xi32>
    %gather3A_92 = tpu.dynamic_gather %div3A_40[%gather3A_91] in [0] : vector<16xf32>, vector<16xi32> -> vector<16xf32>
    %eq3A_93 = arith.constant 3 : i32
    %eq3A_94 = vector.broadcast %eq3A_93 : i32 to vector<16xi32>
    %eq3A_95 = arith.cmpi eq, %shift_right_arithmetic3A_48, %eq3A_94 : vector<16xi32>
    %select_n3A_96 = arith.select %eq3A_95, %gather3A_92, %select_n3A_82 : vector<16xi1>, vector<16xf32>
    %get3A_97 = arith.constant 0 : index
    %get3A_98 = tpu.vector_load %arg7[%get3A_97] {strides = array<i32>} : memref<512xf32, #tpu.memory_space<vmem>>, vector<16xf32>,
    %get3A_99 = vector.shape_cast %get3A_98 : vector<16xf32> to vector<16xf32>
    %mul3A_100 = arith.mulf %select_n3A_96, %get3A_99 : vector<16xf32>
    %add3A_101 = arith.addf %broadcast_in_dim3A_41, %mul3A_100 : vector<16xf32>
    %get3A_102 = arith.constant 16 : index
    %get3A_103 = tpu.vector_load %arg6[%get3A_102] {strides = array<i32>} : memref<512xi32, #tpu.memory_space<vmem>>, vector<16xi32>,
    %get3A_104 = vector.shape_cast %get3A_103 : vector<16xi32> to vector<16xi32>
    %and3A_105 = arith.constant 15 : i32
    %and3A_106 = vector.broadcast %and3A_105 : i32 to vector<16xi32>
    %and3A_107 = arith.andi %get3A_104, %and3A_106 : vector<16xi32>
    %shift_right_arithmetic3A_108 = arith.constant 4 : i32
    %shift_right_arithmetic3A_109 = vector.broadcast %shift_right_arithmetic3A_108 : i32 to vector<16xi32>
    %shift_right_arithmetic3A_110 = arith.shrsi %get3A_104, %shift_right_arithmetic3A_109 : vector<16xi32>
    %lt3A_111 = arith.constant 0 : i32
    %lt3A_112 = vector.broadcast %lt3A_111 : i32 to vector<16xi32>
    %lt3A_113 = arith.cmpi slt, %and3A_107, %lt3A_112 : vector<16xi32>
    %add3A_114 = arith.constant 16 : i32
    %add3A_115 = vector.broadcast %add3A_114 : i32 to vector<16xi32>
    %add3A_116 = arith.addi %and3A_107, %add3A_115 : vector<16xi32>
    %select_n3A_117 = arith.select %lt3A_113, %add3A_116, %and3A_107 : vector<16xi1>, vector<16xi32>
    %broadcast_in_dim3A_118 = vector.shape_cast %select_n3A_117 : vector<16xi32> to vector<16x1xi32>
    %gather3A_119 = vector.shape_cast %broadcast_in_dim3A_118 : vector<16x1xi32> to vector<16xi32>
    %gather3A_120 = tpu.dynamic_gather %div3A_10[%gather3A_119] in [0] : vector<16xf32>, vector<16xi32> -> vector<16xf32>
    %lt3A_121 = arith.constant 0 : i32
    %lt3A_122 = vector.broadcast %lt3A_121 : i32 to vector<16xi32>
    %lt3A_123 = arith.cmpi slt, %and3A_107, %lt3A_122 : vector<16xi32>
    %add3A_124 = arith.constant 16 : i32
    %add3A_125 = vector.broadcast %add3A_124 : i32 to vector<16xi32>
    %add3A_126 = arith.addi %and3A_107, %add3A_125 : vector<16xi32>
    %select_n3A_127 = arith.select %lt3A_123, %add3A_126, %and3A_107 : vector<16xi1>, vector<16xi32>
    %broadcast_in_dim3A_128 = vector.shape_cast %select_n3A_127 : vector<16xi32> to vector<16x1xi32>
    %gather3A_129 = vector.shape_cast %broadcast_in_dim3A_128 : vector<16x1xi32> to vector<16xi32>
    %gather3A_130 = tpu.dynamic_gather %div3A_20[%gather3A_129] in [0] : vector<16xf32>, vector<16xi32> -> vector<16xf32>
    %eq3A_131 = arith.constant 1 : i32
    %eq3A_132 = vector.broadcast %eq3A_131 : i32 to vector<16xi32>
    %eq3A_133 = arith.cmpi eq, %shift_right_arithmetic3A_110, %eq3A_132 : vector<16xi32>
    %select_n3A_134 = arith.select %eq3A_133, %gather3A_130, %gather3A_120 : vector<16xi1>, vector<16xf32>
    %lt3A_135 = arith.constant 0 : i32
    %lt3A_136 = vector.broadcast %lt3A_135 : i32 to vector<16xi32>
    %lt3A_137 = arith.cmpi slt, %and3A_107, %lt3A_136 : vector<16xi32>
    %add3A_138 = arith.constant 16 : i32
    %add3A_139 = vector.broadcast %add3A_138 : i32 to vector<16xi32>
    %add3A_140 = arith.addi %and3A_107, %add3A_139 : vector<16xi32>
    %select_n3A_141 = arith.select %lt3A_137, %add3A_140, %and3A_107 : vector<16xi1>, vector<16xi32>
    %broadcast_in_dim3A_142 = vector.shape_cast %select_n3A_141 : vector<16xi32> to vector<16x1xi32>
    %gather3A_143 = vector.shape_cast %broadcast_in_dim3A_142 : vector<16x1xi32> to vector<16xi32>
    %gather3A_144 = tpu.dynamic_gather %div3A_30[%gather3A_143] in [0] : vector<16xf32>, vector<16xi32> -> vector<16xf32>
    %eq3A_145 = arith.constant 2 : i32
    %eq3A_146 = vector.broadcast %eq3A_145 : i32 to vector<16xi32>
    %eq3A_147 = arith.cmpi eq, %shift_right_arithmetic3A_110, %eq3A_146 : vector<16xi32>
    %select_n3A_148 = arith.select %eq3A_147, %gather3A_144, %select_n3A_134 : vector<16xi1>, vector<16xf32>
    %lt3A_149 = arith.constant 0 : i32
    %lt3A_150 = vector.broadcast %lt3A_149 : i32 to vector<16xi32>
    %lt3A_151 = arith.cmpi slt, %and3A_107, %lt3A_150 : vector<16xi32>
    %add3A_152 = arith.constant 16 : i32
    %add3A_153 = vector.broadcast %add3A_152 : i32 to vector<16xi32>
    %add3A_154 = arith.addi %and3A_107, %add3A_153 : vector<16xi32>
    %select_n3A_155 = arith.select %lt3A_151, %add3A_154, %and3A_107 : vector<16xi1>, vector<16xi32>
    %broadcast_in_dim3A_156 = vector.shape_cast %select_n3A_155 : vector<16xi32> to vector<16x1xi32>
    %gather3A_157 = vector.shape_cast %broadcast_in_dim3A_156 : vector<16x1xi32> to vector<16xi32>
    %gather3A_158 = tpu.dynamic_gather %div3A_40[%gather3A_157] in [0] : vector<16xf32>, vector<16xi32> -> vector<16xf32>
    %eq3A_159 = arith.constant 3 : i32
    %eq3A_160 = vector.broadcast %eq3A_159 : i32 to vector<16xi32>
    %eq3A_161 = arith.cmpi eq, %shift_right_arithmetic3A_110, %eq3A_160 : vector<16xi32>
    %select_n3A_162 = arith.select %eq3A_161, %gather3A_158, %select_n3A_148 : vector<16xi1>, vector<16xf32>
    %get3A_163 = arith.constant 16 : index
    %get3A_164 = tpu.vector_load %arg7[%get3A_163] {strides = array<i32>} : memref<512xf32, #tpu.memory_space<vmem>>, vector<16xf32>,
    %get3A_165 = vector.shape_cast %get3A_164 : vector<16xf32> to vector<16xf32>
    %mul3A_166 = arith.mulf %select_n3A_162, %get3A_165 : vector<16xf32>
    %add3A_167 = arith.addf %add3A_101, %mul3A_166 : vector<16xf32>
    %get3A_168 = arith.constant 32 : index
    %get3A_169 = tpu.vector_load %arg6[%get3A_168] {strides = array<i32>} : memref<512xi32, #tpu.memory_space<vmem>>, vector<16xi32>,
    %get3A_170 = vector.shape_cast %get3A_169 : vector<16xi32> to vector<16xi32>
    %and3A_171 = arith.constant 15 : i32
    %and3A_172 = vector.broadcast %and3A_171 : i32 to vector<16xi32>
    %and3A_173 = arith.andi %get3A_170, %and3A_172 : vector<16xi32>
    %shift_right_arithmetic3A_174 = arith.constant 4 : i32
    %shift_right_arithmetic3A_175 = vector.broadcast %shift_right_arithmetic3A_174 : i32 to vector<16xi32>
    %shift_right_arithmetic3A_176 = arith.shrsi %get3A_170, %shift_right_arithmetic3A_175 : vector<16xi32>
    %lt3A_177 = arith.constant 0 : i32
    %lt3A_178 = vector.broadcast %lt3A_177 : i32 to vector<16xi32>
    %lt3A_179 = arith.cmpi slt, %and3A_173, %lt3A_178 : vector<16xi32>
    %add3A_180 = arith.constant 16 : i32
    %add3A_181 = vector.broadcast %add3A_180 : i32 to vector<16xi32>
    %add3A_182 = arith.addi %and3A_173, %add3A_181 : vector<16xi32>
    %select_n3A_183 = arith.select %lt3A_179, %add3A_182, %and3A_173 : vector<16xi1>, vector<16xi32>
    %broadcast_in_dim3A_184 = vector.shape_cast %select_n3A_183 : vector<16xi32> to vector<16x1xi32>
    %gather3A_185 = vector.shape_cast %broadcast_in_dim3A_184 : vector<16x1xi32> to vector<16xi32>
    %gather3A_186 = tpu.dynamic_gather %div3A_10[%gather3A_185] in [0] : vector<16xf32>, vector<16xi32> -> vector<16xf32>
    %lt3A_187 = arith.constant 0 : i32
    %lt3A_188 = vector.broadcast %lt3A_187 : i32 to vector<16xi32>
    %lt3A_189 = arith.cmpi slt, %and3A_173, %lt3A_188 : vector<16xi32>
    %add3A_190 = arith.constant 16 : i32
    %add3A_191 = vector.broadcast %add3A_190 : i32 to vector<16xi32>
    %add3A_192 = arith.addi %and3A_173, %add3A_191 : vector<16xi32>
    %select_n3A_193 = arith.select %lt3A_189, %add3A_192, %and3A_173 : vector<16xi1>, vector<16xi32>
    %broadcast_in_dim3A_194 = vector.shape_cast %select_n3A_193 : vector<16xi32> to vector<16x1xi32>
    %gather3A_195 = vector.shape_cast %broadcast_in_dim3A_194 : vector<16x1xi32> to vector<16xi32>
    %gather3A_196 = tpu.dynamic_gather %div3A_20[%gather3A_195] in [0] : vector<16xf32>, vector<16xi32> -> vector<16xf32>
    %eq3A_197 = arith.constant 1 : i32
    %eq3A_198 = vector.broadcast %eq3A_197 : i32 to vector<16xi32>
    %eq3A_199 = arith.cmpi eq, %shift_right_arithmetic3A_176, %eq3A_198 : vector<16xi32>
    %select_n3A_200 = arith.select %eq3A_199, %gather3A_196, %gather3A_186 : vector<16xi1>, vector<16xf32>
    %lt3A_201 = arith.constant 0 : i32
    %lt3A_202 = vector.broadcast %lt3A_201 : i32 to vector<16xi32>
    %lt3A_203 = arith.cmpi slt, %and3A_173, %lt3A_202 : vector<16xi32>
    %add3A_204 = arith.constant 16 : i32
    %add3A_205 = vector.broadcast %add3A_204 : i32 to vector<16xi32>
    %add3A_206 = arith.addi %and3A_173, %add3A_205 : vector<16xi32>
    %select_n3A_207 = arith.select %lt3A_203, %add3A_206, %and3A_173 : vector<16xi1>, vector<16xi32>
    %broadcast_in_dim3A_208 = vector.shape_cast %select_n3A_207 : vector<16xi32> to vector<16x1xi32>
    %gather3A_209 = vector.shape_cast %broadcast_in_dim3A_208 : vector<16x1xi32> to vector<16xi32>
    %gather3A_210 = tpu.dynamic_gather %div3A_30[%gather3A_209] in [0] : vector<16xf32>, vector<16xi32> -> vector<16xf32>
    %eq3A_211 = arith.constant 2 : i32
    %eq3A_212 = vector.broadcast %eq3A_211 : i32 to vector<16xi32>
    %eq3A_213 = arith.cmpi eq, %shift_right_arithmetic3A_176, %eq3A_212 : vector<16xi32>
    %select_n3A_214 = arith.select %eq3A_213, %gather3A_210, %select_n3A_200 : vector<16xi1>, vector<16xf32>
    %lt3A_215 = arith.constant 0 : i32
    %lt3A_216 = vector.broadcast %lt3A_215 : i32 to vector<16xi32>
    %lt3A_217 = arith.cmpi slt, %and3A_173, %lt3A_216 : vector<16xi32>
    %add3A_218 = arith.constant 16 : i32
    %add3A_219 = vector.broadcast %add3A_218 : i32 to vector<16xi32>
    %add3A_220 = arith.addi %and3A_173, %add3A_219 : vector<16xi32>
    %select_n3A_221 = arith.select %lt3A_217, %add3A_220, %and3A_173 : vector<16xi1>, vector<16xi32>
    %broadcast_in_dim3A_222 = vector.shape_cast %select_n3A_221 : vector<16xi32> to vector<16x1xi32>
    %gather3A_223 = vector.shape_cast %broadcast_in_dim3A_222 : vector<16x1xi32> to vector<16xi32>
    %gather3A_224 = tpu.dynamic_gather %div3A_40[%gather3A_223] in [0] : vector<16xf32>, vector<16xi32> -> vector<16xf32>
    %eq3A_225 = arith.constant 3 : i32
    %eq3A_226 = vector.broadcast %eq3A_225 : i32 to vector<16xi32>
    %eq3A_227 = arith.cmpi eq, %shift_right_arithmetic3A_176, %eq3A_226 : vector<16xi32>
    %select_n3A_228 = arith.select %eq3A_227, %gather3A_224, %select_n3A_214 : vector<16xi1>, vector<16xf32>
    %get3A_229 = arith.constant 32 : index
    %get3A_230 = tpu.vector_load %arg7[%get3A_229] {strides = array<i32>} : memref<512xf32, #tpu.memory_space<vmem>>, vector<16xf32>,
    %get3A_231 = vector.shape_cast %get3A_230 : vector<16xf32> to vector<16xf32>
    %mul3A_232 = arith.mulf %select_n3A_228, %get3A_231 : vector<16xf32>
    %add3A_233 = arith.addf %add3A_167, %mul3A_232 : vector<16xf32>
    %get3A_234 = arith.constant 48 : index
    %get3A_235 = tpu.vector_load %arg6[%get3A_234] {strides = array<i32>} : memref<512xi32, #tpu.memory_space<vmem>>, vector<16xi32>,
    %get3A_236 = vector.shape_cast %get3A_235 : vector<16xi32> to vector<16xi32>
    %and3A_237 = arith.constant 15 : i32
    %and3A_238 = vector.broadcast %and3A_237 : i32 to vector<16xi32>
    %and3A_239 = arith.andi %get3A_236, %and3A_238 : vector<16xi32>
    %shift_right_arithmetic3A_240 = arith.constant 4 : i32
    %shift_right_arithmetic3A_241 = vector.broadcast %shift_right_arithmetic3A_240 : i32 to vector<16xi32>
    %shift_right_arithmetic3A_242 = arith.shrsi %get3A_236, %shift_right_arithmetic3A_241 : vector<16xi32>
    %lt3A_243 = arith.constant 0 : i32
    %lt3A_244 = vector.broadcast %lt3A_243 : i32 to vector<16xi32>
    %lt3A_245 = arith.cmpi slt, %and3A_239, %lt3A_244 : vector<16xi32>
    %add3A_246 = arith.constant 16 : i32
    %add3A_247 = vector.broadcast %add3A_246 : i32 to vector<16xi32>
    %add3A_248 = arith.addi %and3A_239, %add3A_247 : vector<16xi32>
    %select_n3A_249 = arith.select %lt3A_245, %add3A_248, %and3A_239 : vector<16xi1>, vector<16xi32>
    %broadcast_in_dim3A_250 = vector.shape_cast %select_n3A_249 : vector<16xi32> to vector<16x1xi32>
    %gather3A_251 = vector.shape_cast %broadcast_in_dim3A_250 : vector<16x1xi32> to vector<16xi32>
    %gather3A_252 = tpu.dynamic_gather %div3A_10[%gather3A_251] in [0] : vector<16xf32>, vector<16xi32> -> vector<16xf32>
    %lt3A_253 = arith.constant 0 : i32
    %lt3A_254 = vector.broadcast %lt3A_253 : i32 to vector<16xi32>
    %lt3A_255 = arith.cmpi slt, %and3A_239, %lt3A_254 : vector<16xi32>
    %add3A_256 = arith.constant 16 : i32
    %add3A_257 = vector.broadcast %add3A_256 : i32 to vector<16xi32>
    %add3A_258 = arith.addi %and3A_239, %add3A_257 : vector<16xi32>
    %select_n3A_259 = arith.select %lt3A_255, %add3A_258, %and3A_239 : vector<16xi1>, vector<16xi32>
    %broadcast_in_dim3A_260 = vector.shape_cast %select_n3A_259 : vector<16xi32> to vector<16x1xi32>
    %gather3A_261 = vector.shape_cast %broadcast_in_dim3A_260 : vector<16x1xi32> to vector<16xi32>
    %gather3A_262 = tpu.dynamic_gather %div3A_20[%gather3A_261] in [0] : vector<16xf32>, vector<16xi32> -> vector<16xf32>
    %eq3A_263 = arith.constant 1 : i32
    %eq3A_264 = vector.broadcast %eq3A_263 : i32 to vector<16xi32>
    %eq3A_265 = arith.cmpi eq, %shift_right_arithmetic3A_242, %eq3A_264 : vector<16xi32>
    %select_n3A_266 = arith.select %eq3A_265, %gather3A_262, %gather3A_252 : vector<16xi1>, vector<16xf32>
    %lt3A_267 = arith.constant 0 : i32
    %lt3A_268 = vector.broadcast %lt3A_267 : i32 to vector<16xi32>
    %lt3A_269 = arith.cmpi slt, %and3A_239, %lt3A_268 : vector<16xi32>
    %add3A_270 = arith.constant 16 : i32
    %add3A_271 = vector.broadcast %add3A_270 : i32 to vector<16xi32>
    %add3A_272 = arith.addi %and3A_239, %add3A_271 : vector<16xi32>
    %select_n3A_273 = arith.select %lt3A_269, %add3A_272, %and3A_239 : vector<16xi1>, vector<16xi32>
    %broadcast_in_dim3A_274 = vector.shape_cast %select_n3A_273 : vector<16xi32> to vector<16x1xi32>
    %gather3A_275 = vector.shape_cast %broadcast_in_dim3A_274 : vector<16x1xi32> to vector<16xi32>
    %gather3A_276 = tpu.dynamic_gather %div3A_30[%gather3A_275] in [0] : vector<16xf32>, vector<16xi32> -> vector<16xf32>
    %eq3A_277 = arith.constant 2 : i32
    %eq3A_278 = vector.broadcast %eq3A_277 : i32 to vector<16xi32>
    %eq3A_279 = arith.cmpi eq, %shift_right_arithmetic3A_242, %eq3A_278 : vector<16xi32>
    %select_n3A_280 = arith.select %eq3A_279, %gather3A_276, %select_n3A_266 : vector<16xi1>, vector<16xf32>
    %lt3A_281 = arith.constant 0 : i32
    %lt3A_282 = vector.broadcast %lt3A_281 : i32 to vector<16xi32>
    %lt3A_283 = arith.cmpi slt, %and3A_239, %lt3A_282 : vector<16xi32>
    %add3A_284 = arith.constant 16 : i32
    %add3A_285 = vector.broadcast %add3A_284 : i32 to vector<16xi32>
    %add3A_286 = arith.addi %and3A_239, %add3A_285 : vector<16xi32>
    %select_n3A_287 = arith.select %lt3A_283, %add3A_286, %and3A_239 : vector<16xi1>, vector<16xi32>
    %broadcast_in_dim3A_288 = vector.shape_cast %select_n3A_287 : vector<16xi32> to vector<16x1xi32>
    %gather3A_289 = vector.shape_cast %broadcast_in_dim3A_288 : vector<16x1xi32> to vector<16xi32>
    %gather3A_290 = tpu.dynamic_gather %div3A_40[%gather3A_289] in [0] : vector<16xf32>, vector<16xi32> -> vector<16xf32>
    %eq3A_291 = arith.constant 3 : i32
    %eq3A_292 = vector.broadcast %eq3A_291 : i32 to vector<16xi32>
    %eq3A_293 = arith.cmpi eq, %shift_right_arithmetic3A_242, %eq3A_292 : vector<16xi32>
    %select_n3A_294 = arith.select %eq3A_293, %gather3A_290, %select_n3A_280 : vector<16xi1>, vector<16xf32>
    %get3A_295 = arith.constant 48 : index
    %get3A_296 = tpu.vector_load %arg7[%get3A_295] {strides = array<i32>} : memref<512xf32, #tpu.memory_space<vmem>>, vector<16xf32>,
    %get3A_297 = vector.shape_cast %get3A_296 : vector<16xf32> to vector<16xf32>
    %mul3A_298 = arith.mulf %select_n3A_294, %get3A_297 : vector<16xf32>
    %add3A_299 = arith.addf %add3A_233, %mul3A_298 : vector<16xf32>
    %get3A_300 = arith.constant 64 : index
    %get3A_301 = tpu.vector_load %arg6[%get3A_300] {strides = array<i32>} : memref<512xi32, #tpu.memory_space<vmem>>, vector<16xi32>,
    %get3A_302 = vector.shape_cast %get3A_301 : vector<16xi32> to vector<16xi32>
    %and3A_303 = arith.constant 15 : i32
    %and3A_304 = vector.broadcast %and3A_303 : i32 to vector<16xi32>
    %and3A_305 = arith.andi %get3A_302, %and3A_304 : vector<16xi32>
    %shift_right_arithmetic3A_306 = arith.constant 4 : i32
    %shift_right_arithmetic3A_307 = vector.broadcast %shift_right_arithmetic3A_306 : i32 to vector<16xi32>
    %shift_right_arithmetic3A_308 = arith.shrsi %get3A_302, %shift_right_arithmetic3A_307 : vector<16xi32>
    %lt3A_309 = arith.constant 0 : i32
    %lt3A_310 = vector.broadcast %lt3A_309 : i32 to vector<16xi32>
    %lt3A_311 = arith.cmpi slt, %and3A_305, %lt3A_310 : vector<16xi32>
    %add3A_312 = arith.constant 16 : i32
    %add3A_313 = vector.broadcast %add3A_312 : i32 to vector<16xi32>
    %add3A_314 = arith.addi %and3A_305, %add3A_313 : vector<16xi32>
    %select_n3A_315 = arith.select %lt3A_311, %add3A_314, %and3A_305 : vector<16xi1>, vector<16xi32>
    %broadcast_in_dim3A_316 = vector.shape_cast %select_n3A_315 : vector<16xi32> to vector<16x1xi32>
    %gather3A_317 = vector.shape_cast %broadcast_in_dim3A_316 : vector<16x1xi32> to vector<16xi32>
    %gather3A_318 = tpu.dynamic_gather %div3A_10[%gather3A_317] in [0] : vector<16xf32>, vector<16xi32> -> vector<16xf32>
    %lt3A_319 = arith.constant 0 : i32
    %lt3A_320 = vector.broadcast %lt3A_319 : i32 to vector<16xi32>
    %lt3A_321 = arith.cmpi slt, %and3A_305, %lt3A_320 : vector<16xi32>
    %add3A_322 = arith.constant 16 : i32
    %add3A_323 = vector.broadcast %add3A_322 : i32 to vector<16xi32>
    %add3A_324 = arith.addi %and3A_305, %add3A_323 : vector<16xi32>
    %select_n3A_325 = arith.select %lt3A_321, %add3A_324, %and3A_305 : vector<16xi1>, vector<16xi32>
    %broadcast_in_dim3A_326 = vector.shape_cast %select_n3A_325 : vector<16xi32> to vector<16x1xi32>
    %gather3A_327 = vector.shape_cast %broadcast_in_dim3A_326 : vector<16x1xi32> to vector<16xi32>
    %gather3A_328 = tpu.dynamic_gather %div3A_20[%gather3A_327] in [0] : vector<16xf32>, vector<16xi32> -> vector<16xf32>
    %eq3A_329 = arith.constant 1 : i32
    %eq3A_330 = vector.broadcast %eq3A_329 : i32 to vector<16xi32>
    %eq3A_331 = arith.cmpi eq, %shift_right_arithmetic3A_308, %eq3A_330 : vector<16xi32>
    %select_n3A_332 = arith.select %eq3A_331, %gather3A_328, %gather3A_318 : vector<16xi1>, vector<16xf32>
    %lt3A_333 = arith.constant 0 : i32
    %lt3A_334 = vector.broadcast %lt3A_333 : i32 to vector<16xi32>
    %lt3A_335 = arith.cmpi slt, %and3A_305, %lt3A_334 : vector<16xi32>
    %add3A_336 = arith.constant 16 : i32
    %add3A_337 = vector.broadcast %add3A_336 : i32 to vector<16xi32>
    %add3A_338 = arith.addi %and3A_305, %add3A_337 : vector<16xi32>
    %select_n3A_339 = arith.select %lt3A_335, %add3A_338, %and3A_305 : vector<16xi1>, vector<16xi32>
    %broadcast_in_dim3A_340 = vector.shape_cast %select_n3A_339 : vector<16xi32> to vector<16x1xi32>
    %gather3A_341 = vector.shape_cast %broadcast_in_dim3A_340 : vector<16x1xi32> to vector<16xi32>
    %gather3A_342 = tpu.dynamic_gather %div3A_30[%gather3A_341] in [0] : vector<16xf32>, vector<16xi32> -> vector<16xf32>
    %eq3A_343 = arith.constant 2 : i32
    %eq3A_344 = vector.broadcast %eq3A_343 : i32 to vector<16xi32>
    %eq3A_345 = arith.cmpi eq, %shift_right_arithmetic3A_308, %eq3A_344 : vector<16xi32>
    %select_n3A_346 = arith.select %eq3A_345, %gather3A_342, %select_n3A_332 : vector<16xi1>, vector<16xf32>
    %lt3A_347 = arith.constant 0 : i32
    %lt3A_348 = vector.broadcast %lt3A_347 : i32 to vector<16xi32>
    %lt3A_349 = arith.cmpi slt, %and3A_305, %lt3A_348 : vector<16xi32>
    %add3A_350 = arith.constant 16 : i32
    %add3A_351 = vector.broadcast %add3A_350 : i32 to vector<16xi32>
    %add3A_352 = arith.addi %and3A_305, %add3A_351 : vector<16xi32>
    %select_n3A_353 = arith.select %lt3A_349, %add3A_352, %and3A_305 : vector<16xi1>, vector<16xi32>
    %broadcast_in_dim3A_354 = vector.shape_cast %select_n3A_353 : vector<16xi32> to vector<16x1xi32>
    %gather3A_355 = vector.shape_cast %broadcast_in_dim3A_354 : vector<16x1xi32> to vector<16xi32>
    %gather3A_356 = tpu.dynamic_gather %div3A_40[%gather3A_355] in [0] : vector<16xf32>, vector<16xi32> -> vector<16xf32>
    %eq3A_357 = arith.constant 3 : i32
    %eq3A_358 = vector.broadcast %eq3A_357 : i32 to vector<16xi32>
    %eq3A_359 = arith.cmpi eq, %shift_right_arithmetic3A_308, %eq3A_358 : vector<16xi32>
    %select_n3A_360 = arith.select %eq3A_359, %gather3A_356, %select_n3A_346 : vector<16xi1>, vector<16xf32>
    %get3A_361 = arith.constant 64 : index
    %get3A_362 = tpu.vector_load %arg7[%get3A_361] {strides = array<i32>} : memref<512xf32, #tpu.memory_space<vmem>>, vector<16xf32>,
    %get3A_363 = vector.shape_cast %get3A_362 : vector<16xf32> to vector<16xf32>
    %mul3A_364 = arith.mulf %select_n3A_360, %get3A_363 : vector<16xf32>
    %add3A_365 = arith.addf %add3A_299, %mul3A_364 : vector<16xf32>
    %get3A_366 = arith.constant 80 : index
    %get3A_367 = tpu.vector_load %arg6[%get3A_366] {strides = array<i32>} : memref<512xi32, #tpu.memory_space<vmem>>, vector<16xi32>,
    %get3A_368 = vector.shape_cast %get3A_367 : vector<16xi32> to vector<16xi32>
    %and3A_369 = arith.constant 15 : i32
    %and3A_370 = vector.broadcast %and3A_369 : i32 to vector<16xi32>
    %and3A_371 = arith.andi %get3A_368, %and3A_370 : vector<16xi32>
    %shift_right_arithmetic3A_372 = arith.constant 4 : i32
    %shift_right_arithmetic3A_373 = vector.broadcast %shift_right_arithmetic3A_372 : i32 to vector<16xi32>
    %shift_right_arithmetic3A_374 = arith.shrsi %get3A_368, %shift_right_arithmetic3A_373 : vector<16xi32>
    %lt3A_375 = arith.constant 0 : i32
    %lt3A_376 = vector.broadcast %lt3A_375 : i32 to vector<16xi32>
    %lt3A_377 = arith.cmpi slt, %and3A_371, %lt3A_376 : vector<16xi32>
    %add3A_378 = arith.constant 16 : i32
    %add3A_379 = vector.broadcast %add3A_378 : i32 to vector<16xi32>
    %add3A_380 = arith.addi %and3A_371, %add3A_379 : vector<16xi32>
    %select_n3A_381 = arith.select %lt3A_377, %add3A_380, %and3A_371 : vector<16xi1>, vector<16xi32>
    %broadcast_in_dim3A_382 = vector.shape_cast %select_n3A_381 : vector<16xi32> to vector<16x1xi32>
    %gather3A_383 = vector.shape_cast %broadcast_in_dim3A_382 : vector<16x1xi32> to vector<16xi32>
    %gather3A_384 = tpu.dynamic_gather %div3A_10[%gather3A_383] in [0] : vector<16xf32>, vector<16xi32> -> vector<16xf32>
    %lt3A_385 = arith.constant 0 : i32
    %lt3A_386 = vector.broadcast %lt3A_385 : i32 to vector<16xi32>
    %lt3A_387 = arith.cmpi slt, %and3A_371, %lt3A_386 : vector<16xi32>
    %add3A_388 = arith.constant 16 : i32
    %add3A_389 = vector.broadcast %add3A_388 : i32 to vector<16xi32>
    %add3A_390 = arith.addi %and3A_371, %add3A_389 : vector<16xi32>
    %select_n3A_391 = arith.select %lt3A_387, %add3A_390, %and3A_371 : vector<16xi1>, vector<16xi32>
    %broadcast_in_dim3A_392 = vector.shape_cast %select_n3A_391 : vector<16xi32> to vector<16x1xi32>
    %gather3A_393 = vector.shape_cast %broadcast_in_dim3A_392 : vector<16x1xi32> to vector<16xi32>
    %gather3A_394 = tpu.dynamic_gather %div3A_20[%gather3A_393] in [0] : vector<16xf32>, vector<16xi32> -> vector<16xf32>
    %eq3A_395 = arith.constant 1 : i32
    %eq3A_396 = vector.broadcast %eq3A_395 : i32 to vector<16xi32>
    %eq3A_397 = arith.cmpi eq, %shift_right_arithmetic3A_374, %eq3A_396 : vector<16xi32>
    %select_n3A_398 = arith.select %eq3A_397, %gather3A_394, %gather3A_384 : vector<16xi1>, vector<16xf32>
    %lt3A_399 = arith.constant 0 : i32
    %lt3A_400 = vector.broadcast %lt3A_399 : i32 to vector<16xi32>
    %lt3A_401 = arith.cmpi slt, %and3A_371, %lt3A_400 : vector<16xi32>
    %add3A_402 = arith.constant 16 : i32
    %add3A_403 = vector.broadcast %add3A_402 : i32 to vector<16xi32>
    %add3A_404 = arith.addi %and3A_371, %add3A_403 : vector<16xi32>
    %select_n3A_405 = arith.select %lt3A_401, %add3A_404, %and3A_371 : vector<16xi1>, vector<16xi32>
    %broadcast_in_dim3A_406 = vector.shape_cast %select_n3A_405 : vector<16xi32> to vector<16x1xi32>
    %gather3A_407 = vector.shape_cast %broadcast_in_dim3A_406 : vector<16x1xi32> to vector<16xi32>
    %gather3A_408 = tpu.dynamic_gather %div3A_30[%gather3A_407] in [0] : vector<16xf32>, vector<16xi32> -> vector<16xf32>
    %eq3A_409 = arith.constant 2 : i32
    %eq3A_410 = vector.broadcast %eq3A_409 : i32 to vector<16xi32>
    %eq3A_411 = arith.cmpi eq, %shift_right_arithmetic3A_374, %eq3A_410 : vector<16xi32>
    %select_n3A_412 = arith.select %eq3A_411, %gather3A_408, %select_n3A_398 : vector<16xi1>, vector<16xf32>
    %lt3A_413 = arith.constant 0 : i32
    %lt3A_414 = vector.broadcast %lt3A_413 : i32 to vector<16xi32>
    %lt3A_415 = arith.cmpi slt, %and3A_371, %lt3A_414 : vector<16xi32>
    %add3A_416 = arith.constant 16 : i32
    %add3A_417 = vector.broadcast %add3A_416 : i32 to vector<16xi32>
    %add3A_418 = arith.addi %and3A_371, %add3A_417 : vector<16xi32>
    %select_n3A_419 = arith.select %lt3A_415, %add3A_418, %and3A_371 : vector<16xi1>, vector<16xi32>
    %broadcast_in_dim3A_420 = vector.shape_cast %select_n3A_419 : vector<16xi32> to vector<16x1xi32>
    %gather3A_421 = vector.shape_cast %broadcast_in_dim3A_420 : vector<16x1xi32> to vector<16xi32>
    %gather3A_422 = tpu.dynamic_gather %div3A_40[%gather3A_421] in [0] : vector<16xf32>, vector<16xi32> -> vector<16xf32>
    %eq3A_423 = arith.constant 3 : i32
    %eq3A_424 = vector.broadcast %eq3A_423 : i32 to vector<16xi32>
    %eq3A_425 = arith.cmpi eq, %shift_right_arithmetic3A_374, %eq3A_424 : vector<16xi32>
    %select_n3A_426 = arith.select %eq3A_425, %gather3A_422, %select_n3A_412 : vector<16xi1>, vector<16xf32>
    %get3A_427 = arith.constant 80 : index
    %get3A_428 = tpu.vector_load %arg7[%get3A_427] {strides = array<i32>} : memref<512xf32, #tpu.memory_space<vmem>>, vector<16xf32>,
    %get3A_429 = vector.shape_cast %get3A_428 : vector<16xf32> to vector<16xf32>
    %mul3A_430 = arith.mulf %select_n3A_426, %get3A_429 : vector<16xf32>
    %add3A_431 = arith.addf %add3A_365, %mul3A_430 : vector<16xf32>
    %get3A_432 = arith.constant 96 : index
    %get3A_433 = tpu.vector_load %arg6[%get3A_432] {strides = array<i32>} : memref<512xi32, #tpu.memory_space<vmem>>, vector<16xi32>,
    %get3A_434 = vector.shape_cast %get3A_433 : vector<16xi32> to vector<16xi32>
    %and3A_435 = arith.constant 15 : i32
    %and3A_436 = vector.broadcast %and3A_435 : i32 to vector<16xi32>
    %and3A_437 = arith.andi %get3A_434, %and3A_436 : vector<16xi32>
    %shift_right_arithmetic3A_438 = arith.constant 4 : i32
    %shift_right_arithmetic3A_439 = vector.broadcast %shift_right_arithmetic3A_438 : i32 to vector<16xi32>
    %shift_right_arithmetic3A_440 = arith.shrsi %get3A_434, %shift_right_arithmetic3A_439 : vector<16xi32>
    %lt3A_441 = arith.constant 0 : i32
    %lt3A_442 = vector.broadcast %lt3A_441 : i32 to vector<16xi32>
    %lt3A_443 = arith.cmpi slt, %and3A_437, %lt3A_442 : vector<16xi32>
    %add3A_444 = arith.constant 16 : i32
    %add3A_445 = vector.broadcast %add3A_444 : i32 to vector<16xi32>
    %add3A_446 = arith.addi %and3A_437, %add3A_445 : vector<16xi32>
    %select_n3A_447 = arith.select %lt3A_443, %add3A_446, %and3A_437 : vector<16xi1>, vector<16xi32>
    %broadcast_in_dim3A_448 = vector.shape_cast %select_n3A_447 : vector<16xi32> to vector<16x1xi32>
    %gather3A_449 = vector.shape_cast %broadcast_in_dim3A_448 : vector<16x1xi32> to vector<16xi32>
    %gather3A_450 = tpu.dynamic_gather %div3A_10[%gather3A_449] in [0] : vector<16xf32>, vector<16xi32> -> vector<16xf32>
    %lt3A_451 = arith.constant 0 : i32
    %lt3A_452 = vector.broadcast %lt3A_451 : i32 to vector<16xi32>
    %lt3A_453 = arith.cmpi slt, %and3A_437, %lt3A_452 : vector<16xi32>
    %add3A_454 = arith.constant 16 : i32
    %add3A_455 = vector.broadcast %add3A_454 : i32 to vector<16xi32>
    %add3A_456 = arith.addi %and3A_437, %add3A_455 : vector<16xi32>
    %select_n3A_457 = arith.select %lt3A_453, %add3A_456, %and3A_437 : vector<16xi1>, vector<16xi32>
    %broadcast_in_dim3A_458 = vector.shape_cast %select_n3A_457 : vector<16xi32> to vector<16x1xi32>
    %gather3A_459 = vector.shape_cast %broadcast_in_dim3A_458 : vector<16x1xi32> to vector<16xi32>
    %gather3A_460 = tpu.dynamic_gather %div3A_20[%gather3A_459] in [0] : vector<16xf32>, vector<16xi32> -> vector<16xf32>
    %eq3A_461 = arith.constant 1 : i32
    %eq3A_462 = vector.broadcast %eq3A_461 : i32 to vector<16xi32>
    %eq3A_463 = arith.cmpi eq, %shift_right_arithmetic3A_440, %eq3A_462 : vector<16xi32>
    %select_n3A_464 = arith.select %eq3A_463, %gather3A_460, %gather3A_450 : vector<16xi1>, vector<16xf32>
    %lt3A_465 = arith.constant 0 : i32
    %lt3A_466 = vector.broadcast %lt3A_465 : i32 to vector<16xi32>
    %lt3A_467 = arith.cmpi slt, %and3A_437, %lt3A_466 : vector<16xi32>
    %add3A_468 = arith.constant 16 : i32
    %add3A_469 = vector.broadcast %add3A_468 : i32 to vector<16xi32>
    %add3A_470 = arith.addi %and3A_437, %add3A_469 : vector<16xi32>
    %select_n3A_471 = arith.select %lt3A_467, %add3A_470, %and3A_437 : vector<16xi1>, vector<16xi32>
    %broadcast_in_dim3A_472 = vector.shape_cast %select_n3A_471 : vector<16xi32> to vector<16x1xi32>
    %gather3A_473 = vector.shape_cast %broadcast_in_dim3A_472 : vector<16x1xi32> to vector<16xi32>
    %gather3A_474 = tpu.dynamic_gather %div3A_30[%gather3A_473] in [0] : vector<16xf32>, vector<16xi32> -> vector<16xf32>
    %eq3A_475 = arith.constant 2 : i32
    %eq3A_476 = vector.broadcast %eq3A_475 : i32 to vector<16xi32>
    %eq3A_477 = arith.cmpi eq, %shift_right_arithmetic3A_440, %eq3A_476 : vector<16xi32>
    %select_n3A_478 = arith.select %eq3A_477, %gather3A_474, %select_n3A_464 : vector<16xi1>, vector<16xf32>
    %lt3A_479 = arith.constant 0 : i32
    %lt3A_480 = vector.broadcast %lt3A_479 : i32 to vector<16xi32>
    %lt3A_481 = arith.cmpi slt, %and3A_437, %lt3A_480 : vector<16xi32>
    %add3A_482 = arith.constant 16 : i32
    %add3A_483 = vector.broadcast %add3A_482 : i32 to vector<16xi32>
    %add3A_484 = arith.addi %and3A_437, %add3A_483 : vector<16xi32>
    %select_n3A_485 = arith.select %lt3A_481, %add3A_484, %and3A_437 : vector<16xi1>, vector<16xi32>
    %broadcast_in_dim3A_486 = vector.shape_cast %select_n3A_485 : vector<16xi32> to vector<16x1xi32>
    %gather3A_487 = vector.shape_cast %broadcast_in_dim3A_486 : vector<16x1xi32> to vector<16xi32>
    %gather3A_488 = tpu.dynamic_gather %div3A_40[%gather3A_487] in [0] : vector<16xf32>, vector<16xi32> -> vector<16xf32>
    %eq3A_489 = arith.constant 3 : i32
    %eq3A_490 = vector.broadcast %eq3A_489 : i32 to vector<16xi32>
    %eq3A_491 = arith.cmpi eq, %shift_right_arithmetic3A_440, %eq3A_490 : vector<16xi32>
    %select_n3A_492 = arith.select %eq3A_491, %gather3A_488, %select_n3A_478 : vector<16xi1>, vector<16xf32>
    %get3A_493 = arith.constant 96 : index
    %get3A_494 = tpu.vector_load %arg7[%get3A_493] {strides = array<i32>} : memref<512xf32, #tpu.memory_space<vmem>>, vector<16xf32>,
    %get3A_495 = vector.shape_cast %get3A_494 : vector<16xf32> to vector<16xf32>
    %mul3A_496 = arith.mulf %select_n3A_492, %get3A_495 : vector<16xf32>
    %add3A_497 = arith.addf %add3A_431, %mul3A_496 : vector<16xf32>
    %get3A_498 = arith.constant 112 : index
    %get3A_499 = tpu.vector_load %arg6[%get3A_498] {strides = array<i32>} : memref<512xi32, #tpu.memory_space<vmem>>, vector<16xi32>,
    %get3A_500 = vector.shape_cast %get3A_499 : vector<16xi32> to vector<16xi32>
    %and3A_501 = arith.constant 15 : i32
    %and3A_502 = vector.broadcast %and3A_501 : i32 to vector<16xi32>
    %and3A_503 = arith.andi %get3A_500, %and3A_502 : vector<16xi32>
    %shift_right_arithmetic3A_504 = arith.constant 4 : i32
    %shift_right_arithmetic3A_505 = vector.broadcast %shift_right_arithmetic3A_504 : i32 to vector<16xi32>
    %shift_right_arithmetic3A_506 = arith.shrsi %get3A_500, %shift_right_arithmetic3A_505 : vector<16xi32>
    %lt3A_507 = arith.constant 0 : i32
    %lt3A_508 = vector.broadcast %lt3A_507 : i32 to vector<16xi32>
    %lt3A_509 = arith.cmpi slt, %and3A_503, %lt3A_508 : vector<16xi32>
    %add3A_510 = arith.constant 16 : i32
    %add3A_511 = vector.broadcast %add3A_510 : i32 to vector<16xi32>
    %add3A_512 = arith.addi %and3A_503, %add3A_511 : vector<16xi32>
    %select_n3A_513 = arith.select %lt3A_509, %add3A_512, %and3A_503 : vector<16xi1>, vector<16xi32>
    %broadcast_in_dim3A_514 = vector.shape_cast %select_n3A_513 : vector<16xi32> to vector<16x1xi32>
    %gather3A_515 = vector.shape_cast %broadcast_in_dim3A_514 : vector<16x1xi32> to vector<16xi32>
    %gather3A_516 = tpu.dynamic_gather %div3A_10[%gather3A_515] in [0] : vector<16xf32>, vector<16xi32> -> vector<16xf32>
    %lt3A_517 = arith.constant 0 : i32
    %lt3A_518 = vector.broadcast %lt3A_517 : i32 to vector<16xi32>
    %lt3A_519 = arith.cmpi slt, %and3A_503, %lt3A_518 : vector<16xi32>
    %add3A_520 = arith.constant 16 : i32
    %add3A_521 = vector.broadcast %add3A_520 : i32 to vector<16xi32>
    %add3A_522 = arith.addi %and3A_503, %add3A_521 : vector<16xi32>
    %select_n3A_523 = arith.select %lt3A_519, %add3A_522, %and3A_503 : vector<16xi1>, vector<16xi32>
    %broadcast_in_dim3A_524 = vector.shape_cast %select_n3A_523 : vector<16xi32> to vector<16x1xi32>
    %gather3A_525 = vector.shape_cast %broadcast_in_dim3A_524 : vector<16x1xi32> to vector<16xi32>
    %gather3A_526 = tpu.dynamic_gather %div3A_20[%gather3A_525] in [0] : vector<16xf32>, vector<16xi32> -> vector<16xf32>
    %eq3A_527 = arith.constant 1 : i32
    %eq3A_528 = vector.broadcast %eq3A_527 : i32 to vector<16xi32>
    %eq3A_529 = arith.cmpi eq, %shift_right_arithmetic3A_506, %eq3A_528 : vector<16xi32>
    %select_n3A_530 = arith.select %eq3A_529, %gather3A_526, %gather3A_516 : vector<16xi1>, vector<16xf32>
    %lt3A_531 = arith.constant 0 : i32
    %lt3A_532 = vector.broadcast %lt3A_531 : i32 to vector<16xi32>
    %lt3A_533 = arith.cmpi slt, %and3A_503, %lt3A_532 : vector<16xi32>
    %add3A_534 = arith.constant 16 : i32
    %add3A_535 = vector.broadcast %add3A_534 : i32 to vector<16xi32>
    %add3A_536 = arith.addi %and3A_503, %add3A_535 : vector<16xi32>
    %select_n3A_537 = arith.select %lt3A_533, %add3A_536, %and3A_503 : vector<16xi1>, vector<16xi32>
    %broadcast_in_dim3A_538 = vector.shape_cast %select_n3A_537 : vector<16xi32> to vector<16x1xi32>
    %gather3A_539 = vector.shape_cast %broadcast_in_dim3A_538 : vector<16x1xi32> to vector<16xi32>
    %gather3A_540 = tpu.dynamic_gather %div3A_30[%gather3A_539] in [0] : vector<16xf32>, vector<16xi32> -> vector<16xf32>
    %eq3A_541 = arith.constant 2 : i32
    %eq3A_542 = vector.broadcast %eq3A_541 : i32 to vector<16xi32>
    %eq3A_543 = arith.cmpi eq, %shift_right_arithmetic3A_506, %eq3A_542 : vector<16xi32>
    %select_n3A_544 = arith.select %eq3A_543, %gather3A_540, %select_n3A_530 : vector<16xi1>, vector<16xf32>
    %lt3A_545 = arith.constant 0 : i32
    %lt3A_546 = vector.broadcast %lt3A_545 : i32 to vector<16xi32>
    %lt3A_547 = arith.cmpi slt, %and3A_503, %lt3A_546 : vector<16xi32>
    %add3A_548 = arith.constant 16 : i32
    %add3A_549 = vector.broadcast %add3A_548 : i32 to vector<16xi32>
    %add3A_550 = arith.addi %and3A_503, %add3A_549 : vector<16xi32>
    %select_n3A_551 = arith.select %lt3A_547, %add3A_550, %and3A_503 : vector<16xi1>, vector<16xi32>
    %broadcast_in_dim3A_552 = vector.shape_cast %select_n3A_551 : vector<16xi32> to vector<16x1xi32>
    %gather3A_553 = vector.shape_cast %broadcast_in_dim3A_552 : vector<16x1xi32> to vector<16xi32>
    %gather3A_554 = tpu.dynamic_gather %div3A_40[%gather3A_553] in [0] : vector<16xf32>, vector<16xi32> -> vector<16xf32>
    %eq3A_555 = arith.constant 3 : i32
    %eq3A_556 = vector.broadcast %eq3A_555 : i32 to vector<16xi32>
    %eq3A_557 = arith.cmpi eq, %shift_right_arithmetic3A_506, %eq3A_556 : vector<16xi32>
    %select_n3A_558 = arith.select %eq3A_557, %gather3A_554, %select_n3A_544 : vector<16xi1>, vector<16xf32>
    %get3A_559 = arith.constant 112 : index
    %get3A_560 = tpu.vector_load %arg7[%get3A_559] {strides = array<i32>} : memref<512xf32, #tpu.memory_space<vmem>>, vector<16xf32>,
    %get3A_561 = vector.shape_cast %get3A_560 : vector<16xf32> to vector<16xf32>
    %mul3A_562 = arith.mulf %select_n3A_558, %get3A_561 : vector<16xf32>
    %add3A_563 = arith.addf %add3A_497, %mul3A_562 : vector<16xf32>
    %get3A_564 = arith.constant 128 : index
    %get3A_565 = tpu.vector_load %arg6[%get3A_564] {strides = array<i32>} : memref<512xi32, #tpu.memory_space<vmem>>, vector<16xi32>,
    %get3A_566 = vector.shape_cast %get3A_565 : vector<16xi32> to vector<16xi32>
    %and3A_567 = arith.constant 15 : i32
    %and3A_568 = vector.broadcast %and3A_567 : i32 to vector<16xi32>
    %and3A_569 = arith.andi %get3A_566, %and3A_568 : vector<16xi32>
    %shift_right_arithmetic3A_570 = arith.constant 4 : i32
    %shift_right_arithmetic3A_571 = vector.broadcast %shift_right_arithmetic3A_570 : i32 to vector<16xi32>
    %shift_right_arithmetic3A_572 = arith.shrsi %get3A_566, %shift_right_arithmetic3A_571 : vector<16xi32>
    %lt3A_573 = arith.constant 0 : i32
    %lt3A_574 = vector.broadcast %lt3A_573 : i32 to vector<16xi32>
    %lt3A_575 = arith.cmpi slt, %and3A_569, %lt3A_574 : vector<16xi32>
    %add3A_576 = arith.constant 16 : i32
    %add3A_577 = vector.broadcast %add3A_576 : i32 to vector<16xi32>
    %add3A_578 = arith.addi %and3A_569, %add3A_577 : vector<16xi32>
    %select_n3A_579 = arith.select %lt3A_575, %add3A_578, %and3A_569 : vector<16xi1>, vector<16xi32>
    %broadcast_in_dim3A_580 = vector.shape_cast %select_n3A_579 : vector<16xi32> to vector<16x1xi32>
    %gather3A_581 = vector.shape_cast %broadcast_in_dim3A_580 : vector<16x1xi32> to vector<16xi32>
    %gather3A_582 = tpu.dynamic_gather %div3A_10[%gather3A_581] in [0] : vector<16xf32>, vector<16xi32> -> vector<16xf32>
    %lt3A_583 = arith.constant 0 : i32
    %lt3A_584 = vector.broadcast %lt3A_583 : i32 to vector<16xi32>
    %lt3A_585 = arith.cmpi slt, %and3A_569, %lt3A_584 : vector<16xi32>
    %add3A_586 = arith.constant 16 : i32
    %add3A_587 = vector.broadcast %add3A_586 : i32 to vector<16xi32>
    %add3A_588 = arith.addi %and3A_569, %add3A_587 : vector<16xi32>
    %select_n3A_589 = arith.select %lt3A_585, %add3A_588, %and3A_569 : vector<16xi1>, vector<16xi32>
    %broadcast_in_dim3A_590 = vector.shape_cast %select_n3A_589 : vector<16xi32> to vector<16x1xi32>
    %gather3A_591 = vector.shape_cast %broadcast_in_dim3A_590 : vector<16x1xi32> to vector<16xi32>
    %gather3A_592 = tpu.dynamic_gather %div3A_20[%gather3A_591] in [0] : vector<16xf32>, vector<16xi32> -> vector<16xf32>
    %eq3A_593 = arith.constant 1 : i32
    %eq3A_594 = vector.broadcast %eq3A_593 : i32 to vector<16xi32>
    %eq3A_595 = arith.cmpi eq, %shift_right_arithmetic3A_572, %eq3A_594 : vector<16xi32>
    %select_n3A_596 = arith.select %eq3A_595, %gather3A_592, %gather3A_582 : vector<16xi1>, vector<16xf32>
    %lt3A_597 = arith.constant 0 : i32
    %lt3A_598 = vector.broadcast %lt3A_597 : i32 to vector<16xi32>
    %lt3A_599 = arith.cmpi slt, %and3A_569, %lt3A_598 : vector<16xi32>
    %add3A_600 = arith.constant 16 : i32
    %add3A_601 = vector.broadcast %add3A_600 : i32 to vector<16xi32>
    %add3A_602 = arith.addi %and3A_569, %add3A_601 : vector<16xi32>
    %select_n3A_603 = arith.select %lt3A_599, %add3A_602, %and3A_569 : vector<16xi1>, vector<16xi32>
    %broadcast_in_dim3A_604 = vector.shape_cast %select_n3A_603 : vector<16xi32> to vector<16x1xi32>
    %gather3A_605 = vector.shape_cast %broadcast_in_dim3A_604 : vector<16x1xi32> to vector<16xi32>
    %gather3A_606 = tpu.dynamic_gather %div3A_30[%gather3A_605] in [0] : vector<16xf32>, vector<16xi32> -> vector<16xf32>
    %eq3A_607 = arith.constant 2 : i32
    %eq3A_608 = vector.broadcast %eq3A_607 : i32 to vector<16xi32>
    %eq3A_609 = arith.cmpi eq, %shift_right_arithmetic3A_572, %eq3A_608 : vector<16xi32>
    %select_n3A_610 = arith.select %eq3A_609, %gather3A_606, %select_n3A_596 : vector<16xi1>, vector<16xf32>
    %lt3A_611 = arith.constant 0 : i32
    %lt3A_612 = vector.broadcast %lt3A_611 : i32 to vector<16xi32>
    %lt3A_613 = arith.cmpi slt, %and3A_569, %lt3A_612 : vector<16xi32>
    %add3A_614 = arith.constant 16 : i32
    %add3A_615 = vector.broadcast %add3A_614 : i32 to vector<16xi32>
    %add3A_616 = arith.addi %and3A_569, %add3A_615 : vector<16xi32>
    %select_n3A_617 = arith.select %lt3A_613, %add3A_616, %and3A_569 : vector<16xi1>, vector<16xi32>
    %broadcast_in_dim3A_618 = vector.shape_cast %select_n3A_617 : vector<16xi32> to vector<16x1xi32>
    %gather3A_619 = vector.shape_cast %broadcast_in_dim3A_618 : vector<16x1xi32> to vector<16xi32>
    %gather3A_620 = tpu.dynamic_gather %div3A_40[%gather3A_619] in [0] : vector<16xf32>, vector<16xi32> -> vector<16xf32>
    %eq3A_621 = arith.constant 3 : i32
    %eq3A_622 = vector.broadcast %eq3A_621 : i32 to vector<16xi32>
    %eq3A_623 = arith.cmpi eq, %shift_right_arithmetic3A_572, %eq3A_622 : vector<16xi32>
    %select_n3A_624 = arith.select %eq3A_623, %gather3A_620, %select_n3A_610 : vector<16xi1>, vector<16xf32>
    %get3A_625 = arith.constant 128 : index
    %get3A_626 = tpu.vector_load %arg7[%get3A_625] {strides = array<i32>} : memref<512xf32, #tpu.memory_space<vmem>>, vector<16xf32>,
    %get3A_627 = vector.shape_cast %get3A_626 : vector<16xf32> to vector<16xf32>
    %mul3A_628 = arith.mulf %select_n3A_624, %get3A_627 : vector<16xf32>
    %add3A_629 = arith.addf %add3A_563, %mul3A_628 : vector<16xf32>
    %get3A_630 = arith.constant 144 : index
    %get3A_631 = tpu.vector_load %arg6[%get3A_630] {strides = array<i32>} : memref<512xi32, #tpu.memory_space<vmem>>, vector<16xi32>,
    %get3A_632 = vector.shape_cast %get3A_631 : vector<16xi32> to vector<16xi32>
    %and3A_633 = arith.constant 15 : i32
    %and3A_634 = vector.broadcast %and3A_633 : i32 to vector<16xi32>
    %and3A_635 = arith.andi %get3A_632, %and3A_634 : vector<16xi32>
    %shift_right_arithmetic3A_636 = arith.constant 4 : i32
    %shift_right_arithmetic3A_637 = vector.broadcast %shift_right_arithmetic3A_636 : i32 to vector<16xi32>
    %shift_right_arithmetic3A_638 = arith.shrsi %get3A_632, %shift_right_arithmetic3A_637 : vector<16xi32>
    %lt3A_639 = arith.constant 0 : i32
    %lt3A_640 = vector.broadcast %lt3A_639 : i32 to vector<16xi32>
    %lt3A_641 = arith.cmpi slt, %and3A_635, %lt3A_640 : vector<16xi32>
    %add3A_642 = arith.constant 16 : i32
    %add3A_643 = vector.broadcast %add3A_642 : i32 to vector<16xi32>
    %add3A_644 = arith.addi %and3A_635, %add3A_643 : vector<16xi32>
    %select_n3A_645 = arith.select %lt3A_641, %add3A_644, %and3A_635 : vector<16xi1>, vector<16xi32>
    %broadcast_in_dim3A_646 = vector.shape_cast %select_n3A_645 : vector<16xi32> to vector<16x1xi32>
    %gather3A_647 = vector.shape_cast %broadcast_in_dim3A_646 : vector<16x1xi32> to vector<16xi32>
    %gather3A_648 = tpu.dynamic_gather %div3A_10[%gather3A_647] in [0] : vector<16xf32>, vector<16xi32> -> vector<16xf32>
    %lt3A_649 = arith.constant 0 : i32
    %lt3A_650 = vector.broadcast %lt3A_649 : i32 to vector<16xi32>
    %lt3A_651 = arith.cmpi slt, %and3A_635, %lt3A_650 : vector<16xi32>
    %add3A_652 = arith.constant 16 : i32
    %add3A_653 = vector.broadcast %add3A_652 : i32 to vector<16xi32>
    %add3A_654 = arith.addi %and3A_635, %add3A_653 : vector<16xi32>
    %select_n3A_655 = arith.select %lt3A_651, %add3A_654, %and3A_635 : vector<16xi1>, vector<16xi32>
    %broadcast_in_dim3A_656 = vector.shape_cast %select_n3A_655 : vector<16xi32> to vector<16x1xi32>
    %gather3A_657 = vector.shape_cast %broadcast_in_dim3A_656 : vector<16x1xi32> to vector<16xi32>
    %gather3A_658 = tpu.dynamic_gather %div3A_20[%gather3A_657] in [0] : vector<16xf32>, vector<16xi32> -> vector<16xf32>
    %eq3A_659 = arith.constant 1 : i32
    %eq3A_660 = vector.broadcast %eq3A_659 : i32 to vector<16xi32>
    %eq3A_661 = arith.cmpi eq, %shift_right_arithmetic3A_638, %eq3A_660 : vector<16xi32>
    %select_n3A_662 = arith.select %eq3A_661, %gather3A_658, %gather3A_648 : vector<16xi1>, vector<16xf32>
    %lt3A_663 = arith.constant 0 : i32
    %lt3A_664 = vector.broadcast %lt3A_663 : i32 to vector<16xi32>
    %lt3A_665 = arith.cmpi slt, %and3A_635, %lt3A_664 : vector<16xi32>
    %add3A_666 = arith.constant 16 : i32
    %add3A_667 = vector.broadcast %add3A_666 : i32 to vector<16xi32>
    %add3A_668 = arith.addi %and3A_635, %add3A_667 : vector<16xi32>
    %select_n3A_669 = arith.select %lt3A_665, %add3A_668, %and3A_635 : vector<16xi1>, vector<16xi32>
    %broadcast_in_dim3A_670 = vector.shape_cast %select_n3A_669 : vector<16xi32> to vector<16x1xi32>
    %gather3A_671 = vector.shape_cast %broadcast_in_dim3A_670 : vector<16x1xi32> to vector<16xi32>
    %gather3A_672 = tpu.dynamic_gather %div3A_30[%gather3A_671] in [0] : vector<16xf32>, vector<16xi32> -> vector<16xf32>
    %eq3A_673 = arith.constant 2 : i32
    %eq3A_674 = vector.broadcast %eq3A_673 : i32 to vector<16xi32>
    %eq3A_675 = arith.cmpi eq, %shift_right_arithmetic3A_638, %eq3A_674 : vector<16xi32>
    %select_n3A_676 = arith.select %eq3A_675, %gather3A_672, %select_n3A_662 : vector<16xi1>, vector<16xf32>
    %lt3A_677 = arith.constant 0 : i32
    %lt3A_678 = vector.broadcast %lt3A_677 : i32 to vector<16xi32>
    %lt3A_679 = arith.cmpi slt, %and3A_635, %lt3A_678 : vector<16xi32>
    %add3A_680 = arith.constant 16 : i32
    %add3A_681 = vector.broadcast %add3A_680 : i32 to vector<16xi32>
    %add3A_682 = arith.addi %and3A_635, %add3A_681 : vector<16xi32>
    %select_n3A_683 = arith.select %lt3A_679, %add3A_682, %and3A_635 : vector<16xi1>, vector<16xi32>
    %broadcast_in_dim3A_684 = vector.shape_cast %select_n3A_683 : vector<16xi32> to vector<16x1xi32>
    %gather3A_685 = vector.shape_cast %broadcast_in_dim3A_684 : vector<16x1xi32> to vector<16xi32>
    %gather3A_686 = tpu.dynamic_gather %div3A_40[%gather3A_685] in [0] : vector<16xf32>, vector<16xi32> -> vector<16xf32>
    %eq3A_687 = arith.constant 3 : i32
    %eq3A_688 = vector.broadcast %eq3A_687 : i32 to vector<16xi32>
    %eq3A_689 = arith.cmpi eq, %shift_right_arithmetic3A_638, %eq3A_688 : vector<16xi32>
    %select_n3A_690 = arith.select %eq3A_689, %gather3A_686, %select_n3A_676 : vector<16xi1>, vector<16xf32>
    %get3A_691 = arith.constant 144 : index
    %get3A_692 = tpu.vector_load %arg7[%get3A_691] {strides = array<i32>} : memref<512xf32, #tpu.memory_space<vmem>>, vector<16xf32>,
    %get3A_693 = vector.shape_cast %get3A_692 : vector<16xf32> to vector<16xf32>
    %mul3A_694 = arith.mulf %select_n3A_690, %get3A_693 : vector<16xf32>
    %add3A_695 = arith.addf %add3A_629, %mul3A_694 : vector<16xf32>
    %get3A_696 = arith.constant 160 : index
    %get3A_697 = tpu.vector_load %arg6[%get3A_696] {strides = array<i32>} : memref<512xi32, #tpu.memory_space<vmem>>, vector<16xi32>,
    %get3A_698 = vector.shape_cast %get3A_697 : vector<16xi32> to vector<16xi32>
    %and3A_699 = arith.constant 15 : i32
    %and3A_700 = vector.broadcast %and3A_699 : i32 to vector<16xi32>
    %and3A_701 = arith.andi %get3A_698, %and3A_700 : vector<16xi32>
    %shift_right_arithmetic3A_702 = arith.constant 4 : i32
    %shift_right_arithmetic3A_703 = vector.broadcast %shift_right_arithmetic3A_702 : i32 to vector<16xi32>
    %shift_right_arithmetic3A_704 = arith.shrsi %get3A_698, %shift_right_arithmetic3A_703 : vector<16xi32>
    %lt3A_705 = arith.constant 0 : i32
    %lt3A_706 = vector.broadcast %lt3A_705 : i32 to vector<16xi32>
    %lt3A_707 = arith.cmpi slt, %and3A_701, %lt3A_706 : vector<16xi32>
    %add3A_708 = arith.constant 16 : i32
    %add3A_709 = vector.broadcast %add3A_708 : i32 to vector<16xi32>
    %add3A_710 = arith.addi %and3A_701, %add3A_709 : vector<16xi32>
    %select_n3A_711 = arith.select %lt3A_707, %add3A_710, %and3A_701 : vector<16xi1>, vector<16xi32>
    %broadcast_in_dim3A_712 = vector.shape_cast %select_n3A_711 : vector<16xi32> to vector<16x1xi32>
    %gather3A_713 = vector.shape_cast %broadcast_in_dim3A_712 : vector<16x1xi32> to vector<16xi32>
    %gather3A_714 = tpu.dynamic_gather %div3A_10[%gather3A_713] in [0] : vector<16xf32>, vector<16xi32> -> vector<16xf32>
    %lt3A_715 = arith.constant 0 : i32
    %lt3A_716 = vector.broadcast %lt3A_715 : i32 to vector<16xi32>
    %lt3A_717 = arith.cmpi slt, %and3A_701, %lt3A_716 : vector<16xi32>
    %add3A_718 = arith.constant 16 : i32
    %add3A_719 = vector.broadcast %add3A_718 : i32 to vector<16xi32>
    %add3A_720 = arith.addi %and3A_701, %add3A_719 : vector<16xi32>
    %select_n3A_721 = arith.select %lt3A_717, %add3A_720, %and3A_701 : vector<16xi1>, vector<16xi32>
    %broadcast_in_dim3A_722 = vector.shape_cast %select_n3A_721 : vector<16xi32> to vector<16x1xi32>
    %gather3A_723 = vector.shape_cast %broadcast_in_dim3A_722 : vector<16x1xi32> to vector<16xi32>
    %gather3A_724 = tpu.dynamic_gather %div3A_20[%gather3A_723] in [0] : vector<16xf32>, vector<16xi32> -> vector<16xf32>
    %eq3A_725 = arith.constant 1 : i32
    %eq3A_726 = vector.broadcast %eq3A_725 : i32 to vector<16xi32>
    %eq3A_727 = arith.cmpi eq, %shift_right_arithmetic3A_704, %eq3A_726 : vector<16xi32>
    %select_n3A_728 = arith.select %eq3A_727, %gather3A_724, %gather3A_714 : vector<16xi1>, vector<16xf32>
    %lt3A_729 = arith.constant 0 : i32
    %lt3A_730 = vector.broadcast %lt3A_729 : i32 to vector<16xi32>
    %lt3A_731 = arith.cmpi slt, %and3A_701, %lt3A_730 : vector<16xi32>
    %add3A_732 = arith.constant 16 : i32
    %add3A_733 = vector.broadcast %add3A_732 : i32 to vector<16xi32>
    %add3A_734 = arith.addi %and3A_701, %add3A_733 : vector<16xi32>
    %select_n3A_735 = arith.select %lt3A_731, %add3A_734, %and3A_701 : vector<16xi1>, vector<16xi32>
    %broadcast_in_dim3A_736 = vector.shape_cast %select_n3A_735 : vector<16xi32> to vector<16x1xi32>
    %gather3A_737 = vector.shape_cast %broadcast_in_dim3A_736 : vector<16x1xi32> to vector<16xi32>
    %gather3A_738 = tpu.dynamic_gather %div3A_30[%gather3A_737] in [0] : vector<16xf32>, vector<16xi32> -> vector<16xf32>
    %eq3A_739 = arith.constant 2 : i32
    %eq3A_740 = vector.broadcast %eq3A_739 : i32 to vector<16xi32>
    %eq3A_741 = arith.cmpi eq, %shift_right_arithmetic3A_704, %eq3A_740 : vector<16xi32>
    %select_n3A_742 = arith.select %eq3A_741, %gather3A_738, %select_n3A_728 : vector<16xi1>, vector<16xf32>
    %lt3A_743 = arith.constant 0 : i32
    %lt3A_744 = vector.broadcast %lt3A_743 : i32 to vector<16xi32>
    %lt3A_745 = arith.cmpi slt, %and3A_701, %lt3A_744 : vector<16xi32>
    %add3A_746 = arith.constant 16 : i32
    %add3A_747 = vector.broadcast %add3A_746 : i32 to vector<16xi32>
    %add3A_748 = arith.addi %and3A_701, %add3A_747 : vector<16xi32>
    %select_n3A_749 = arith.select %lt3A_745, %add3A_748, %and3A_701 : vector<16xi1>, vector<16xi32>
    %broadcast_in_dim3A_750 = vector.shape_cast %select_n3A_749 : vector<16xi32> to vector<16x1xi32>
    %gather3A_751 = vector.shape_cast %broadcast_in_dim3A_750 : vector<16x1xi32> to vector<16xi32>
    %gather3A_752 = tpu.dynamic_gather %div3A_40[%gather3A_751] in [0] : vector<16xf32>, vector<16xi32> -> vector<16xf32>
    %eq3A_753 = arith.constant 3 : i32
    %eq3A_754 = vector.broadcast %eq3A_753 : i32 to vector<16xi32>
    %eq3A_755 = arith.cmpi eq, %shift_right_arithmetic3A_704, %eq3A_754 : vector<16xi32>
    %select_n3A_756 = arith.select %eq3A_755, %gather3A_752, %select_n3A_742 : vector<16xi1>, vector<16xf32>
    %get3A_757 = arith.constant 160 : index
    %get3A_758 = tpu.vector_load %arg7[%get3A_757] {strides = array<i32>} : memref<512xf32, #tpu.memory_space<vmem>>, vector<16xf32>,
    %get3A_759 = vector.shape_cast %get3A_758 : vector<16xf32> to vector<16xf32>
    %mul3A_760 = arith.mulf %select_n3A_756, %get3A_759 : vector<16xf32>
    %add3A_761 = arith.addf %add3A_695, %mul3A_760 : vector<16xf32>
    %get3A_762 = arith.constant 176 : index
    %get3A_763 = tpu.vector_load %arg6[%get3A_762] {strides = array<i32>} : memref<512xi32, #tpu.memory_space<vmem>>, vector<16xi32>,
    %get3A_764 = vector.shape_cast %get3A_763 : vector<16xi32> to vector<16xi32>
    %and3A_765 = arith.constant 15 : i32
    %and3A_766 = vector.broadcast %and3A_765 : i32 to vector<16xi32>
    %and3A_767 = arith.andi %get3A_764, %and3A_766 : vector<16xi32>
    %shift_right_arithmetic3A_768 = arith.constant 4 : i32
    %shift_right_arithmetic3A_769 = vector.broadcast %shift_right_arithmetic3A_768 : i32 to vector<16xi32>
    %shift_right_arithmetic3A_770 = arith.shrsi %get3A_764, %shift_right_arithmetic3A_769 : vector<16xi32>
    %lt3A_771 = arith.constant 0 : i32
    %lt3A_772 = vector.broadcast %lt3A_771 : i32 to vector<16xi32>
    %lt3A_773 = arith.cmpi slt, %and3A_767, %lt3A_772 : vector<16xi32>
    %add3A_774 = arith.constant 16 : i32
    %add3A_775 = vector.broadcast %add3A_774 : i32 to vector<16xi32>
    %add3A_776 = arith.addi %and3A_767, %add3A_775 : vector<16xi32>
    %select_n3A_777 = arith.select %lt3A_773, %add3A_776, %and3A_767 : vector<16xi1>, vector<16xi32>
    %broadcast_in_dim3A_778 = vector.shape_cast %select_n3A_777 : vector<16xi32> to vector<16x1xi32>
    %gather3A_779 = vector.shape_cast %broadcast_in_dim3A_778 : vector<16x1xi32> to vector<16xi32>
    %gather3A_780 = tpu.dynamic_gather %div3A_10[%gather3A_779] in [0] : vector<16xf32>, vector<16xi32> -> vector<16xf32>
    %lt3A_781 = arith.constant 0 : i32
    %lt3A_782 = vector.broadcast %lt3A_781 : i32 to vector<16xi32>
    %lt3A_783 = arith.cmpi slt, %and3A_767, %lt3A_782 : vector<16xi32>
    %add3A_784 = arith.constant 16 : i32
    %add3A_785 = vector.broadcast %add3A_784 : i32 to vector<16xi32>
    %add3A_786 = arith.addi %and3A_767, %add3A_785 : vector<16xi32>
    %select_n3A_787 = arith.select %lt3A_783, %add3A_786, %and3A_767 : vector<16xi1>, vector<16xi32>
    %broadcast_in_dim3A_788 = vector.shape_cast %select_n3A_787 : vector<16xi32> to vector<16x1xi32>
    %gather3A_789 = vector.shape_cast %broadcast_in_dim3A_788 : vector<16x1xi32> to vector<16xi32>
    %gather3A_790 = tpu.dynamic_gather %div3A_20[%gather3A_789] in [0] : vector<16xf32>, vector<16xi32> -> vector<16xf32>
    %eq3A_791 = arith.constant 1 : i32
    %eq3A_792 = vector.broadcast %eq3A_791 : i32 to vector<16xi32>
    %eq3A_793 = arith.cmpi eq, %shift_right_arithmetic3A_770, %eq3A_792 : vector<16xi32>
    %select_n3A_794 = arith.select %eq3A_793, %gather3A_790, %gather3A_780 : vector<16xi1>, vector<16xf32>
    %lt3A_795 = arith.constant 0 : i32
    %lt3A_796 = vector.broadcast %lt3A_795 : i32 to vector<16xi32>
    %lt3A_797 = arith.cmpi slt, %and3A_767, %lt3A_796 : vector<16xi32>
    %add3A_798 = arith.constant 16 : i32
    %add3A_799 = vector.broadcast %add3A_798 : i32 to vector<16xi32>
    %add3A_800 = arith.addi %and3A_767, %add3A_799 : vector<16xi32>
    %select_n3A_801 = arith.select %lt3A_797, %add3A_800, %and3A_767 : vector<16xi1>, vector<16xi32>
    %broadcast_in_dim3A_802 = vector.shape_cast %select_n3A_801 : vector<16xi32> to vector<16x1xi32>
    %gather3A_803 = vector.shape_cast %broadcast_in_dim3A_802 : vector<16x1xi32> to vector<16xi32>
    %gather3A_804 = tpu.dynamic_gather %div3A_30[%gather3A_803] in [0] : vector<16xf32>, vector<16xi32> -> vector<16xf32>
    %eq3A_805 = arith.constant 2 : i32
    %eq3A_806 = vector.broadcast %eq3A_805 : i32 to vector<16xi32>
    %eq3A_807 = arith.cmpi eq, %shift_right_arithmetic3A_770, %eq3A_806 : vector<16xi32>
    %select_n3A_808 = arith.select %eq3A_807, %gather3A_804, %select_n3A_794 : vector<16xi1>, vector<16xf32>
    %lt3A_809 = arith.constant 0 : i32
    %lt3A_810 = vector.broadcast %lt3A_809 : i32 to vector<16xi32>
    %lt3A_811 = arith.cmpi slt, %and3A_767, %lt3A_810 : vector<16xi32>
    %add3A_812 = arith.constant 16 : i32
    %add3A_813 = vector.broadcast %add3A_812 : i32 to vector<16xi32>
    %add3A_814 = arith.addi %and3A_767, %add3A_813 : vector<16xi32>
    %select_n3A_815 = arith.select %lt3A_811, %add3A_814, %and3A_767 : vector<16xi1>, vector<16xi32>
    %broadcast_in_dim3A_816 = vector.shape_cast %select_n3A_815 : vector<16xi32> to vector<16x1xi32>
    %gather3A_817 = vector.shape_cast %broadcast_in_dim3A_816 : vector<16x1xi32> to vector<16xi32>
    %gather3A_818 = tpu.dynamic_gather %div3A_40[%gather3A_817] in [0] : vector<16xf32>, vector<16xi32> -> vector<16xf32>
    %eq3A_819 = arith.constant 3 : i32
    %eq3A_820 = vector.broadcast %eq3A_819 : i32 to vector<16xi32>
    %eq3A_821 = arith.cmpi eq, %shift_right_arithmetic3A_770, %eq3A_820 : vector<16xi32>
    %select_n3A_822 = arith.select %eq3A_821, %gather3A_818, %select_n3A_808 : vector<16xi1>, vector<16xf32>
    %get3A_823 = arith.constant 176 : index
    %get3A_824 = tpu.vector_load %arg7[%get3A_823] {strides = array<i32>} : memref<512xf32, #tpu.memory_space<vmem>>, vector<16xf32>,
    %get3A_825 = vector.shape_cast %get3A_824 : vector<16xf32> to vector<16xf32>
    %mul3A_826 = arith.mulf %select_n3A_822, %get3A_825 : vector<16xf32>
    %add3A_827 = arith.addf %add3A_761, %mul3A_826 : vector<16xf32>
    %get3A_828 = arith.constant 192 : index
    %get3A_829 = tpu.vector_load %arg6[%get3A_828] {strides = array<i32>} : memref<512xi32, #tpu.memory_space<vmem>>, vector<16xi32>,
    %get3A_830 = vector.shape_cast %get3A_829 : vector<16xi32> to vector<16xi32>
    %and3A_831 = arith.constant 15 : i32
    %and3A_832 = vector.broadcast %and3A_831 : i32 to vector<16xi32>
    %and3A_833 = arith.andi %get3A_830, %and3A_832 : vector<16xi32>
    %shift_right_arithmetic3A_834 = arith.constant 4 : i32
    %shift_right_arithmetic3A_835 = vector.broadcast %shift_right_arithmetic3A_834 : i32 to vector<16xi32>
    %shift_right_arithmetic3A_836 = arith.shrsi %get3A_830, %shift_right_arithmetic3A_835 : vector<16xi32>
    %lt3A_837 = arith.constant 0 : i32
    %lt3A_838 = vector.broadcast %lt3A_837 : i32 to vector<16xi32>
    %lt3A_839 = arith.cmpi slt, %and3A_833, %lt3A_838 : vector<16xi32>
    %add3A_840 = arith.constant 16 : i32
    %add3A_841 = vector.broadcast %add3A_840 : i32 to vector<16xi32>
    %add3A_842 = arith.addi %and3A_833, %add3A_841 : vector<16xi32>
    %select_n3A_843 = arith.select %lt3A_839, %add3A_842, %and3A_833 : vector<16xi1>, vector<16xi32>
    %broadcast_in_dim3A_844 = vector.shape_cast %select_n3A_843 : vector<16xi32> to vector<16x1xi32>
    %gather3A_845 = vector.shape_cast %broadcast_in_dim3A_844 : vector<16x1xi32> to vector<16xi32>
    %gather3A_846 = tpu.dynamic_gather %div3A_10[%gather3A_845] in [0] : vector<16xf32>, vector<16xi32> -> vector<16xf32>
    %lt3A_847 = arith.constant 0 : i32
    %lt3A_848 = vector.broadcast %lt3A_847 : i32 to vector<16xi32>
    %lt3A_849 = arith.cmpi slt, %and3A_833, %lt3A_848 : vector<16xi32>
    %add3A_850 = arith.constant 16 : i32
    %add3A_851 = vector.broadcast %add3A_850 : i32 to vector<16xi32>
    %add3A_852 = arith.addi %and3A_833, %add3A_851 : vector<16xi32>
    %select_n3A_853 = arith.select %lt3A_849, %add3A_852, %and3A_833 : vector<16xi1>, vector<16xi32>
    %broadcast_in_dim3A_854 = vector.shape_cast %select_n3A_853 : vector<16xi32> to vector<16x1xi32>
    %gather3A_855 = vector.shape_cast %broadcast_in_dim3A_854 : vector<16x1xi32> to vector<16xi32>
    %gather3A_856 = tpu.dynamic_gather %div3A_20[%gather3A_855] in [0] : vector<16xf32>, vector<16xi32> -> vector<16xf32>
    %eq3A_857 = arith.constant 1 : i32
    %eq3A_858 = vector.broadcast %eq3A_857 : i32 to vector<16xi32>
    %eq3A_859 = arith.cmpi eq, %shift_right_arithmetic3A_836, %eq3A_858 : vector<16xi32>
    %select_n3A_860 = arith.select %eq3A_859, %gather3A_856, %gather3A_846 : vector<16xi1>, vector<16xf32>
    %lt3A_861 = arith.constant 0 : i32
    %lt3A_862 = vector.broadcast %lt3A_861 : i32 to vector<16xi32>
    %lt3A_863 = arith.cmpi slt, %and3A_833, %lt3A_862 : vector<16xi32>
    %add3A_864 = arith.constant 16 : i32
    %add3A_865 = vector.broadcast %add3A_864 : i32 to vector<16xi32>
    %add3A_866 = arith.addi %and3A_833, %add3A_865 : vector<16xi32>
    %select_n3A_867 = arith.select %lt3A_863, %add3A_866, %and3A_833 : vector<16xi1>, vector<16xi32>
    %broadcast_in_dim3A_868 = vector.shape_cast %select_n3A_867 : vector<16xi32> to vector<16x1xi32>
    %gather3A_869 = vector.shape_cast %broadcast_in_dim3A_868 : vector<16x1xi32> to vector<16xi32>
    %gather3A_870 = tpu.dynamic_gather %div3A_30[%gather3A_869] in [0] : vector<16xf32>, vector<16xi32> -> vector<16xf32>
    %eq3A_871 = arith.constant 2 : i32
    %eq3A_872 = vector.broadcast %eq3A_871 : i32 to vector<16xi32>
    %eq3A_873 = arith.cmpi eq, %shift_right_arithmetic3A_836, %eq3A_872 : vector<16xi32>
    %select_n3A_874 = arith.select %eq3A_873, %gather3A_870, %select_n3A_860 : vector<16xi1>, vector<16xf32>
    %lt3A_875 = arith.constant 0 : i32
    %lt3A_876 = vector.broadcast %lt3A_875 : i32 to vector<16xi32>
    %lt3A_877 = arith.cmpi slt, %and3A_833, %lt3A_876 : vector<16xi32>
    %add3A_878 = arith.constant 16 : i32
    %add3A_879 = vector.broadcast %add3A_878 : i32 to vector<16xi32>
    %add3A_880 = arith.addi %and3A_833, %add3A_879 : vector<16xi32>
    %select_n3A_881 = arith.select %lt3A_877, %add3A_880, %and3A_833 : vector<16xi1>, vector<16xi32>
    %broadcast_in_dim3A_882 = vector.shape_cast %select_n3A_881 : vector<16xi32> to vector<16x1xi32>
    %gather3A_883 = vector.shape_cast %broadcast_in_dim3A_882 : vector<16x1xi32> to vector<16xi32>
    %gather3A_884 = tpu.dynamic_gather %div3A_40[%gather3A_883] in [0] : vector<16xf32>, vector<16xi32> -> vector<16xf32>
    %eq3A_885 = arith.constant 3 : i32
    %eq3A_886 = vector.broadcast %eq3A_885 : i32 to vector<16xi32>
    %eq3A_887 = arith.cmpi eq, %shift_right_arithmetic3A_836, %eq3A_886 : vector<16xi32>
    %select_n3A_888 = arith.select %eq3A_887, %gather3A_884, %select_n3A_874 : vector<16xi1>, vector<16xf32>
    %get3A_889 = arith.constant 192 : index
    %get3A_890 = tpu.vector_load %arg7[%get3A_889] {strides = array<i32>} : memref<512xf32, #tpu.memory_space<vmem>>, vector<16xf32>,
    %get3A_891 = vector.shape_cast %get3A_890 : vector<16xf32> to vector<16xf32>
    %mul3A_892 = arith.mulf %select_n3A_888, %get3A_891 : vector<16xf32>
    %add3A_893 = arith.addf %add3A_827, %mul3A_892 : vector<16xf32>
    %get3A_894 = arith.constant 208 : index
    %get3A_895 = tpu.vector_load %arg6[%get3A_894] {strides = array<i32>} : memref<512xi32, #tpu.memory_space<vmem>>, vector<16xi32>,
    %get3A_896 = vector.shape_cast %get3A_895 : vector<16xi32> to vector<16xi32>
    %and3A_897 = arith.constant 15 : i32
    %and3A_898 = vector.broadcast %and3A_897 : i32 to vector<16xi32>
    %and3A_899 = arith.andi %get3A_896, %and3A_898 : vector<16xi32>
    %shift_right_arithmetic3A_900 = arith.constant 4 : i32
    %shift_right_arithmetic3A_901 = vector.broadcast %shift_right_arithmetic3A_900 : i32 to vector<16xi32>
    %shift_right_arithmetic3A_902 = arith.shrsi %get3A_896, %shift_right_arithmetic3A_901 : vector<16xi32>
    %lt3A_903 = arith.constant 0 : i32
    %lt3A_904 = vector.broadcast %lt3A_903 : i32 to vector<16xi32>
    %lt3A_905 = arith.cmpi slt, %and3A_899, %lt3A_904 : vector<16xi32>
    %add3A_906 = arith.constant 16 : i32
    %add3A_907 = vector.broadcast %add3A_906 : i32 to vector<16xi32>
    %add3A_908 = arith.addi %and3A_899, %add3A_907 : vector<16xi32>
    %select_n3A_909 = arith.select %lt3A_905, %add3A_908, %and3A_899 : vector<16xi1>, vector<16xi32>
    %broadcast_in_dim3A_910 = vector.shape_cast %select_n3A_909 : vector<16xi32> to vector<16x1xi32>
    %gather3A_911 = vector.shape_cast %broadcast_in_dim3A_910 : vector<16x1xi32> to vector<16xi32>
    %gather3A_912 = tpu.dynamic_gather %div3A_10[%gather3A_911] in [0] : vector<16xf32>, vector<16xi32> -> vector<16xf32>
    %lt3A_913 = arith.constant 0 : i32
    %lt3A_914 = vector.broadcast %lt3A_913 : i32 to vector<16xi32>
    %lt3A_915 = arith.cmpi slt, %and3A_899, %lt3A_914 : vector<16xi32>
    %add3A_916 = arith.constant 16 : i32
    %add3A_917 = vector.broadcast %add3A_916 : i32 to vector<16xi32>
    %add3A_918 = arith.addi %and3A_899, %add3A_917 : vector<16xi32>
    %select_n3A_919 = arith.select %lt3A_915, %add3A_918, %and3A_899 : vector<16xi1>, vector<16xi32>
    %broadcast_in_dim3A_920 = vector.shape_cast %select_n3A_919 : vector<16xi32> to vector<16x1xi32>
    %gather3A_921 = vector.shape_cast %broadcast_in_dim3A_920 : vector<16x1xi32> to vector<16xi32>
    %gather3A_922 = tpu.dynamic_gather %div3A_20[%gather3A_921] in [0] : vector<16xf32>, vector<16xi32> -> vector<16xf32>
    %eq3A_923 = arith.constant 1 : i32
    %eq3A_924 = vector.broadcast %eq3A_923 : i32 to vector<16xi32>
    %eq3A_925 = arith.cmpi eq, %shift_right_arithmetic3A_902, %eq3A_924 : vector<16xi32>
    %select_n3A_926 = arith.select %eq3A_925, %gather3A_922, %gather3A_912 : vector<16xi1>, vector<16xf32>
    %lt3A_927 = arith.constant 0 : i32
    %lt3A_928 = vector.broadcast %lt3A_927 : i32 to vector<16xi32>
    %lt3A_929 = arith.cmpi slt, %and3A_899, %lt3A_928 : vector<16xi32>
    %add3A_930 = arith.constant 16 : i32
    %add3A_931 = vector.broadcast %add3A_930 : i32 to vector<16xi32>
    %add3A_932 = arith.addi %and3A_899, %add3A_931 : vector<16xi32>
    %select_n3A_933 = arith.select %lt3A_929, %add3A_932, %and3A_899 : vector<16xi1>, vector<16xi32>
    %broadcast_in_dim3A_934 = vector.shape_cast %select_n3A_933 : vector<16xi32> to vector<16x1xi32>
    %gather3A_935 = vector.shape_cast %broadcast_in_dim3A_934 : vector<16x1xi32> to vector<16xi32>
    %gather3A_936 = tpu.dynamic_gather %div3A_30[%gather3A_935] in [0] : vector<16xf32>, vector<16xi32> -> vector<16xf32>
    %eq3A_937 = arith.constant 2 : i32
    %eq3A_938 = vector.broadcast %eq3A_937 : i32 to vector<16xi32>
    %eq3A_939 = arith.cmpi eq, %shift_right_arithmetic3A_902, %eq3A_938 : vector<16xi32>
    %select_n3A_940 = arith.select %eq3A_939, %gather3A_936, %select_n3A_926 : vector<16xi1>, vector<16xf32>
    %lt3A_941 = arith.constant 0 : i32
    %lt3A_942 = vector.broadcast %lt3A_941 : i32 to vector<16xi32>
    %lt3A_943 = arith.cmpi slt, %and3A_899, %lt3A_942 : vector<16xi32>
    %add3A_944 = arith.constant 16 : i32
    %add3A_945 = vector.broadcast %add3A_944 : i32 to vector<16xi32>
    %add3A_946 = arith.addi %and3A_899, %add3A_945 : vector<16xi32>
    %select_n3A_947 = arith.select %lt3A_943, %add3A_946, %and3A_899 : vector<16xi1>, vector<16xi32>
    %broadcast_in_dim3A_948 = vector.shape_cast %select_n3A_947 : vector<16xi32> to vector<16x1xi32>
    %gather3A_949 = vector.shape_cast %broadcast_in_dim3A_948 : vector<16x1xi32> to vector<16xi32>
    %gather3A_950 = tpu.dynamic_gather %div3A_40[%gather3A_949] in [0] : vector<16xf32>, vector<16xi32> -> vector<16xf32>
    %eq3A_951 = arith.constant 3 : i32
    %eq3A_952 = vector.broadcast %eq3A_951 : i32 to vector<16xi32>
    %eq3A_953 = arith.cmpi eq, %shift_right_arithmetic3A_902, %eq3A_952 : vector<16xi32>
    %select_n3A_954 = arith.select %eq3A_953, %gather3A_950, %select_n3A_940 : vector<16xi1>, vector<16xf32>
    %get3A_955 = arith.constant 208 : index
    %get3A_956 = tpu.vector_load %arg7[%get3A_955] {strides = array<i32>} : memref<512xf32, #tpu.memory_space<vmem>>, vector<16xf32>,
    %get3A_957 = vector.shape_cast %get3A_956 : vector<16xf32> to vector<16xf32>
    %mul3A_958 = arith.mulf %select_n3A_954, %get3A_957 : vector<16xf32>
    %add3A_959 = arith.addf %add3A_893, %mul3A_958 : vector<16xf32>
    %get3A_960 = arith.constant 224 : index
    %get3A_961 = tpu.vector_load %arg6[%get3A_960] {strides = array<i32>} : memref<512xi32, #tpu.memory_space<vmem>>, vector<16xi32>,
    %get3A_962 = vector.shape_cast %get3A_961 : vector<16xi32> to vector<16xi32>
    %and3A_963 = arith.constant 15 : i32
    %and3A_964 = vector.broadcast %and3A_963 : i32 to vector<16xi32>
    %and3A_965 = arith.andi %get3A_962, %and3A_964 : vector<16xi32>
    %shift_right_arithmetic3A_966 = arith.constant 4 : i32
    %shift_right_arithmetic3A_967 = vector.broadcast %shift_right_arithmetic3A_966 : i32 to vector<16xi32>
    %shift_right_arithmetic3A_968 = arith.shrsi %get3A_962, %shift_right_arithmetic3A_967 : vector<16xi32>
    %lt3A_969 = arith.constant 0 : i32
    %lt3A_970 = vector.broadcast %lt3A_969 : i32 to vector<16xi32>
    %lt3A_971 = arith.cmpi slt, %and3A_965, %lt3A_970 : vector<16xi32>
    %add3A_972 = arith.constant 16 : i32
    %add3A_973 = vector.broadcast %add3A_972 : i32 to vector<16xi32>
    %add3A_974 = arith.addi %and3A_965, %add3A_973 : vector<16xi32>
    %select_n3A_975 = arith.select %lt3A_971, %add3A_974, %and3A_965 : vector<16xi1>, vector<16xi32>
    %broadcast_in_dim3A_976 = vector.shape_cast %select_n3A_975 : vector<16xi32> to vector<16x1xi32>
    %gather3A_977 = vector.shape_cast %broadcast_in_dim3A_976 : vector<16x1xi32> to vector<16xi32>
    %gather3A_978 = tpu.dynamic_gather %div3A_10[%gather3A_977] in [0] : vector<16xf32>, vector<16xi32> -> vector<16xf32>
    %lt3A_979 = arith.constant 0 : i32
    %lt3A_980 = vector.broadcast %lt3A_979 : i32 to vector<16xi32>
    %lt3A_981 = arith.cmpi slt, %and3A_965, %lt3A_980 : vector<16xi32>
    %add3A_982 = arith.constant 16 : i32
    %add3A_983 = vector.broadcast %add3A_982 : i32 to vector<16xi32>
    %add3A_984 = arith.addi %and3A_965, %add3A_983 : vector<16xi32>
    %select_n3A_985 = arith.select %lt3A_981, %add3A_984, %and3A_965 : vector<16xi1>, vector<16xi32>
    %broadcast_in_dim3A_986 = vector.shape_cast %select_n3A_985 : vector<16xi32> to vector<16x1xi32>
    %gather3A_987 = vector.shape_cast %broadcast_in_dim3A_986 : vector<16x1xi32> to vector<16xi32>
    %gather3A_988 = tpu.dynamic_gather %div3A_20[%gather3A_987] in [0] : vector<16xf32>, vector<16xi32> -> vector<16xf32>
    %eq3A_989 = arith.constant 1 : i32
    %eq3A_990 = vector.broadcast %eq3A_989 : i32 to vector<16xi32>
    %eq3A_991 = arith.cmpi eq, %shift_right_arithmetic3A_968, %eq3A_990 : vector<16xi32>
    %select_n3A_992 = arith.select %eq3A_991, %gather3A_988, %gather3A_978 : vector<16xi1>, vector<16xf32>
    %lt3A_993 = arith.constant 0 : i32
    %lt3A_994 = vector.broadcast %lt3A_993 : i32 to vector<16xi32>
    %lt3A_995 = arith.cmpi slt, %and3A_965, %lt3A_994 : vector<16xi32>
    %add3A_996 = arith.constant 16 : i32
    %add3A_997 = vector.broadcast %add3A_996 : i32 to vector<16xi32>
    %add3A_998 = arith.addi %and3A_965, %add3A_997 : vector<16xi32>
    %select_n3A_999 = arith.select %lt3A_995, %add3A_998, %and3A_965 : vector<16xi1>, vector<16xi32>
    %broadcast_in_dim3A_1000 = vector.shape_cast %select_n3A_999 : vector<16xi32> to vector<16x1xi32>
    %gather3A_1001 = vector.shape_cast %broadcast_in_dim3A_1000 : vector<16x1xi32> to vector<16xi32>
    %gather3A_1002 = tpu.dynamic_gather %div3A_30[%gather3A_1001] in [0] : vector<16xf32>, vector<16xi32> -> vector<16xf32>
    %eq3A_1003 = arith.constant 2 : i32
    %eq3A_1004 = vector.broadcast %eq3A_1003 : i32 to vector<16xi32>
    %eq3A_1005 = arith.cmpi eq, %shift_right_arithmetic3A_968, %eq3A_1004 : vector<16xi32>
    %select_n3A_1006 = arith.select %eq3A_1005, %gather3A_1002, %select_n3A_992 : vector<16xi1>, vector<16xf32>
    %lt3A_1007 = arith.constant 0 : i32
    %lt3A_1008 = vector.broadcast %lt3A_1007 : i32 to vector<16xi32>
    %lt3A_1009 = arith.cmpi slt, %and3A_965, %lt3A_1008 : vector<16xi32>
    %add3A_1010 = arith.constant 16 : i32
    %add3A_1011 = vector.broadcast %add3A_1010 : i32 to vector<16xi32>
    %add3A_1012 = arith.addi %and3A_965, %add3A_1011 : vector<16xi32>
    %select_n3A_1013 = arith.select %lt3A_1009, %add3A_1012, %and3A_965 : vector<16xi1>, vector<16xi32>
    %broadcast_in_dim3A_1014 = vector.shape_cast %select_n3A_1013 : vector<16xi32> to vector<16x1xi32>
    %gather3A_1015 = vector.shape_cast %broadcast_in_dim3A_1014 : vector<16x1xi32> to vector<16xi32>
    %gather3A_1016 = tpu.dynamic_gather %div3A_40[%gather3A_1015] in [0] : vector<16xf32>, vector<16xi32> -> vector<16xf32>
    %eq3A_1017 = arith.constant 3 : i32
    %eq3A_1018 = vector.broadcast %eq3A_1017 : i32 to vector<16xi32>
    %eq3A_1019 = arith.cmpi eq, %shift_right_arithmetic3A_968, %eq3A_1018 : vector<16xi32>
    %select_n3A_1020 = arith.select %eq3A_1019, %gather3A_1016, %select_n3A_1006 : vector<16xi1>, vector<16xf32>
    %get3A_1021 = arith.constant 224 : index
    %get3A_1022 = tpu.vector_load %arg7[%get3A_1021] {strides = array<i32>} : memref<512xf32, #tpu.memory_space<vmem>>, vector<16xf32>,
    %get3A_1023 = vector.shape_cast %get3A_1022 : vector<16xf32> to vector<16xf32>
    %mul3A_1024 = arith.mulf %select_n3A_1020, %get3A_1023 : vector<16xf32>
    %add3A_1025 = arith.addf %add3A_959, %mul3A_1024 : vector<16xf32>
    %get3A_1026 = arith.constant 240 : index
    %get3A_1027 = tpu.vector_load %arg6[%get3A_1026] {strides = array<i32>} : memref<512xi32, #tpu.memory_space<vmem>>, vector<16xi32>,
    %get3A_1028 = vector.shape_cast %get3A_1027 : vector<16xi32> to vector<16xi32>
    %and3A_1029 = arith.constant 15 : i32
    %and3A_1030 = vector.broadcast %and3A_1029 : i32 to vector<16xi32>
    %and3A_1031 = arith.andi %get3A_1028, %and3A_1030 : vector<16xi32>
    %shift_right_arithmetic3A_1032 = arith.constant 4 : i32
    %shift_right_arithmetic3A_1033 = vector.broadcast %shift_right_arithmetic3A_1032 : i32 to vector<16xi32>
    %shift_right_arithmetic3A_1034 = arith.shrsi %get3A_1028, %shift_right_arithmetic3A_1033 : vector<16xi32>
    %lt3A_1035 = arith.constant 0 : i32
    %lt3A_1036 = vector.broadcast %lt3A_1035 : i32 to vector<16xi32>
    %lt3A_1037 = arith.cmpi slt, %and3A_1031, %lt3A_1036 : vector<16xi32>
    %add3A_1038 = arith.constant 16 : i32
    %add3A_1039 = vector.broadcast %add3A_1038 : i32 to vector<16xi32>
    %add3A_1040 = arith.addi %and3A_1031, %add3A_1039 : vector<16xi32>
    %select_n3A_1041 = arith.select %lt3A_1037, %add3A_1040, %and3A_1031 : vector<16xi1>, vector<16xi32>
    %broadcast_in_dim3A_1042 = vector.shape_cast %select_n3A_1041 : vector<16xi32> to vector<16x1xi32>
    %gather3A_1043 = vector.shape_cast %broadcast_in_dim3A_1042 : vector<16x1xi32> to vector<16xi32>
    %gather3A_1044 = tpu.dynamic_gather %div3A_10[%gather3A_1043] in [0] : vector<16xf32>, vector<16xi32> -> vector<16xf32>
    %lt3A_1045 = arith.constant 0 : i32
    %lt3A_1046 = vector.broadcast %lt3A_1045 : i32 to vector<16xi32>
    %lt3A_1047 = arith.cmpi slt, %and3A_1031, %lt3A_1046 : vector<16xi32>
    %add3A_1048 = arith.constant 16 : i32
    %add3A_1049 = vector.broadcast %add3A_1048 : i32 to vector<16xi32>
    %add3A_1050 = arith.addi %and3A_1031, %add3A_1049 : vector<16xi32>
    %select_n3A_1051 = arith.select %lt3A_1047, %add3A_1050, %and3A_1031 : vector<16xi1>, vector<16xi32>
    %broadcast_in_dim3A_1052 = vector.shape_cast %select_n3A_1051 : vector<16xi32> to vector<16x1xi32>
    %gather3A_1053 = vector.shape_cast %broadcast_in_dim3A_1052 : vector<16x1xi32> to vector<16xi32>
    %gather3A_1054 = tpu.dynamic_gather %div3A_20[%gather3A_1053] in [0] : vector<16xf32>, vector<16xi32> -> vector<16xf32>
    %eq3A_1055 = arith.constant 1 : i32
    %eq3A_1056 = vector.broadcast %eq3A_1055 : i32 to vector<16xi32>
    %eq3A_1057 = arith.cmpi eq, %shift_right_arithmetic3A_1034, %eq3A_1056 : vector<16xi32>
    %select_n3A_1058 = arith.select %eq3A_1057, %gather3A_1054, %gather3A_1044 : vector<16xi1>, vector<16xf32>
    %lt3A_1059 = arith.constant 0 : i32
    %lt3A_1060 = vector.broadcast %lt3A_1059 : i32 to vector<16xi32>
    %lt3A_1061 = arith.cmpi slt, %and3A_1031, %lt3A_1060 : vector<16xi32>
    %add3A_1062 = arith.constant 16 : i32
    %add3A_1063 = vector.broadcast %add3A_1062 : i32 to vector<16xi32>
    %add3A_1064 = arith.addi %and3A_1031, %add3A_1063 : vector<16xi32>
    %select_n3A_1065 = arith.select %lt3A_1061, %add3A_1064, %and3A_1031 : vector<16xi1>, vector<16xi32>
    %broadcast_in_dim3A_1066 = vector.shape_cast %select_n3A_1065 : vector<16xi32> to vector<16x1xi32>
    %gather3A_1067 = vector.shape_cast %broadcast_in_dim3A_1066 : vector<16x1xi32> to vector<16xi32>
    %gather3A_1068 = tpu.dynamic_gather %div3A_30[%gather3A_1067] in [0] : vector<16xf32>, vector<16xi32> -> vector<16xf32>
    %eq3A_1069 = arith.constant 2 : i32
    %eq3A_1070 = vector.broadcast %eq3A_1069 : i32 to vector<16xi32>
    %eq3A_1071 = arith.cmpi eq, %shift_right_arithmetic3A_1034, %eq3A_1070 : vector<16xi32>
    %select_n3A_1072 = arith.select %eq3A_1071, %gather3A_1068, %select_n3A_1058 : vector<16xi1>, vector<16xf32>
    %lt3A_1073 = arith.constant 0 : i32
    %lt3A_1074 = vector.broadcast %lt3A_1073 : i32 to vector<16xi32>
    %lt3A_1075 = arith.cmpi slt, %and3A_1031, %lt3A_1074 : vector<16xi32>
    %add3A_1076 = arith.constant 16 : i32
    %add3A_1077 = vector.broadcast %add3A_1076 : i32 to vector<16xi32>
    %add3A_1078 = arith.addi %and3A_1031, %add3A_1077 : vector<16xi32>
    %select_n3A_1079 = arith.select %lt3A_1075, %add3A_1078, %and3A_1031 : vector<16xi1>, vector<16xi32>
    %broadcast_in_dim3A_1080 = vector.shape_cast %select_n3A_1079 : vector<16xi32> to vector<16x1xi32>
    %gather3A_1081 = vector.shape_cast %broadcast_in_dim3A_1080 : vector<16x1xi32> to vector<16xi32>
    %gather3A_1082 = tpu.dynamic_gather %div3A_40[%gather3A_1081] in [0] : vector<16xf32>, vector<16xi32> -> vector<16xf32>
    %eq3A_1083 = arith.constant 3 : i32
    %eq3A_1084 = vector.broadcast %eq3A_1083 : i32 to vector<16xi32>
    %eq3A_1085 = arith.cmpi eq, %shift_right_arithmetic3A_1034, %eq3A_1084 : vector<16xi32>
    %select_n3A_1086 = arith.select %eq3A_1085, %gather3A_1082, %select_n3A_1072 : vector<16xi1>, vector<16xf32>
    %get3A_1087 = arith.constant 240 : index
    %get3A_1088 = tpu.vector_load %arg7[%get3A_1087] {strides = array<i32>} : memref<512xf32, #tpu.memory_space<vmem>>, vector<16xf32>,
    %get3A_1089 = vector.shape_cast %get3A_1088 : vector<16xf32> to vector<16xf32>
    %mul3A_1090 = arith.mulf %select_n3A_1086, %get3A_1089 : vector<16xf32>
    %add3A_1091 = arith.addf %add3A_1025, %mul3A_1090 : vector<16xf32>
    %get3A_1092 = arith.constant 256 : index
    %get3A_1093 = tpu.vector_load %arg6[%get3A_1092] {strides = array<i32>} : memref<512xi32, #tpu.memory_space<vmem>>, vector<16xi32>,
    %get3A_1094 = vector.shape_cast %get3A_1093 : vector<16xi32> to vector<16xi32>
    %and3A_1095 = arith.constant 15 : i32
    %and3A_1096 = vector.broadcast %and3A_1095 : i32 to vector<16xi32>
    %and3A_1097 = arith.andi %get3A_1094, %and3A_1096 : vector<16xi32>
    %shift_right_arithmetic3A_1098 = arith.constant 4 : i32
    %shift_right_arithmetic3A_1099 = vector.broadcast %shift_right_arithmetic3A_1098 : i32 to vector<16xi32>
    %shift_right_arithmetic3A_1100 = arith.shrsi %get3A_1094, %shift_right_arithmetic3A_1099 : vector<16xi32>
    %lt3A_1101 = arith.constant 0 : i32
    %lt3A_1102 = vector.broadcast %lt3A_1101 : i32 to vector<16xi32>
    %lt3A_1103 = arith.cmpi slt, %and3A_1097, %lt3A_1102 : vector<16xi32>
    %add3A_1104 = arith.constant 16 : i32
    %add3A_1105 = vector.broadcast %add3A_1104 : i32 to vector<16xi32>
    %add3A_1106 = arith.addi %and3A_1097, %add3A_1105 : vector<16xi32>
    %select_n3A_1107 = arith.select %lt3A_1103, %add3A_1106, %and3A_1097 : vector<16xi1>, vector<16xi32>
    %broadcast_in_dim3A_1108 = vector.shape_cast %select_n3A_1107 : vector<16xi32> to vector<16x1xi32>
    %gather3A_1109 = vector.shape_cast %broadcast_in_dim3A_1108 : vector<16x1xi32> to vector<16xi32>
    %gather3A_1110 = tpu.dynamic_gather %div3A_10[%gather3A_1109] in [0] : vector<16xf32>, vector<16xi32> -> vector<16xf32>
    %lt3A_1111 = arith.constant 0 : i32
    %lt3A_1112 = vector.broadcast %lt3A_1111 : i32 to vector<16xi32>
    %lt3A_1113 = arith.cmpi slt, %and3A_1097, %lt3A_1112 : vector<16xi32>
    %add3A_1114 = arith.constant 16 : i32
    %add3A_1115 = vector.broadcast %add3A_1114 : i32 to vector<16xi32>
    %add3A_1116 = arith.addi %and3A_1097, %add3A_1115 : vector<16xi32>
    %select_n3A_1117 = arith.select %lt3A_1113, %add3A_1116, %and3A_1097 : vector<16xi1>, vector<16xi32>
    %broadcast_in_dim3A_1118 = vector.shape_cast %select_n3A_1117 : vector<16xi32> to vector<16x1xi32>
    %gather3A_1119 = vector.shape_cast %broadcast_in_dim3A_1118 : vector<16x1xi32> to vector<16xi32>
    %gather3A_1120 = tpu.dynamic_gather %div3A_20[%gather3A_1119] in [0] : vector<16xf32>, vector<16xi32> -> vector<16xf32>
    %eq3A_1121 = arith.constant 1 : i32
    %eq3A_1122 = vector.broadcast %eq3A_1121 : i32 to vector<16xi32>
    %eq3A_1123 = arith.cmpi eq, %shift_right_arithmetic3A_1100, %eq3A_1122 : vector<16xi32>
    %select_n3A_1124 = arith.select %eq3A_1123, %gather3A_1120, %gather3A_1110 : vector<16xi1>, vector<16xf32>
    %lt3A_1125 = arith.constant 0 : i32
    %lt3A_1126 = vector.broadcast %lt3A_1125 : i32 to vector<16xi32>
    %lt3A_1127 = arith.cmpi slt, %and3A_1097, %lt3A_1126 : vector<16xi32>
    %add3A_1128 = arith.constant 16 : i32
    %add3A_1129 = vector.broadcast %add3A_1128 : i32 to vector<16xi32>
    %add3A_1130 = arith.addi %and3A_1097, %add3A_1129 : vector<16xi32>
    %select_n3A_1131 = arith.select %lt3A_1127, %add3A_1130, %and3A_1097 : vector<16xi1>, vector<16xi32>
    %broadcast_in_dim3A_1132 = vector.shape_cast %select_n3A_1131 : vector<16xi32> to vector<16x1xi32>
    %gather3A_1133 = vector.shape_cast %broadcast_in_dim3A_1132 : vector<16x1xi32> to vector<16xi32>
    %gather3A_1134 = tpu.dynamic_gather %div3A_30[%gather3A_1133] in [0] : vector<16xf32>, vector<16xi32> -> vector<16xf32>
    %eq3A_1135 = arith.constant 2 : i32
    %eq3A_1136 = vector.broadcast %eq3A_1135 : i32 to vector<16xi32>
    %eq3A_1137 = arith.cmpi eq, %shift_right_arithmetic3A_1100, %eq3A_1136 : vector<16xi32>
    %select_n3A_1138 = arith.select %eq3A_1137, %gather3A_1134, %select_n3A_1124 : vector<16xi1>, vector<16xf32>
    %lt3A_1139 = arith.constant 0 : i32
    %lt3A_1140 = vector.broadcast %lt3A_1139 : i32 to vector<16xi32>
    %lt3A_1141 = arith.cmpi slt, %and3A_1097, %lt3A_1140 : vector<16xi32>
    %add3A_1142 = arith.constant 16 : i32
    %add3A_1143 = vector.broadcast %add3A_1142 : i32 to vector<16xi32>
    %add3A_1144 = arith.addi %and3A_1097, %add3A_1143 : vector<16xi32>
    %select_n3A_1145 = arith.select %lt3A_1141, %add3A_1144, %and3A_1097 : vector<16xi1>, vector<16xi32>
    %broadcast_in_dim3A_1146 = vector.shape_cast %select_n3A_1145 : vector<16xi32> to vector<16x1xi32>
    %gather3A_1147 = vector.shape_cast %broadcast_in_dim3A_1146 : vector<16x1xi32> to vector<16xi32>
    %gather3A_1148 = tpu.dynamic_gather %div3A_40[%gather3A_1147] in [0] : vector<16xf32>, vector<16xi32> -> vector<16xf32>
    %eq3A_1149 = arith.constant 3 : i32
    %eq3A_1150 = vector.broadcast %eq3A_1149 : i32 to vector<16xi32>
    %eq3A_1151 = arith.cmpi eq, %shift_right_arithmetic3A_1100, %eq3A_1150 : vector<16xi32>
    %select_n3A_1152 = arith.select %eq3A_1151, %gather3A_1148, %select_n3A_1138 : vector<16xi1>, vector<16xf32>
    %get3A_1153 = arith.constant 256 : index
    %get3A_1154 = tpu.vector_load %arg7[%get3A_1153] {strides = array<i32>} : memref<512xf32, #tpu.memory_space<vmem>>, vector<16xf32>,
    %get3A_1155 = vector.shape_cast %get3A_1154 : vector<16xf32> to vector<16xf32>
    %mul3A_1156 = arith.mulf %select_n3A_1152, %get3A_1155 : vector<16xf32>
    %add3A_1157 = arith.addf %add3A_1091, %mul3A_1156 : vector<16xf32>
    %get3A_1158 = arith.constant 272 : index
    %get3A_1159 = tpu.vector_load %arg6[%get3A_1158] {strides = array<i32>} : memref<512xi32, #tpu.memory_space<vmem>>, vector<16xi32>,
    %get3A_1160 = vector.shape_cast %get3A_1159 : vector<16xi32> to vector<16xi32>
    %and3A_1161 = arith.constant 15 : i32
    %and3A_1162 = vector.broadcast %and3A_1161 : i32 to vector<16xi32>
    %and3A_1163 = arith.andi %get3A_1160, %and3A_1162 : vector<16xi32>
    %shift_right_arithmetic3A_1164 = arith.constant 4 : i32
    %shift_right_arithmetic3A_1165 = vector.broadcast %shift_right_arithmetic3A_1164 : i32 to vector<16xi32>
    %shift_right_arithmetic3A_1166 = arith.shrsi %get3A_1160, %shift_right_arithmetic3A_1165 : vector<16xi32>
    %lt3A_1167 = arith.constant 0 : i32
    %lt3A_1168 = vector.broadcast %lt3A_1167 : i32 to vector<16xi32>
    %lt3A_1169 = arith.cmpi slt, %and3A_1163, %lt3A_1168 : vector<16xi32>
    %add3A_1170 = arith.constant 16 : i32
    %add3A_1171 = vector.broadcast %add3A_1170 : i32 to vector<16xi32>
    %add3A_1172 = arith.addi %and3A_1163, %add3A_1171 : vector<16xi32>
    %select_n3A_1173 = arith.select %lt3A_1169, %add3A_1172, %and3A_1163 : vector<16xi1>, vector<16xi32>
    %broadcast_in_dim3A_1174 = vector.shape_cast %select_n3A_1173 : vector<16xi32> to vector<16x1xi32>
    %gather3A_1175 = vector.shape_cast %broadcast_in_dim3A_1174 : vector<16x1xi32> to vector<16xi32>
    %gather3A_1176 = tpu.dynamic_gather %div3A_10[%gather3A_1175] in [0] : vector<16xf32>, vector<16xi32> -> vector<16xf32>
    %lt3A_1177 = arith.constant 0 : i32
    %lt3A_1178 = vector.broadcast %lt3A_1177 : i32 to vector<16xi32>
    %lt3A_1179 = arith.cmpi slt, %and3A_1163, %lt3A_1178 : vector<16xi32>
    %add3A_1180 = arith.constant 16 : i32
    %add3A_1181 = vector.broadcast %add3A_1180 : i32 to vector<16xi32>
    %add3A_1182 = arith.addi %and3A_1163, %add3A_1181 : vector<16xi32>
    %select_n3A_1183 = arith.select %lt3A_1179, %add3A_1182, %and3A_1163 : vector<16xi1>, vector<16xi32>
    %broadcast_in_dim3A_1184 = vector.shape_cast %select_n3A_1183 : vector<16xi32> to vector<16x1xi32>
    %gather3A_1185 = vector.shape_cast %broadcast_in_dim3A_1184 : vector<16x1xi32> to vector<16xi32>
    %gather3A_1186 = tpu.dynamic_gather %div3A_20[%gather3A_1185] in [0] : vector<16xf32>, vector<16xi32> -> vector<16xf32>
    %eq3A_1187 = arith.constant 1 : i32
    %eq3A_1188 = vector.broadcast %eq3A_1187 : i32 to vector<16xi32>
    %eq3A_1189 = arith.cmpi eq, %shift_right_arithmetic3A_1166, %eq3A_1188 : vector<16xi32>
    %select_n3A_1190 = arith.select %eq3A_1189, %gather3A_1186, %gather3A_1176 : vector<16xi1>, vector<16xf32>
    %lt3A_1191 = arith.constant 0 : i32
    %lt3A_1192 = vector.broadcast %lt3A_1191 : i32 to vector<16xi32>
    %lt3A_1193 = arith.cmpi slt, %and3A_1163, %lt3A_1192 : vector<16xi32>
    %add3A_1194 = arith.constant 16 : i32
    %add3A_1195 = vector.broadcast %add3A_1194 : i32 to vector<16xi32>
    %add3A_1196 = arith.addi %and3A_1163, %add3A_1195 : vector<16xi32>
    %select_n3A_1197 = arith.select %lt3A_1193, %add3A_1196, %and3A_1163 : vector<16xi1>, vector<16xi32>
    %broadcast_in_dim3A_1198 = vector.shape_cast %select_n3A_1197 : vector<16xi32> to vector<16x1xi32>
    %gather3A_1199 = vector.shape_cast %broadcast_in_dim3A_1198 : vector<16x1xi32> to vector<16xi32>
    %gather3A_1200 = tpu.dynamic_gather %div3A_30[%gather3A_1199] in [0] : vector<16xf32>, vector<16xi32> -> vector<16xf32>
    %eq3A_1201 = arith.constant 2 : i32
    %eq3A_1202 = vector.broadcast %eq3A_1201 : i32 to vector<16xi32>
    %eq3A_1203 = arith.cmpi eq, %shift_right_arithmetic3A_1166, %eq3A_1202 : vector<16xi32>
    %select_n3A_1204 = arith.select %eq3A_1203, %gather3A_1200, %select_n3A_1190 : vector<16xi1>, vector<16xf32>
    %lt3A_1205 = arith.constant 0 : i32
    %lt3A_1206 = vector.broadcast %lt3A_1205 : i32 to vector<16xi32>
    %lt3A_1207 = arith.cmpi slt, %and3A_1163, %lt3A_1206 : vector<16xi32>
    %add3A_1208 = arith.constant 16 : i32
    %add3A_1209 = vector.broadcast %add3A_1208 : i32 to vector<16xi32>
    %add3A_1210 = arith.addi %and3A_1163, %add3A_1209 : vector<16xi32>
    %select_n3A_1211 = arith.select %lt3A_1207, %add3A_1210, %and3A_1163 : vector<16xi1>, vector<16xi32>
    %broadcast_in_dim3A_1212 = vector.shape_cast %select_n3A_1211 : vector<16xi32> to vector<16x1xi32>
    %gather3A_1213 = vector.shape_cast %broadcast_in_dim3A_1212 : vector<16x1xi32> to vector<16xi32>
    %gather3A_1214 = tpu.dynamic_gather %div3A_40[%gather3A_1213] in [0] : vector<16xf32>, vector<16xi32> -> vector<16xf32>
    %eq3A_1215 = arith.constant 3 : i32
    %eq3A_1216 = vector.broadcast %eq3A_1215 : i32 to vector<16xi32>
    %eq3A_1217 = arith.cmpi eq, %shift_right_arithmetic3A_1166, %eq3A_1216 : vector<16xi32>
    %select_n3A_1218 = arith.select %eq3A_1217, %gather3A_1214, %select_n3A_1204 : vector<16xi1>, vector<16xf32>
    %get3A_1219 = arith.constant 272 : index
    %get3A_1220 = tpu.vector_load %arg7[%get3A_1219] {strides = array<i32>} : memref<512xf32, #tpu.memory_space<vmem>>, vector<16xf32>,
    %get3A_1221 = vector.shape_cast %get3A_1220 : vector<16xf32> to vector<16xf32>
    %mul3A_1222 = arith.mulf %select_n3A_1218, %get3A_1221 : vector<16xf32>
    %add3A_1223 = arith.addf %add3A_1157, %mul3A_1222 : vector<16xf32>
    %get3A_1224 = arith.constant 288 : index
    %get3A_1225 = tpu.vector_load %arg6[%get3A_1224] {strides = array<i32>} : memref<512xi32, #tpu.memory_space<vmem>>, vector<16xi32>,
    %get3A_1226 = vector.shape_cast %get3A_1225 : vector<16xi32> to vector<16xi32>
    %and3A_1227 = arith.constant 15 : i32
    %and3A_1228 = vector.broadcast %and3A_1227 : i32 to vector<16xi32>
    %and3A_1229 = arith.andi %get3A_1226, %and3A_1228 : vector<16xi32>
    %shift_right_arithmetic3A_1230 = arith.constant 4 : i32
    %shift_right_arithmetic3A_1231 = vector.broadcast %shift_right_arithmetic3A_1230 : i32 to vector<16xi32>
    %shift_right_arithmetic3A_1232 = arith.shrsi %get3A_1226, %shift_right_arithmetic3A_1231 : vector<16xi32>
    %lt3A_1233 = arith.constant 0 : i32
    %lt3A_1234 = vector.broadcast %lt3A_1233 : i32 to vector<16xi32>
    %lt3A_1235 = arith.cmpi slt, %and3A_1229, %lt3A_1234 : vector<16xi32>
    %add3A_1236 = arith.constant 16 : i32
    %add3A_1237 = vector.broadcast %add3A_1236 : i32 to vector<16xi32>
    %add3A_1238 = arith.addi %and3A_1229, %add3A_1237 : vector<16xi32>
    %select_n3A_1239 = arith.select %lt3A_1235, %add3A_1238, %and3A_1229 : vector<16xi1>, vector<16xi32>
    %broadcast_in_dim3A_1240 = vector.shape_cast %select_n3A_1239 : vector<16xi32> to vector<16x1xi32>
    %gather3A_1241 = vector.shape_cast %broadcast_in_dim3A_1240 : vector<16x1xi32> to vector<16xi32>
    %gather3A_1242 = tpu.dynamic_gather %div3A_10[%gather3A_1241] in [0] : vector<16xf32>, vector<16xi32> -> vector<16xf32>
    %lt3A_1243 = arith.constant 0 : i32
    %lt3A_1244 = vector.broadcast %lt3A_1243 : i32 to vector<16xi32>
    %lt3A_1245 = arith.cmpi slt, %and3A_1229, %lt3A_1244 : vector<16xi32>
    %add3A_1246 = arith.constant 16 : i32
    %add3A_1247 = vector.broadcast %add3A_1246 : i32 to vector<16xi32>
    %add3A_1248 = arith.addi %and3A_1229, %add3A_1247 : vector<16xi32>
    %select_n3A_1249 = arith.select %lt3A_1245, %add3A_1248, %and3A_1229 : vector<16xi1>, vector<16xi32>
    %broadcast_in_dim3A_1250 = vector.shape_cast %select_n3A_1249 : vector<16xi32> to vector<16x1xi32>
    %gather3A_1251 = vector.shape_cast %broadcast_in_dim3A_1250 : vector<16x1xi32> to vector<16xi32>
    %gather3A_1252 = tpu.dynamic_gather %div3A_20[%gather3A_1251] in [0] : vector<16xf32>, vector<16xi32> -> vector<16xf32>
    %eq3A_1253 = arith.constant 1 : i32
    %eq3A_1254 = vector.broadcast %eq3A_1253 : i32 to vector<16xi32>
    %eq3A_1255 = arith.cmpi eq, %shift_right_arithmetic3A_1232, %eq3A_1254 : vector<16xi32>
    %select_n3A_1256 = arith.select %eq3A_1255, %gather3A_1252, %gather3A_1242 : vector<16xi1>, vector<16xf32>
    %lt3A_1257 = arith.constant 0 : i32
    %lt3A_1258 = vector.broadcast %lt3A_1257 : i32 to vector<16xi32>
    %lt3A_1259 = arith.cmpi slt, %and3A_1229, %lt3A_1258 : vector<16xi32>
    %add3A_1260 = arith.constant 16 : i32
    %add3A_1261 = vector.broadcast %add3A_1260 : i32 to vector<16xi32>
    %add3A_1262 = arith.addi %and3A_1229, %add3A_1261 : vector<16xi32>
    %select_n3A_1263 = arith.select %lt3A_1259, %add3A_1262, %and3A_1229 : vector<16xi1>, vector<16xi32>
    %broadcast_in_dim3A_1264 = vector.shape_cast %select_n3A_1263 : vector<16xi32> to vector<16x1xi32>
    %gather3A_1265 = vector.shape_cast %broadcast_in_dim3A_1264 : vector<16x1xi32> to vector<16xi32>
    %gather3A_1266 = tpu.dynamic_gather %div3A_30[%gather3A_1265] in [0] : vector<16xf32>, vector<16xi32> -> vector<16xf32>
    %eq3A_1267 = arith.constant 2 : i32
    %eq3A_1268 = vector.broadcast %eq3A_1267 : i32 to vector<16xi32>
    %eq3A_1269 = arith.cmpi eq, %shift_right_arithmetic3A_1232, %eq3A_1268 : vector<16xi32>
    %select_n3A_1270 = arith.select %eq3A_1269, %gather3A_1266, %select_n3A_1256 : vector<16xi1>, vector<16xf32>
    %lt3A_1271 = arith.constant 0 : i32
    %lt3A_1272 = vector.broadcast %lt3A_1271 : i32 to vector<16xi32>
    %lt3A_1273 = arith.cmpi slt, %and3A_1229, %lt3A_1272 : vector<16xi32>
    %add3A_1274 = arith.constant 16 : i32
    %add3A_1275 = vector.broadcast %add3A_1274 : i32 to vector<16xi32>
    %add3A_1276 = arith.addi %and3A_1229, %add3A_1275 : vector<16xi32>
    %select_n3A_1277 = arith.select %lt3A_1273, %add3A_1276, %and3A_1229 : vector<16xi1>, vector<16xi32>
    %broadcast_in_dim3A_1278 = vector.shape_cast %select_n3A_1277 : vector<16xi32> to vector<16x1xi32>
    %gather3A_1279 = vector.shape_cast %broadcast_in_dim3A_1278 : vector<16x1xi32> to vector<16xi32>
    %gather3A_1280 = tpu.dynamic_gather %div3A_40[%gather3A_1279] in [0] : vector<16xf32>, vector<16xi32> -> vector<16xf32>
    %eq3A_1281 = arith.constant 3 : i32
    %eq3A_1282 = vector.broadcast %eq3A_1281 : i32 to vector<16xi32>
    %eq3A_1283 = arith.cmpi eq, %shift_right_arithmetic3A_1232, %eq3A_1282 : vector<16xi32>
    %select_n3A_1284 = arith.select %eq3A_1283, %gather3A_1280, %select_n3A_1270 : vector<16xi1>, vector<16xf32>
    %get3A_1285 = arith.constant 288 : index
    %get3A_1286 = tpu.vector_load %arg7[%get3A_1285] {strides = array<i32>} : memref<512xf32, #tpu.memory_space<vmem>>, vector<16xf32>,
    %get3A_1287 = vector.shape_cast %get3A_1286 : vector<16xf32> to vector<16xf32>
    %mul3A_1288 = arith.mulf %select_n3A_1284, %get3A_1287 : vector<16xf32>
    %add3A_1289 = arith.addf %add3A_1223, %mul3A_1288 : vector<16xf32>
    %get3A_1290 = arith.constant 304 : index
    %get3A_1291 = tpu.vector_load %arg6[%get3A_1290] {strides = array<i32>} : memref<512xi32, #tpu.memory_space<vmem>>, vector<16xi32>,
    %get3A_1292 = vector.shape_cast %get3A_1291 : vector<16xi32> to vector<16xi32>
    %and3A_1293 = arith.constant 15 : i32
    %and3A_1294 = vector.broadcast %and3A_1293 : i32 to vector<16xi32>
    %and3A_1295 = arith.andi %get3A_1292, %and3A_1294 : vector<16xi32>
    %shift_right_arithmetic3A_1296 = arith.constant 4 : i32
    %shift_right_arithmetic3A_1297 = vector.broadcast %shift_right_arithmetic3A_1296 : i32 to vector<16xi32>
    %shift_right_arithmetic3A_1298 = arith.shrsi %get3A_1292, %shift_right_arithmetic3A_1297 : vector<16xi32>
    %lt3A_1299 = arith.constant 0 : i32
    %lt3A_1300 = vector.broadcast %lt3A_1299 : i32 to vector<16xi32>
    %lt3A_1301 = arith.cmpi slt, %and3A_1295, %lt3A_1300 : vector<16xi32>
    %add3A_1302 = arith.constant 16 : i32
    %add3A_1303 = vector.broadcast %add3A_1302 : i32 to vector<16xi32>
    %add3A_1304 = arith.addi %and3A_1295, %add3A_1303 : vector<16xi32>
    %select_n3A_1305 = arith.select %lt3A_1301, %add3A_1304, %and3A_1295 : vector<16xi1>, vector<16xi32>
    %broadcast_in_dim3A_1306 = vector.shape_cast %select_n3A_1305 : vector<16xi32> to vector<16x1xi32>
    %gather3A_1307 = vector.shape_cast %broadcast_in_dim3A_1306 : vector<16x1xi32> to vector<16xi32>
    %gather3A_1308 = tpu.dynamic_gather %div3A_10[%gather3A_1307] in [0] : vector<16xf32>, vector<16xi32> -> vector<16xf32>
    %lt3A_1309 = arith.constant 0 : i32
    %lt3A_1310 = vector.broadcast %lt3A_1309 : i32 to vector<16xi32>
    %lt3A_1311 = arith.cmpi slt, %and3A_1295, %lt3A_1310 : vector<16xi32>
    %add3A_1312 = arith.constant 16 : i32
    %add3A_1313 = vector.broadcast %add3A_1312 : i32 to vector<16xi32>
    %add3A_1314 = arith.addi %and3A_1295, %add3A_1313 : vector<16xi32>
    %select_n3A_1315 = arith.select %lt3A_1311, %add3A_1314, %and3A_1295 : vector<16xi1>, vector<16xi32>
    %broadcast_in_dim3A_1316 = vector.shape_cast %select_n3A_1315 : vector<16xi32> to vector<16x1xi32>
    %gather3A_1317 = vector.shape_cast %broadcast_in_dim3A_1316 : vector<16x1xi32> to vector<16xi32>
    %gather3A_1318 = tpu.dynamic_gather %div3A_20[%gather3A_1317] in [0] : vector<16xf32>, vector<16xi32> -> vector<16xf32>
    %eq3A_1319 = arith.constant 1 : i32
    %eq3A_1320 = vector.broadcast %eq3A_1319 : i32 to vector<16xi32>
    %eq3A_1321 = arith.cmpi eq, %shift_right_arithmetic3A_1298, %eq3A_1320 : vector<16xi32>
    %select_n3A_1322 = arith.select %eq3A_1321, %gather3A_1318, %gather3A_1308 : vector<16xi1>, vector<16xf32>
    %lt3A_1323 = arith.constant 0 : i32
    %lt3A_1324 = vector.broadcast %lt3A_1323 : i32 to vector<16xi32>
    %lt3A_1325 = arith.cmpi slt, %and3A_1295, %lt3A_1324 : vector<16xi32>
    %add3A_1326 = arith.constant 16 : i32
    %add3A_1327 = vector.broadcast %add3A_1326 : i32 to vector<16xi32>
    %add3A_1328 = arith.addi %and3A_1295, %add3A_1327 : vector<16xi32>
    %select_n3A_1329 = arith.select %lt3A_1325, %add3A_1328, %and3A_1295 : vector<16xi1>, vector<16xi32>
    %broadcast_in_dim3A_1330 = vector.shape_cast %select_n3A_1329 : vector<16xi32> to vector<16x1xi32>
    %gather3A_1331 = vector.shape_cast %broadcast_in_dim3A_1330 : vector<16x1xi32> to vector<16xi32>
    %gather3A_1332 = tpu.dynamic_gather %div3A_30[%gather3A_1331] in [0] : vector<16xf32>, vector<16xi32> -> vector<16xf32>
    %eq3A_1333 = arith.constant 2 : i32
    %eq3A_1334 = vector.broadcast %eq3A_1333 : i32 to vector<16xi32>
    %eq3A_1335 = arith.cmpi eq, %shift_right_arithmetic3A_1298, %eq3A_1334 : vector<16xi32>
    %select_n3A_1336 = arith.select %eq3A_1335, %gather3A_1332, %select_n3A_1322 : vector<16xi1>, vector<16xf32>
    %lt3A_1337 = arith.constant 0 : i32
    %lt3A_1338 = vector.broadcast %lt3A_1337 : i32 to vector<16xi32>
    %lt3A_1339 = arith.cmpi slt, %and3A_1295, %lt3A_1338 : vector<16xi32>
    %add3A_1340 = arith.constant 16 : i32
    %add3A_1341 = vector.broadcast %add3A_1340 : i32 to vector<16xi32>
    %add3A_1342 = arith.addi %and3A_1295, %add3A_1341 : vector<16xi32>
    %select_n3A_1343 = arith.select %lt3A_1339, %add3A_1342, %and3A_1295 : vector<16xi1>, vector<16xi32>
    %broadcast_in_dim3A_1344 = vector.shape_cast %select_n3A_1343 : vector<16xi32> to vector<16x1xi32>
    %gather3A_1345 = vector.shape_cast %broadcast_in_dim3A_1344 : vector<16x1xi32> to vector<16xi32>
    %gather3A_1346 = tpu.dynamic_gather %div3A_40[%gather3A_1345] in [0] : vector<16xf32>, vector<16xi32> -> vector<16xf32>
    %eq3A_1347 = arith.constant 3 : i32
    %eq3A_1348 = vector.broadcast %eq3A_1347 : i32 to vector<16xi32>
    %eq3A_1349 = arith.cmpi eq, %shift_right_arithmetic3A_1298, %eq3A_1348 : vector<16xi32>
    %select_n3A_1350 = arith.select %eq3A_1349, %gather3A_1346, %select_n3A_1336 : vector<16xi1>, vector<16xf32>
    %get3A_1351 = arith.constant 304 : index
    %get3A_1352 = tpu.vector_load %arg7[%get3A_1351] {strides = array<i32>} : memref<512xf32, #tpu.memory_space<vmem>>, vector<16xf32>,
    %get3A_1353 = vector.shape_cast %get3A_1352 : vector<16xf32> to vector<16xf32>
    %mul3A_1354 = arith.mulf %select_n3A_1350, %get3A_1353 : vector<16xf32>
    %add3A_1355 = arith.addf %add3A_1289, %mul3A_1354 : vector<16xf32>
    %get3A_1356 = arith.constant 320 : index
    %get3A_1357 = tpu.vector_load %arg6[%get3A_1356] {strides = array<i32>} : memref<512xi32, #tpu.memory_space<vmem>>, vector<16xi32>,
    %get3A_1358 = vector.shape_cast %get3A_1357 : vector<16xi32> to vector<16xi32>
    %and3A_1359 = arith.constant 15 : i32
    %and3A_1360 = vector.broadcast %and3A_1359 : i32 to vector<16xi32>
    %and3A_1361 = arith.andi %get3A_1358, %and3A_1360 : vector<16xi32>
    %shift_right_arithmetic3A_1362 = arith.constant 4 : i32
    %shift_right_arithmetic3A_1363 = vector.broadcast %shift_right_arithmetic3A_1362 : i32 to vector<16xi32>
    %shift_right_arithmetic3A_1364 = arith.shrsi %get3A_1358, %shift_right_arithmetic3A_1363 : vector<16xi32>
    %lt3A_1365 = arith.constant 0 : i32
    %lt3A_1366 = vector.broadcast %lt3A_1365 : i32 to vector<16xi32>
    %lt3A_1367 = arith.cmpi slt, %and3A_1361, %lt3A_1366 : vector<16xi32>
    %add3A_1368 = arith.constant 16 : i32
    %add3A_1369 = vector.broadcast %add3A_1368 : i32 to vector<16xi32>
    %add3A_1370 = arith.addi %and3A_1361, %add3A_1369 : vector<16xi32>
    %select_n3A_1371 = arith.select %lt3A_1367, %add3A_1370, %and3A_1361 : vector<16xi1>, vector<16xi32>
    %broadcast_in_dim3A_1372 = vector.shape_cast %select_n3A_1371 : vector<16xi32> to vector<16x1xi32>
    %gather3A_1373 = vector.shape_cast %broadcast_in_dim3A_1372 : vector<16x1xi32> to vector<16xi32>
    %gather3A_1374 = tpu.dynamic_gather %div3A_10[%gather3A_1373] in [0] : vector<16xf32>, vector<16xi32> -> vector<16xf32>
    %lt3A_1375 = arith.constant 0 : i32
    %lt3A_1376 = vector.broadcast %lt3A_1375 : i32 to vector<16xi32>
    %lt3A_1377 = arith.cmpi slt, %and3A_1361, %lt3A_1376 : vector<16xi32>
    %add3A_1378 = arith.constant 16 : i32
    %add3A_1379 = vector.broadcast %add3A_1378 : i32 to vector<16xi32>
    %add3A_1380 = arith.addi %and3A_1361, %add3A_1379 : vector<16xi32>
    %select_n3A_1381 = arith.select %lt3A_1377, %add3A_1380, %and3A_1361 : vector<16xi1>, vector<16xi32>
    %broadcast_in_dim3A_1382 = vector.shape_cast %select_n3A_1381 : vector<16xi32> to vector<16x1xi32>
    %gather3A_1383 = vector.shape_cast %broadcast_in_dim3A_1382 : vector<16x1xi32> to vector<16xi32>
    %gather3A_1384 = tpu.dynamic_gather %div3A_20[%gather3A_1383] in [0] : vector<16xf32>, vector<16xi32> -> vector<16xf32>
    %eq3A_1385 = arith.constant 1 : i32
    %eq3A_1386 = vector.broadcast %eq3A_1385 : i32 to vector<16xi32>
    %eq3A_1387 = arith.cmpi eq, %shift_right_arithmetic3A_1364, %eq3A_1386 : vector<16xi32>
    %select_n3A_1388 = arith.select %eq3A_1387, %gather3A_1384, %gather3A_1374 : vector<16xi1>, vector<16xf32>
    %lt3A_1389 = arith.constant 0 : i32
    %lt3A_1390 = vector.broadcast %lt3A_1389 : i32 to vector<16xi32>
    %lt3A_1391 = arith.cmpi slt, %and3A_1361, %lt3A_1390 : vector<16xi32>
    %add3A_1392 = arith.constant 16 : i32
    %add3A_1393 = vector.broadcast %add3A_1392 : i32 to vector<16xi32>
    %add3A_1394 = arith.addi %and3A_1361, %add3A_1393 : vector<16xi32>
    %select_n3A_1395 = arith.select %lt3A_1391, %add3A_1394, %and3A_1361 : vector<16xi1>, vector<16xi32>
    %broadcast_in_dim3A_1396 = vector.shape_cast %select_n3A_1395 : vector<16xi32> to vector<16x1xi32>
    %gather3A_1397 = vector.shape_cast %broadcast_in_dim3A_1396 : vector<16x1xi32> to vector<16xi32>
    %gather3A_1398 = tpu.dynamic_gather %div3A_30[%gather3A_1397] in [0] : vector<16xf32>, vector<16xi32> -> vector<16xf32>
    %eq3A_1399 = arith.constant 2 : i32
    %eq3A_1400 = vector.broadcast %eq3A_1399 : i32 to vector<16xi32>
    %eq3A_1401 = arith.cmpi eq, %shift_right_arithmetic3A_1364, %eq3A_1400 : vector<16xi32>
    %select_n3A_1402 = arith.select %eq3A_1401, %gather3A_1398, %select_n3A_1388 : vector<16xi1>, vector<16xf32>
    %lt3A_1403 = arith.constant 0 : i32
    %lt3A_1404 = vector.broadcast %lt3A_1403 : i32 to vector<16xi32>
    %lt3A_1405 = arith.cmpi slt, %and3A_1361, %lt3A_1404 : vector<16xi32>
    %add3A_1406 = arith.constant 16 : i32
    %add3A_1407 = vector.broadcast %add3A_1406 : i32 to vector<16xi32>
    %add3A_1408 = arith.addi %and3A_1361, %add3A_1407 : vector<16xi32>
    %select_n3A_1409 = arith.select %lt3A_1405, %add3A_1408, %and3A_1361 : vector<16xi1>, vector<16xi32>
    %broadcast_in_dim3A_1410 = vector.shape_cast %select_n3A_1409 : vector<16xi32> to vector<16x1xi32>
    %gather3A_1411 = vector.shape_cast %broadcast_in_dim3A_1410 : vector<16x1xi32> to vector<16xi32>
    %gather3A_1412 = tpu.dynamic_gather %div3A_40[%gather3A_1411] in [0] : vector<16xf32>, vector<16xi32> -> vector<16xf32>
    %eq3A_1413 = arith.constant 3 : i32
    %eq3A_1414 = vector.broadcast %eq3A_1413 : i32 to vector<16xi32>
    %eq3A_1415 = arith.cmpi eq, %shift_right_arithmetic3A_1364, %eq3A_1414 : vector<16xi32>
    %select_n3A_1416 = arith.select %eq3A_1415, %gather3A_1412, %select_n3A_1402 : vector<16xi1>, vector<16xf32>
    %get3A_1417 = arith.constant 320 : index
    %get3A_1418 = tpu.vector_load %arg7[%get3A_1417] {strides = array<i32>} : memref<512xf32, #tpu.memory_space<vmem>>, vector<16xf32>,
    %get3A_1419 = vector.shape_cast %get3A_1418 : vector<16xf32> to vector<16xf32>
    %mul3A_1420 = arith.mulf %select_n3A_1416, %get3A_1419 : vector<16xf32>
    %add3A_1421 = arith.addf %add3A_1355, %mul3A_1420 : vector<16xf32>
    %get3A_1422 = arith.constant 336 : index
    %get3A_1423 = tpu.vector_load %arg6[%get3A_1422] {strides = array<i32>} : memref<512xi32, #tpu.memory_space<vmem>>, vector<16xi32>,
    %get3A_1424 = vector.shape_cast %get3A_1423 : vector<16xi32> to vector<16xi32>
    %and3A_1425 = arith.constant 15 : i32
    %and3A_1426 = vector.broadcast %and3A_1425 : i32 to vector<16xi32>
    %and3A_1427 = arith.andi %get3A_1424, %and3A_1426 : vector<16xi32>
    %shift_right_arithmetic3A_1428 = arith.constant 4 : i32
    %shift_right_arithmetic3A_1429 = vector.broadcast %shift_right_arithmetic3A_1428 : i32 to vector<16xi32>
    %shift_right_arithmetic3A_1430 = arith.shrsi %get3A_1424, %shift_right_arithmetic3A_1429 : vector<16xi32>
    %lt3A_1431 = arith.constant 0 : i32
    %lt3A_1432 = vector.broadcast %lt3A_1431 : i32 to vector<16xi32>
    %lt3A_1433 = arith.cmpi slt, %and3A_1427, %lt3A_1432 : vector<16xi32>
    %add3A_1434 = arith.constant 16 : i32
    %add3A_1435 = vector.broadcast %add3A_1434 : i32 to vector<16xi32>
    %add3A_1436 = arith.addi %and3A_1427, %add3A_1435 : vector<16xi32>
    %select_n3A_1437 = arith.select %lt3A_1433, %add3A_1436, %and3A_1427 : vector<16xi1>, vector<16xi32>
    %broadcast_in_dim3A_1438 = vector.shape_cast %select_n3A_1437 : vector<16xi32> to vector<16x1xi32>
    %gather3A_1439 = vector.shape_cast %broadcast_in_dim3A_1438 : vector<16x1xi32> to vector<16xi32>
    %gather3A_1440 = tpu.dynamic_gather %div3A_10[%gather3A_1439] in [0] : vector<16xf32>, vector<16xi32> -> vector<16xf32>
    %lt3A_1441 = arith.constant 0 : i32
    %lt3A_1442 = vector.broadcast %lt3A_1441 : i32 to vector<16xi32>
    %lt3A_1443 = arith.cmpi slt, %and3A_1427, %lt3A_1442 : vector<16xi32>
    %add3A_1444 = arith.constant 16 : i32
    %add3A_1445 = vector.broadcast %add3A_1444 : i32 to vector<16xi32>
    %add3A_1446 = arith.addi %and3A_1427, %add3A_1445 : vector<16xi32>
    %select_n3A_1447 = arith.select %lt3A_1443, %add3A_1446, %and3A_1427 : vector<16xi1>, vector<16xi32>
    %broadcast_in_dim3A_1448 = vector.shape_cast %select_n3A_1447 : vector<16xi32> to vector<16x1xi32>
    %gather3A_1449 = vector.shape_cast %broadcast_in_dim3A_1448 : vector<16x1xi32> to vector<16xi32>
    %gather3A_1450 = tpu.dynamic_gather %div3A_20[%gather3A_1449] in [0] : vector<16xf32>, vector<16xi32> -> vector<16xf32>
    %eq3A_1451 = arith.constant 1 : i32
    %eq3A_1452 = vector.broadcast %eq3A_1451 : i32 to vector<16xi32>
    %eq3A_1453 = arith.cmpi eq, %shift_right_arithmetic3A_1430, %eq3A_1452 : vector<16xi32>
    %select_n3A_1454 = arith.select %eq3A_1453, %gather3A_1450, %gather3A_1440 : vector<16xi1>, vector<16xf32>
    %lt3A_1455 = arith.constant 0 : i32
    %lt3A_1456 = vector.broadcast %lt3A_1455 : i32 to vector<16xi32>
    %lt3A_1457 = arith.cmpi slt, %and3A_1427, %lt3A_1456 : vector<16xi32>
    %add3A_1458 = arith.constant 16 : i32
    %add3A_1459 = vector.broadcast %add3A_1458 : i32 to vector<16xi32>
    %add3A_1460 = arith.addi %and3A_1427, %add3A_1459 : vector<16xi32>
    %select_n3A_1461 = arith.select %lt3A_1457, %add3A_1460, %and3A_1427 : vector<16xi1>, vector<16xi32>
    %broadcast_in_dim3A_1462 = vector.shape_cast %select_n3A_1461 : vector<16xi32> to vector<16x1xi32>
    %gather3A_1463 = vector.shape_cast %broadcast_in_dim3A_1462 : vector<16x1xi32> to vector<16xi32>
    %gather3A_1464 = tpu.dynamic_gather %div3A_30[%gather3A_1463] in [0] : vector<16xf32>, vector<16xi32> -> vector<16xf32>
    %eq3A_1465 = arith.constant 2 : i32
    %eq3A_1466 = vector.broadcast %eq3A_1465 : i32 to vector<16xi32>
    %eq3A_1467 = arith.cmpi eq, %shift_right_arithmetic3A_1430, %eq3A_1466 : vector<16xi32>
    %select_n3A_1468 = arith.select %eq3A_1467, %gather3A_1464, %select_n3A_1454 : vector<16xi1>, vector<16xf32>
    %lt3A_1469 = arith.constant 0 : i32
    %lt3A_1470 = vector.broadcast %lt3A_1469 : i32 to vector<16xi32>
    %lt3A_1471 = arith.cmpi slt, %and3A_1427, %lt3A_1470 : vector<16xi32>
    %add3A_1472 = arith.constant 16 : i32
    %add3A_1473 = vector.broadcast %add3A_1472 : i32 to vector<16xi32>
    %add3A_1474 = arith.addi %and3A_1427, %add3A_1473 : vector<16xi32>
    %select_n3A_1475 = arith.select %lt3A_1471, %add3A_1474, %and3A_1427 : vector<16xi1>, vector<16xi32>
    %broadcast_in_dim3A_1476 = vector.shape_cast %select_n3A_1475 : vector<16xi32> to vector<16x1xi32>
    %gather3A_1477 = vector.shape_cast %broadcast_in_dim3A_1476 : vector<16x1xi32> to vector<16xi32>
    %gather3A_1478 = tpu.dynamic_gather %div3A_40[%gather3A_1477] in [0] : vector<16xf32>, vector<16xi32> -> vector<16xf32>
    %eq3A_1479 = arith.constant 3 : i32
    %eq3A_1480 = vector.broadcast %eq3A_1479 : i32 to vector<16xi32>
    %eq3A_1481 = arith.cmpi eq, %shift_right_arithmetic3A_1430, %eq3A_1480 : vector<16xi32>
    %select_n3A_1482 = arith.select %eq3A_1481, %gather3A_1478, %select_n3A_1468 : vector<16xi1>, vector<16xf32>
    %get3A_1483 = arith.constant 336 : index
    %get3A_1484 = tpu.vector_load %arg7[%get3A_1483] {strides = array<i32>} : memref<512xf32, #tpu.memory_space<vmem>>, vector<16xf32>,
    %get3A_1485 = vector.shape_cast %get3A_1484 : vector<16xf32> to vector<16xf32>
    %mul3A_1486 = arith.mulf %select_n3A_1482, %get3A_1485 : vector<16xf32>
    %add3A_1487 = arith.addf %add3A_1421, %mul3A_1486 : vector<16xf32>
    %get3A_1488 = arith.constant 352 : index
    %get3A_1489 = tpu.vector_load %arg6[%get3A_1488] {strides = array<i32>} : memref<512xi32, #tpu.memory_space<vmem>>, vector<16xi32>,
    %get3A_1490 = vector.shape_cast %get3A_1489 : vector<16xi32> to vector<16xi32>
    %and3A_1491 = arith.constant 15 : i32
    %and3A_1492 = vector.broadcast %and3A_1491 : i32 to vector<16xi32>
    %and3A_1493 = arith.andi %get3A_1490, %and3A_1492 : vector<16xi32>
    %shift_right_arithmetic3A_1494 = arith.constant 4 : i32
    %shift_right_arithmetic3A_1495 = vector.broadcast %shift_right_arithmetic3A_1494 : i32 to vector<16xi32>
    %shift_right_arithmetic3A_1496 = arith.shrsi %get3A_1490, %shift_right_arithmetic3A_1495 : vector<16xi32>
    %lt3A_1497 = arith.constant 0 : i32
    %lt3A_1498 = vector.broadcast %lt3A_1497 : i32 to vector<16xi32>
    %lt3A_1499 = arith.cmpi slt, %and3A_1493, %lt3A_1498 : vector<16xi32>
    %add3A_1500 = arith.constant 16 : i32
    %add3A_1501 = vector.broadcast %add3A_1500 : i32 to vector<16xi32>
    %add3A_1502 = arith.addi %and3A_1493, %add3A_1501 : vector<16xi32>
    %select_n3A_1503 = arith.select %lt3A_1499, %add3A_1502, %and3A_1493 : vector<16xi1>, vector<16xi32>
    %broadcast_in_dim3A_1504 = vector.shape_cast %select_n3A_1503 : vector<16xi32> to vector<16x1xi32>
    %gather3A_1505 = vector.shape_cast %broadcast_in_dim3A_1504 : vector<16x1xi32> to vector<16xi32>
    %gather3A_1506 = tpu.dynamic_gather %div3A_10[%gather3A_1505] in [0] : vector<16xf32>, vector<16xi32> -> vector<16xf32>
    %lt3A_1507 = arith.constant 0 : i32
    %lt3A_1508 = vector.broadcast %lt3A_1507 : i32 to vector<16xi32>
    %lt3A_1509 = arith.cmpi slt, %and3A_1493, %lt3A_1508 : vector<16xi32>
    %add3A_1510 = arith.constant 16 : i32
    %add3A_1511 = vector.broadcast %add3A_1510 : i32 to vector<16xi32>
    %add3A_1512 = arith.addi %and3A_1493, %add3A_1511 : vector<16xi32>
    %select_n3A_1513 = arith.select %lt3A_1509, %add3A_1512, %and3A_1493 : vector<16xi1>, vector<16xi32>
    %broadcast_in_dim3A_1514 = vector.shape_cast %select_n3A_1513 : vector<16xi32> to vector<16x1xi32>
    %gather3A_1515 = vector.shape_cast %broadcast_in_dim3A_1514 : vector<16x1xi32> to vector<16xi32>
    %gather3A_1516 = tpu.dynamic_gather %div3A_20[%gather3A_1515] in [0] : vector<16xf32>, vector<16xi32> -> vector<16xf32>
    %eq3A_1517 = arith.constant 1 : i32
    %eq3A_1518 = vector.broadcast %eq3A_1517 : i32 to vector<16xi32>
    %eq3A_1519 = arith.cmpi eq, %shift_right_arithmetic3A_1496, %eq3A_1518 : vector<16xi32>
    %select_n3A_1520 = arith.select %eq3A_1519, %gather3A_1516, %gather3A_1506 : vector<16xi1>, vector<16xf32>
    %lt3A_1521 = arith.constant 0 : i32
    %lt3A_1522 = vector.broadcast %lt3A_1521 : i32 to vector<16xi32>
    %lt3A_1523 = arith.cmpi slt, %and3A_1493, %lt3A_1522 : vector<16xi32>
    %add3A_1524 = arith.constant 16 : i32
    %add3A_1525 = vector.broadcast %add3A_1524 : i32 to vector<16xi32>
    %add3A_1526 = arith.addi %and3A_1493, %add3A_1525 : vector<16xi32>
    %select_n3A_1527 = arith.select %lt3A_1523, %add3A_1526, %and3A_1493 : vector<16xi1>, vector<16xi32>
    %broadcast_in_dim3A_1528 = vector.shape_cast %select_n3A_1527 : vector<16xi32> to vector<16x1xi32>
    %gather3A_1529 = vector.shape_cast %broadcast_in_dim3A_1528 : vector<16x1xi32> to vector<16xi32>
    %gather3A_1530 = tpu.dynamic_gather %div3A_30[%gather3A_1529] in [0] : vector<16xf32>, vector<16xi32> -> vector<16xf32>
    %eq3A_1531 = arith.constant 2 : i32
    %eq3A_1532 = vector.broadcast %eq3A_1531 : i32 to vector<16xi32>
    %eq3A_1533 = arith.cmpi eq, %shift_right_arithmetic3A_1496, %eq3A_1532 : vector<16xi32>
    %select_n3A_1534 = arith.select %eq3A_1533, %gather3A_1530, %select_n3A_1520 : vector<16xi1>, vector<16xf32>
    %lt3A_1535 = arith.constant 0 : i32
    %lt3A_1536 = vector.broadcast %lt3A_1535 : i32 to vector<16xi32>
    %lt3A_1537 = arith.cmpi slt, %and3A_1493, %lt3A_1536 : vector<16xi32>
    %add3A_1538 = arith.constant 16 : i32
    %add3A_1539 = vector.broadcast %add3A_1538 : i32 to vector<16xi32>
    %add3A_1540 = arith.addi %and3A_1493, %add3A_1539 : vector<16xi32>
    %select_n3A_1541 = arith.select %lt3A_1537, %add3A_1540, %and3A_1493 : vector<16xi1>, vector<16xi32>
    %broadcast_in_dim3A_1542 = vector.shape_cast %select_n3A_1541 : vector<16xi32> to vector<16x1xi32>
    %gather3A_1543 = vector.shape_cast %broadcast_in_dim3A_1542 : vector<16x1xi32> to vector<16xi32>
    %gather3A_1544 = tpu.dynamic_gather %div3A_40[%gather3A_1543] in [0] : vector<16xf32>, vector<16xi32> -> vector<16xf32>
    %eq3A_1545 = arith.constant 3 : i32
    %eq3A_1546 = vector.broadcast %eq3A_1545 : i32 to vector<16xi32>
    %eq3A_1547 = arith.cmpi eq, %shift_right_arithmetic3A_1496, %eq3A_1546 : vector<16xi32>
    %select_n3A_1548 = arith.select %eq3A_1547, %gather3A_1544, %select_n3A_1534 : vector<16xi1>, vector<16xf32>
    %get3A_1549 = arith.constant 352 : index
    %get3A_1550 = tpu.vector_load %arg7[%get3A_1549] {strides = array<i32>} : memref<512xf32, #tpu.memory_space<vmem>>, vector<16xf32>,
    %get3A_1551 = vector.shape_cast %get3A_1550 : vector<16xf32> to vector<16xf32>
    %mul3A_1552 = arith.mulf %select_n3A_1548, %get3A_1551 : vector<16xf32>
    %add3A_1553 = arith.addf %add3A_1487, %mul3A_1552 : vector<16xf32>
    %get3A_1554 = arith.constant 368 : index
    %get3A_1555 = tpu.vector_load %arg6[%get3A_1554] {strides = array<i32>} : memref<512xi32, #tpu.memory_space<vmem>>, vector<16xi32>,
    %get3A_1556 = vector.shape_cast %get3A_1555 : vector<16xi32> to vector<16xi32>
    %and3A_1557 = arith.constant 15 : i32
    %and3A_1558 = vector.broadcast %and3A_1557 : i32 to vector<16xi32>
    %and3A_1559 = arith.andi %get3A_1556, %and3A_1558 : vector<16xi32>
    %shift_right_arithmetic3A_1560 = arith.constant 4 : i32
    %shift_right_arithmetic3A_1561 = vector.broadcast %shift_right_arithmetic3A_1560 : i32 to vector<16xi32>
    %shift_right_arithmetic3A_1562 = arith.shrsi %get3A_1556, %shift_right_arithmetic3A_1561 : vector<16xi32>
    %lt3A_1563 = arith.constant 0 : i32
    %lt3A_1564 = vector.broadcast %lt3A_1563 : i32 to vector<16xi32>
    %lt3A_1565 = arith.cmpi slt, %and3A_1559, %lt3A_1564 : vector<16xi32>
    %add3A_1566 = arith.constant 16 : i32
    %add3A_1567 = vector.broadcast %add3A_1566 : i32 to vector<16xi32>
    %add3A_1568 = arith.addi %and3A_1559, %add3A_1567 : vector<16xi32>
    %select_n3A_1569 = arith.select %lt3A_1565, %add3A_1568, %and3A_1559 : vector<16xi1>, vector<16xi32>
    %broadcast_in_dim3A_1570 = vector.shape_cast %select_n3A_1569 : vector<16xi32> to vector<16x1xi32>
    %gather3A_1571 = vector.shape_cast %broadcast_in_dim3A_1570 : vector<16x1xi32> to vector<16xi32>
    %gather3A_1572 = tpu.dynamic_gather %div3A_10[%gather3A_1571] in [0] : vector<16xf32>, vector<16xi32> -> vector<16xf32>
    %lt3A_1573 = arith.constant 0 : i32
    %lt3A_1574 = vector.broadcast %lt3A_1573 : i32 to vector<16xi32>
    %lt3A_1575 = arith.cmpi slt, %and3A_1559, %lt3A_1574 : vector<16xi32>
    %add3A_1576 = arith.constant 16 : i32
    %add3A_1577 = vector.broadcast %add3A_1576 : i32 to vector<16xi32>
    %add3A_1578 = arith.addi %and3A_1559, %add3A_1577 : vector<16xi32>
    %select_n3A_1579 = arith.select %lt3A_1575, %add3A_1578, %and3A_1559 : vector<16xi1>, vector<16xi32>
    %broadcast_in_dim3A_1580 = vector.shape_cast %select_n3A_1579 : vector<16xi32> to vector<16x1xi32>
    %gather3A_1581 = vector.shape_cast %broadcast_in_dim3A_1580 : vector<16x1xi32> to vector<16xi32>
    %gather3A_1582 = tpu.dynamic_gather %div3A_20[%gather3A_1581] in [0] : vector<16xf32>, vector<16xi32> -> vector<16xf32>
    %eq3A_1583 = arith.constant 1 : i32
    %eq3A_1584 = vector.broadcast %eq3A_1583 : i32 to vector<16xi32>
    %eq3A_1585 = arith.cmpi eq, %shift_right_arithmetic3A_1562, %eq3A_1584 : vector<16xi32>
    %select_n3A_1586 = arith.select %eq3A_1585, %gather3A_1582, %gather3A_1572 : vector<16xi1>, vector<16xf32>
    %lt3A_1587 = arith.constant 0 : i32
    %lt3A_1588 = vector.broadcast %lt3A_1587 : i32 to vector<16xi32>
    %lt3A_1589 = arith.cmpi slt, %and3A_1559, %lt3A_1588 : vector<16xi32>
    %add3A_1590 = arith.constant 16 : i32
    %add3A_1591 = vector.broadcast %add3A_1590 : i32 to vector<16xi32>
    %add3A_1592 = arith.addi %and3A_1559, %add3A_1591 : vector<16xi32>
    %select_n3A_1593 = arith.select %lt3A_1589, %add3A_1592, %and3A_1559 : vector<16xi1>, vector<16xi32>
    %broadcast_in_dim3A_1594 = vector.shape_cast %select_n3A_1593 : vector<16xi32> to vector<16x1xi32>
    %gather3A_1595 = vector.shape_cast %broadcast_in_dim3A_1594 : vector<16x1xi32> to vector<16xi32>
    %gather3A_1596 = tpu.dynamic_gather %div3A_30[%gather3A_1595] in [0] : vector<16xf32>, vector<16xi32> -> vector<16xf32>
    %eq3A_1597 = arith.constant 2 : i32
    %eq3A_1598 = vector.broadcast %eq3A_1597 : i32 to vector<16xi32>
    %eq3A_1599 = arith.cmpi eq, %shift_right_arithmetic3A_1562, %eq3A_1598 : vector<16xi32>
    %select_n3A_1600 = arith.select %eq3A_1599, %gather3A_1596, %select_n3A_1586 : vector<16xi1>, vector<16xf32>
    %lt3A_1601 = arith.constant 0 : i32
    %lt3A_1602 = vector.broadcast %lt3A_1601 : i32 to vector<16xi32>
    %lt3A_1603 = arith.cmpi slt, %and3A_1559, %lt3A_1602 : vector<16xi32>
    %add3A_1604 = arith.constant 16 : i32
    %add3A_1605 = vector.broadcast %add3A_1604 : i32 to vector<16xi32>
    %add3A_1606 = arith.addi %and3A_1559, %add3A_1605 : vector<16xi32>
    %select_n3A_1607 = arith.select %lt3A_1603, %add3A_1606, %and3A_1559 : vector<16xi1>, vector<16xi32>
    %broadcast_in_dim3A_1608 = vector.shape_cast %select_n3A_1607 : vector<16xi32> to vector<16x1xi32>
    %gather3A_1609 = vector.shape_cast %broadcast_in_dim3A_1608 : vector<16x1xi32> to vector<16xi32>
    %gather3A_1610 = tpu.dynamic_gather %div3A_40[%gather3A_1609] in [0] : vector<16xf32>, vector<16xi32> -> vector<16xf32>
    %eq3A_1611 = arith.constant 3 : i32
    %eq3A_1612 = vector.broadcast %eq3A_1611 : i32 to vector<16xi32>
    %eq3A_1613 = arith.cmpi eq, %shift_right_arithmetic3A_1562, %eq3A_1612 : vector<16xi32>
    %select_n3A_1614 = arith.select %eq3A_1613, %gather3A_1610, %select_n3A_1600 : vector<16xi1>, vector<16xf32>
    %get3A_1615 = arith.constant 368 : index
    %get3A_1616 = tpu.vector_load %arg7[%get3A_1615] {strides = array<i32>} : memref<512xf32, #tpu.memory_space<vmem>>, vector<16xf32>,
    %get3A_1617 = vector.shape_cast %get3A_1616 : vector<16xf32> to vector<16xf32>
    %mul3A_1618 = arith.mulf %select_n3A_1614, %get3A_1617 : vector<16xf32>
    %add3A_1619 = arith.addf %add3A_1553, %mul3A_1618 : vector<16xf32>
    %get3A_1620 = arith.constant 384 : index
    %get3A_1621 = tpu.vector_load %arg6[%get3A_1620] {strides = array<i32>} : memref<512xi32, #tpu.memory_space<vmem>>, vector<16xi32>,
    %get3A_1622 = vector.shape_cast %get3A_1621 : vector<16xi32> to vector<16xi32>
    %and3A_1623 = arith.constant 15 : i32
    %and3A_1624 = vector.broadcast %and3A_1623 : i32 to vector<16xi32>
    %and3A_1625 = arith.andi %get3A_1622, %and3A_1624 : vector<16xi32>
    %shift_right_arithmetic3A_1626 = arith.constant 4 : i32
    %shift_right_arithmetic3A_1627 = vector.broadcast %shift_right_arithmetic3A_1626 : i32 to vector<16xi32>
    %shift_right_arithmetic3A_1628 = arith.shrsi %get3A_1622, %shift_right_arithmetic3A_1627 : vector<16xi32>
    %lt3A_1629 = arith.constant 0 : i32
    %lt3A_1630 = vector.broadcast %lt3A_1629 : i32 to vector<16xi32>
    %lt3A_1631 = arith.cmpi slt, %and3A_1625, %lt3A_1630 : vector<16xi32>
    %add3A_1632 = arith.constant 16 : i32
    %add3A_1633 = vector.broadcast %add3A_1632 : i32 to vector<16xi32>
    %add3A_1634 = arith.addi %and3A_1625, %add3A_1633 : vector<16xi32>
    %select_n3A_1635 = arith.select %lt3A_1631, %add3A_1634, %and3A_1625 : vector<16xi1>, vector<16xi32>
    %broadcast_in_dim3A_1636 = vector.shape_cast %select_n3A_1635 : vector<16xi32> to vector<16x1xi32>
    %gather3A_1637 = vector.shape_cast %broadcast_in_dim3A_1636 : vector<16x1xi32> to vector<16xi32>
    %gather3A_1638 = tpu.dynamic_gather %div3A_10[%gather3A_1637] in [0] : vector<16xf32>, vector<16xi32> -> vector<16xf32>
    %lt3A_1639 = arith.constant 0 : i32
    %lt3A_1640 = vector.broadcast %lt3A_1639 : i32 to vector<16xi32>
    %lt3A_1641 = arith.cmpi slt, %and3A_1625, %lt3A_1640 : vector<16xi32>
    %add3A_1642 = arith.constant 16 : i32
    %add3A_1643 = vector.broadcast %add3A_1642 : i32 to vector<16xi32>
    %add3A_1644 = arith.addi %and3A_1625, %add3A_1643 : vector<16xi32>
    %select_n3A_1645 = arith.select %lt3A_1641, %add3A_1644, %and3A_1625 : vector<16xi1>, vector<16xi32>
    %broadcast_in_dim3A_1646 = vector.shape_cast %select_n3A_1645 : vector<16xi32> to vector<16x1xi32>
    %gather3A_1647 = vector.shape_cast %broadcast_in_dim3A_1646 : vector<16x1xi32> to vector<16xi32>
    %gather3A_1648 = tpu.dynamic_gather %div3A_20[%gather3A_1647] in [0] : vector<16xf32>, vector<16xi32> -> vector<16xf32>
    %eq3A_1649 = arith.constant 1 : i32
    %eq3A_1650 = vector.broadcast %eq3A_1649 : i32 to vector<16xi32>
    %eq3A_1651 = arith.cmpi eq, %shift_right_arithmetic3A_1628, %eq3A_1650 : vector<16xi32>
    %select_n3A_1652 = arith.select %eq3A_1651, %gather3A_1648, %gather3A_1638 : vector<16xi1>, vector<16xf32>
    %lt3A_1653 = arith.constant 0 : i32
    %lt3A_1654 = vector.broadcast %lt3A_1653 : i32 to vector<16xi32>
    %lt3A_1655 = arith.cmpi slt, %and3A_1625, %lt3A_1654 : vector<16xi32>
    %add3A_1656 = arith.constant 16 : i32
    %add3A_1657 = vector.broadcast %add3A_1656 : i32 to vector<16xi32>
    %add3A_1658 = arith.addi %and3A_1625, %add3A_1657 : vector<16xi32>
    %select_n3A_1659 = arith.select %lt3A_1655, %add3A_1658, %and3A_1625 : vector<16xi1>, vector<16xi32>
    %broadcast_in_dim3A_1660 = vector.shape_cast %select_n3A_1659 : vector<16xi32> to vector<16x1xi32>
    %gather3A_1661 = vector.shape_cast %broadcast_in_dim3A_1660 : vector<16x1xi32> to vector<16xi32>
    %gather3A_1662 = tpu.dynamic_gather %div3A_30[%gather3A_1661] in [0] : vector<16xf32>, vector<16xi32> -> vector<16xf32>
    %eq3A_1663 = arith.constant 2 : i32
    %eq3A_1664 = vector.broadcast %eq3A_1663 : i32 to vector<16xi32>
    %eq3A_1665 = arith.cmpi eq, %shift_right_arithmetic3A_1628, %eq3A_1664 : vector<16xi32>
    %select_n3A_1666 = arith.select %eq3A_1665, %gather3A_1662, %select_n3A_1652 : vector<16xi1>, vector<16xf32>
    %lt3A_1667 = arith.constant 0 : i32
    %lt3A_1668 = vector.broadcast %lt3A_1667 : i32 to vector<16xi32>
    %lt3A_1669 = arith.cmpi slt, %and3A_1625, %lt3A_1668 : vector<16xi32>
    %add3A_1670 = arith.constant 16 : i32
    %add3A_1671 = vector.broadcast %add3A_1670 : i32 to vector<16xi32>
    %add3A_1672 = arith.addi %and3A_1625, %add3A_1671 : vector<16xi32>
    %select_n3A_1673 = arith.select %lt3A_1669, %add3A_1672, %and3A_1625 : vector<16xi1>, vector<16xi32>
    %broadcast_in_dim3A_1674 = vector.shape_cast %select_n3A_1673 : vector<16xi32> to vector<16x1xi32>
    %gather3A_1675 = vector.shape_cast %broadcast_in_dim3A_1674 : vector<16x1xi32> to vector<16xi32>
    %gather3A_1676 = tpu.dynamic_gather %div3A_40[%gather3A_1675] in [0] : vector<16xf32>, vector<16xi32> -> vector<16xf32>
    %eq3A_1677 = arith.constant 3 : i32
    %eq3A_1678 = vector.broadcast %eq3A_1677 : i32 to vector<16xi32>
    %eq3A_1679 = arith.cmpi eq, %shift_right_arithmetic3A_1628, %eq3A_1678 : vector<16xi32>
    %select_n3A_1680 = arith.select %eq3A_1679, %gather3A_1676, %select_n3A_1666 : vector<16xi1>, vector<16xf32>
    %get3A_1681 = arith.constant 384 : index
    %get3A_1682 = tpu.vector_load %arg7[%get3A_1681] {strides = array<i32>} : memref<512xf32, #tpu.memory_space<vmem>>, vector<16xf32>,
    %get3A_1683 = vector.shape_cast %get3A_1682 : vector<16xf32> to vector<16xf32>
    %mul3A_1684 = arith.mulf %select_n3A_1680, %get3A_1683 : vector<16xf32>
    %add3A_1685 = arith.addf %add3A_1619, %mul3A_1684 : vector<16xf32>
    %get3A_1686 = arith.constant 400 : index
    %get3A_1687 = tpu.vector_load %arg6[%get3A_1686] {strides = array<i32>} : memref<512xi32, #tpu.memory_space<vmem>>, vector<16xi32>,
    %get3A_1688 = vector.shape_cast %get3A_1687 : vector<16xi32> to vector<16xi32>
    %and3A_1689 = arith.constant 15 : i32
    %and3A_1690 = vector.broadcast %and3A_1689 : i32 to vector<16xi32>
    %and3A_1691 = arith.andi %get3A_1688, %and3A_1690 : vector<16xi32>
    %shift_right_arithmetic3A_1692 = arith.constant 4 : i32
    %shift_right_arithmetic3A_1693 = vector.broadcast %shift_right_arithmetic3A_1692 : i32 to vector<16xi32>
    %shift_right_arithmetic3A_1694 = arith.shrsi %get3A_1688, %shift_right_arithmetic3A_1693 : vector<16xi32>
    %lt3A_1695 = arith.constant 0 : i32
    %lt3A_1696 = vector.broadcast %lt3A_1695 : i32 to vector<16xi32>
    %lt3A_1697 = arith.cmpi slt, %and3A_1691, %lt3A_1696 : vector<16xi32>
    %add3A_1698 = arith.constant 16 : i32
    %add3A_1699 = vector.broadcast %add3A_1698 : i32 to vector<16xi32>
    %add3A_1700 = arith.addi %and3A_1691, %add3A_1699 : vector<16xi32>
    %select_n3A_1701 = arith.select %lt3A_1697, %add3A_1700, %and3A_1691 : vector<16xi1>, vector<16xi32>
    %broadcast_in_dim3A_1702 = vector.shape_cast %select_n3A_1701 : vector<16xi32> to vector<16x1xi32>
    %gather3A_1703 = vector.shape_cast %broadcast_in_dim3A_1702 : vector<16x1xi32> to vector<16xi32>
    %gather3A_1704 = tpu.dynamic_gather %div3A_10[%gather3A_1703] in [0] : vector<16xf32>, vector<16xi32> -> vector<16xf32>
    %lt3A_1705 = arith.constant 0 : i32
    %lt3A_1706 = vector.broadcast %lt3A_1705 : i32 to vector<16xi32>
    %lt3A_1707 = arith.cmpi slt, %and3A_1691, %lt3A_1706 : vector<16xi32>
    %add3A_1708 = arith.constant 16 : i32
    %add3A_1709 = vector.broadcast %add3A_1708 : i32 to vector<16xi32>
    %add3A_1710 = arith.addi %and3A_1691, %add3A_1709 : vector<16xi32>
    %select_n3A_1711 = arith.select %lt3A_1707, %add3A_1710, %and3A_1691 : vector<16xi1>, vector<16xi32>
    %broadcast_in_dim3A_1712 = vector.shape_cast %select_n3A_1711 : vector<16xi32> to vector<16x1xi32>
    %gather3A_1713 = vector.shape_cast %broadcast_in_dim3A_1712 : vector<16x1xi32> to vector<16xi32>
    %gather3A_1714 = tpu.dynamic_gather %div3A_20[%gather3A_1713] in [0] : vector<16xf32>, vector<16xi32> -> vector<16xf32>
    %eq3A_1715 = arith.constant 1 : i32
    %eq3A_1716 = vector.broadcast %eq3A_1715 : i32 to vector<16xi32>
    %eq3A_1717 = arith.cmpi eq, %shift_right_arithmetic3A_1694, %eq3A_1716 : vector<16xi32>
    %select_n3A_1718 = arith.select %eq3A_1717, %gather3A_1714, %gather3A_1704 : vector<16xi1>, vector<16xf32>
    %lt3A_1719 = arith.constant 0 : i32
    %lt3A_1720 = vector.broadcast %lt3A_1719 : i32 to vector<16xi32>
    %lt3A_1721 = arith.cmpi slt, %and3A_1691, %lt3A_1720 : vector<16xi32>
    %add3A_1722 = arith.constant 16 : i32
    %add3A_1723 = vector.broadcast %add3A_1722 : i32 to vector<16xi32>
    %add3A_1724 = arith.addi %and3A_1691, %add3A_1723 : vector<16xi32>
    %select_n3A_1725 = arith.select %lt3A_1721, %add3A_1724, %and3A_1691 : vector<16xi1>, vector<16xi32>
    %broadcast_in_dim3A_1726 = vector.shape_cast %select_n3A_1725 : vector<16xi32> to vector<16x1xi32>
    %gather3A_1727 = vector.shape_cast %broadcast_in_dim3A_1726 : vector<16x1xi32> to vector<16xi32>
    %gather3A_1728 = tpu.dynamic_gather %div3A_30[%gather3A_1727] in [0] : vector<16xf32>, vector<16xi32> -> vector<16xf32>
    %eq3A_1729 = arith.constant 2 : i32
    %eq3A_1730 = vector.broadcast %eq3A_1729 : i32 to vector<16xi32>
    %eq3A_1731 = arith.cmpi eq, %shift_right_arithmetic3A_1694, %eq3A_1730 : vector<16xi32>
    %select_n3A_1732 = arith.select %eq3A_1731, %gather3A_1728, %select_n3A_1718 : vector<16xi1>, vector<16xf32>
    %lt3A_1733 = arith.constant 0 : i32
    %lt3A_1734 = vector.broadcast %lt3A_1733 : i32 to vector<16xi32>
    %lt3A_1735 = arith.cmpi slt, %and3A_1691, %lt3A_1734 : vector<16xi32>
    %add3A_1736 = arith.constant 16 : i32
    %add3A_1737 = vector.broadcast %add3A_1736 : i32 to vector<16xi32>
    %add3A_1738 = arith.addi %and3A_1691, %add3A_1737 : vector<16xi32>
    %select_n3A_1739 = arith.select %lt3A_1735, %add3A_1738, %and3A_1691 : vector<16xi1>, vector<16xi32>
    %broadcast_in_dim3A_1740 = vector.shape_cast %select_n3A_1739 : vector<16xi32> to vector<16x1xi32>
    %gather3A_1741 = vector.shape_cast %broadcast_in_dim3A_1740 : vector<16x1xi32> to vector<16xi32>
    %gather3A_1742 = tpu.dynamic_gather %div3A_40[%gather3A_1741] in [0] : vector<16xf32>, vector<16xi32> -> vector<16xf32>
    %eq3A_1743 = arith.constant 3 : i32
    %eq3A_1744 = vector.broadcast %eq3A_1743 : i32 to vector<16xi32>
    %eq3A_1745 = arith.cmpi eq, %shift_right_arithmetic3A_1694, %eq3A_1744 : vector<16xi32>
    %select_n3A_1746 = arith.select %eq3A_1745, %gather3A_1742, %select_n3A_1732 : vector<16xi1>, vector<16xf32>
    %get3A_1747 = arith.constant 400 : index
    %get3A_1748 = tpu.vector_load %arg7[%get3A_1747] {strides = array<i32>} : memref<512xf32, #tpu.memory_space<vmem>>, vector<16xf32>,
    %get3A_1749 = vector.shape_cast %get3A_1748 : vector<16xf32> to vector<16xf32>
    %mul3A_1750 = arith.mulf %select_n3A_1746, %get3A_1749 : vector<16xf32>
    %add3A_1751 = arith.addf %add3A_1685, %mul3A_1750 : vector<16xf32>
    %get3A_1752 = arith.constant 416 : index
    %get3A_1753 = tpu.vector_load %arg6[%get3A_1752] {strides = array<i32>} : memref<512xi32, #tpu.memory_space<vmem>>, vector<16xi32>,
    %get3A_1754 = vector.shape_cast %get3A_1753 : vector<16xi32> to vector<16xi32>
    %and3A_1755 = arith.constant 15 : i32
    %and3A_1756 = vector.broadcast %and3A_1755 : i32 to vector<16xi32>
    %and3A_1757 = arith.andi %get3A_1754, %and3A_1756 : vector<16xi32>
    %shift_right_arithmetic3A_1758 = arith.constant 4 : i32
    %shift_right_arithmetic3A_1759 = vector.broadcast %shift_right_arithmetic3A_1758 : i32 to vector<16xi32>
    %shift_right_arithmetic3A_1760 = arith.shrsi %get3A_1754, %shift_right_arithmetic3A_1759 : vector<16xi32>
    %lt3A_1761 = arith.constant 0 : i32
    %lt3A_1762 = vector.broadcast %lt3A_1761 : i32 to vector<16xi32>
    %lt3A_1763 = arith.cmpi slt, %and3A_1757, %lt3A_1762 : vector<16xi32>
    %add3A_1764 = arith.constant 16 : i32
    %add3A_1765 = vector.broadcast %add3A_1764 : i32 to vector<16xi32>
    %add3A_1766 = arith.addi %and3A_1757, %add3A_1765 : vector<16xi32>
    %select_n3A_1767 = arith.select %lt3A_1763, %add3A_1766, %and3A_1757 : vector<16xi1>, vector<16xi32>
    %broadcast_in_dim3A_1768 = vector.shape_cast %select_n3A_1767 : vector<16xi32> to vector<16x1xi32>
    %gather3A_1769 = vector.shape_cast %broadcast_in_dim3A_1768 : vector<16x1xi32> to vector<16xi32>
    %gather3A_1770 = tpu.dynamic_gather %div3A_10[%gather3A_1769] in [0] : vector<16xf32>, vector<16xi32> -> vector<16xf32>
    %lt3A_1771 = arith.constant 0 : i32
    %lt3A_1772 = vector.broadcast %lt3A_1771 : i32 to vector<16xi32>
    %lt3A_1773 = arith.cmpi slt, %and3A_1757, %lt3A_1772 : vector<16xi32>
    %add3A_1774 = arith.constant 16 : i32
    %add3A_1775 = vector.broadcast %add3A_1774 : i32 to vector<16xi32>
    %add3A_1776 = arith.addi %and3A_1757, %add3A_1775 : vector<16xi32>
    %select_n3A_1777 = arith.select %lt3A_1773, %add3A_1776, %and3A_1757 : vector<16xi1>, vector<16xi32>
    %broadcast_in_dim3A_1778 = vector.shape_cast %select_n3A_1777 : vector<16xi32> to vector<16x1xi32>
    %gather3A_1779 = vector.shape_cast %broadcast_in_dim3A_1778 : vector<16x1xi32> to vector<16xi32>
    %gather3A_1780 = tpu.dynamic_gather %div3A_20[%gather3A_1779] in [0] : vector<16xf32>, vector<16xi32> -> vector<16xf32>
    %eq3A_1781 = arith.constant 1 : i32
    %eq3A_1782 = vector.broadcast %eq3A_1781 : i32 to vector<16xi32>
    %eq3A_1783 = arith.cmpi eq, %shift_right_arithmetic3A_1760, %eq3A_1782 : vector<16xi32>
    %select_n3A_1784 = arith.select %eq3A_1783, %gather3A_1780, %gather3A_1770 : vector<16xi1>, vector<16xf32>
    %lt3A_1785 = arith.constant 0 : i32
    %lt3A_1786 = vector.broadcast %lt3A_1785 : i32 to vector<16xi32>
    %lt3A_1787 = arith.cmpi slt, %and3A_1757, %lt3A_1786 : vector<16xi32>
    %add3A_1788 = arith.constant 16 : i32
    %add3A_1789 = vector.broadcast %add3A_1788 : i32 to vector<16xi32>
    %add3A_1790 = arith.addi %and3A_1757, %add3A_1789 : vector<16xi32>
    %select_n3A_1791 = arith.select %lt3A_1787, %add3A_1790, %and3A_1757 : vector<16xi1>, vector<16xi32>
    %broadcast_in_dim3A_1792 = vector.shape_cast %select_n3A_1791 : vector<16xi32> to vector<16x1xi32>
    %gather3A_1793 = vector.shape_cast %broadcast_in_dim3A_1792 : vector<16x1xi32> to vector<16xi32>
    %gather3A_1794 = tpu.dynamic_gather %div3A_30[%gather3A_1793] in [0] : vector<16xf32>, vector<16xi32> -> vector<16xf32>
    %eq3A_1795 = arith.constant 2 : i32
    %eq3A_1796 = vector.broadcast %eq3A_1795 : i32 to vector<16xi32>
    %eq3A_1797 = arith.cmpi eq, %shift_right_arithmetic3A_1760, %eq3A_1796 : vector<16xi32>
    %select_n3A_1798 = arith.select %eq3A_1797, %gather3A_1794, %select_n3A_1784 : vector<16xi1>, vector<16xf32>
    %lt3A_1799 = arith.constant 0 : i32
    %lt3A_1800 = vector.broadcast %lt3A_1799 : i32 to vector<16xi32>
    %lt3A_1801 = arith.cmpi slt, %and3A_1757, %lt3A_1800 : vector<16xi32>
    %add3A_1802 = arith.constant 16 : i32
    %add3A_1803 = vector.broadcast %add3A_1802 : i32 to vector<16xi32>
    %add3A_1804 = arith.addi %and3A_1757, %add3A_1803 : vector<16xi32>
    %select_n3A_1805 = arith.select %lt3A_1801, %add3A_1804, %and3A_1757 : vector<16xi1>, vector<16xi32>
    %broadcast_in_dim3A_1806 = vector.shape_cast %select_n3A_1805 : vector<16xi32> to vector<16x1xi32>
    %gather3A_1807 = vector.shape_cast %broadcast_in_dim3A_1806 : vector<16x1xi32> to vector<16xi32>
    %gather3A_1808 = tpu.dynamic_gather %div3A_40[%gather3A_1807] in [0] : vector<16xf32>, vector<16xi32> -> vector<16xf32>
    %eq3A_1809 = arith.constant 3 : i32
    %eq3A_1810 = vector.broadcast %eq3A_1809 : i32 to vector<16xi32>
    %eq3A_1811 = arith.cmpi eq, %shift_right_arithmetic3A_1760, %eq3A_1810 : vector<16xi32>
    %select_n3A_1812 = arith.select %eq3A_1811, %gather3A_1808, %select_n3A_1798 : vector<16xi1>, vector<16xf32>
    %get3A_1813 = arith.constant 416 : index
    %get3A_1814 = tpu.vector_load %arg7[%get3A_1813] {strides = array<i32>} : memref<512xf32, #tpu.memory_space<vmem>>, vector<16xf32>,
    %get3A_1815 = vector.shape_cast %get3A_1814 : vector<16xf32> to vector<16xf32>
    %mul3A_1816 = arith.mulf %select_n3A_1812, %get3A_1815 : vector<16xf32>
    %add3A_1817 = arith.addf %add3A_1751, %mul3A_1816 : vector<16xf32>
    %get3A_1818 = arith.constant 432 : index
    %get3A_1819 = tpu.vector_load %arg6[%get3A_1818] {strides = array<i32>} : memref<512xi32, #tpu.memory_space<vmem>>, vector<16xi32>,
    %get3A_1820 = vector.shape_cast %get3A_1819 : vector<16xi32> to vector<16xi32>
    %and3A_1821 = arith.constant 15 : i32
    %and3A_1822 = vector.broadcast %and3A_1821 : i32 to vector<16xi32>
    %and3A_1823 = arith.andi %get3A_1820, %and3A_1822 : vector<16xi32>
    %shift_right_arithmetic3A_1824 = arith.constant 4 : i32
    %shift_right_arithmetic3A_1825 = vector.broadcast %shift_right_arithmetic3A_1824 : i32 to vector<16xi32>
    %shift_right_arithmetic3A_1826 = arith.shrsi %get3A_1820, %shift_right_arithmetic3A_1825 : vector<16xi32>
    %lt3A_1827 = arith.constant 0 : i32
    %lt3A_1828 = vector.broadcast %lt3A_1827 : i32 to vector<16xi32>
    %lt3A_1829 = arith.cmpi slt, %and3A_1823, %lt3A_1828 : vector<16xi32>
    %add3A_1830 = arith.constant 16 : i32
    %add3A_1831 = vector.broadcast %add3A_1830 : i32 to vector<16xi32>
    %add3A_1832 = arith.addi %and3A_1823, %add3A_1831 : vector<16xi32>
    %select_n3A_1833 = arith.select %lt3A_1829, %add3A_1832, %and3A_1823 : vector<16xi1>, vector<16xi32>
    %broadcast_in_dim3A_1834 = vector.shape_cast %select_n3A_1833 : vector<16xi32> to vector<16x1xi32>
    %gather3A_1835 = vector.shape_cast %broadcast_in_dim3A_1834 : vector<16x1xi32> to vector<16xi32>
    %gather3A_1836 = tpu.dynamic_gather %div3A_10[%gather3A_1835] in [0] : vector<16xf32>, vector<16xi32> -> vector<16xf32>
    %lt3A_1837 = arith.constant 0 : i32
    %lt3A_1838 = vector.broadcast %lt3A_1837 : i32 to vector<16xi32>
    %lt3A_1839 = arith.cmpi slt, %and3A_1823, %lt3A_1838 : vector<16xi32>
    %add3A_1840 = arith.constant 16 : i32
    %add3A_1841 = vector.broadcast %add3A_1840 : i32 to vector<16xi32>
    %add3A_1842 = arith.addi %and3A_1823, %add3A_1841 : vector<16xi32>
    %select_n3A_1843 = arith.select %lt3A_1839, %add3A_1842, %and3A_1823 : vector<16xi1>, vector<16xi32>
    %broadcast_in_dim3A_1844 = vector.shape_cast %select_n3A_1843 : vector<16xi32> to vector<16x1xi32>
    %gather3A_1845 = vector.shape_cast %broadcast_in_dim3A_1844 : vector<16x1xi32> to vector<16xi32>
    %gather3A_1846 = tpu.dynamic_gather %div3A_20[%gather3A_1845] in [0] : vector<16xf32>, vector<16xi32> -> vector<16xf32>
    %eq3A_1847 = arith.constant 1 : i32
    %eq3A_1848 = vector.broadcast %eq3A_1847 : i32 to vector<16xi32>
    %eq3A_1849 = arith.cmpi eq, %shift_right_arithmetic3A_1826, %eq3A_1848 : vector<16xi32>
    %select_n3A_1850 = arith.select %eq3A_1849, %gather3A_1846, %gather3A_1836 : vector<16xi1>, vector<16xf32>
    %lt3A_1851 = arith.constant 0 : i32
    %lt3A_1852 = vector.broadcast %lt3A_1851 : i32 to vector<16xi32>
    %lt3A_1853 = arith.cmpi slt, %and3A_1823, %lt3A_1852 : vector<16xi32>
    %add3A_1854 = arith.constant 16 : i32
    %add3A_1855 = vector.broadcast %add3A_1854 : i32 to vector<16xi32>
    %add3A_1856 = arith.addi %and3A_1823, %add3A_1855 : vector<16xi32>
    %select_n3A_1857 = arith.select %lt3A_1853, %add3A_1856, %and3A_1823 : vector<16xi1>, vector<16xi32>
    %broadcast_in_dim3A_1858 = vector.shape_cast %select_n3A_1857 : vector<16xi32> to vector<16x1xi32>
    %gather3A_1859 = vector.shape_cast %broadcast_in_dim3A_1858 : vector<16x1xi32> to vector<16xi32>
    %gather3A_1860 = tpu.dynamic_gather %div3A_30[%gather3A_1859] in [0] : vector<16xf32>, vector<16xi32> -> vector<16xf32>
    %eq3A_1861 = arith.constant 2 : i32
    %eq3A_1862 = vector.broadcast %eq3A_1861 : i32 to vector<16xi32>
    %eq3A_1863 = arith.cmpi eq, %shift_right_arithmetic3A_1826, %eq3A_1862 : vector<16xi32>
    %select_n3A_1864 = arith.select %eq3A_1863, %gather3A_1860, %select_n3A_1850 : vector<16xi1>, vector<16xf32>
    %lt3A_1865 = arith.constant 0 : i32
    %lt3A_1866 = vector.broadcast %lt3A_1865 : i32 to vector<16xi32>
    %lt3A_1867 = arith.cmpi slt, %and3A_1823, %lt3A_1866 : vector<16xi32>
    %add3A_1868 = arith.constant 16 : i32
    %add3A_1869 = vector.broadcast %add3A_1868 : i32 to vector<16xi32>
    %add3A_1870 = arith.addi %and3A_1823, %add3A_1869 : vector<16xi32>
    %select_n3A_1871 = arith.select %lt3A_1867, %add3A_1870, %and3A_1823 : vector<16xi1>, vector<16xi32>
    %broadcast_in_dim3A_1872 = vector.shape_cast %select_n3A_1871 : vector<16xi32> to vector<16x1xi32>
    %gather3A_1873 = vector.shape_cast %broadcast_in_dim3A_1872 : vector<16x1xi32> to vector<16xi32>
    %gather3A_1874 = tpu.dynamic_gather %div3A_40[%gather3A_1873] in [0] : vector<16xf32>, vector<16xi32> -> vector<16xf32>
    %eq3A_1875 = arith.constant 3 : i32
    %eq3A_1876 = vector.broadcast %eq3A_1875 : i32 to vector<16xi32>
    %eq3A_1877 = arith.cmpi eq, %shift_right_arithmetic3A_1826, %eq3A_1876 : vector<16xi32>
    %select_n3A_1878 = arith.select %eq3A_1877, %gather3A_1874, %select_n3A_1864 : vector<16xi1>, vector<16xf32>
    %get3A_1879 = arith.constant 432 : index
    %get3A_1880 = tpu.vector_load %arg7[%get3A_1879] {strides = array<i32>} : memref<512xf32, #tpu.memory_space<vmem>>, vector<16xf32>,
    %get3A_1881 = vector.shape_cast %get3A_1880 : vector<16xf32> to vector<16xf32>
    %mul3A_1882 = arith.mulf %select_n3A_1878, %get3A_1881 : vector<16xf32>
    %add3A_1883 = arith.addf %add3A_1817, %mul3A_1882 : vector<16xf32>
    %get3A_1884 = arith.constant 448 : index
    %get3A_1885 = tpu.vector_load %arg6[%get3A_1884] {strides = array<i32>} : memref<512xi32, #tpu.memory_space<vmem>>, vector<16xi32>,
    %get3A_1886 = vector.shape_cast %get3A_1885 : vector<16xi32> to vector<16xi32>
    %and3A_1887 = arith.constant 15 : i32
    %and3A_1888 = vector.broadcast %and3A_1887 : i32 to vector<16xi32>
    %and3A_1889 = arith.andi %get3A_1886, %and3A_1888 : vector<16xi32>
    %shift_right_arithmetic3A_1890 = arith.constant 4 : i32
    %shift_right_arithmetic3A_1891 = vector.broadcast %shift_right_arithmetic3A_1890 : i32 to vector<16xi32>
    %shift_right_arithmetic3A_1892 = arith.shrsi %get3A_1886, %shift_right_arithmetic3A_1891 : vector<16xi32>
    %lt3A_1893 = arith.constant 0 : i32
    %lt3A_1894 = vector.broadcast %lt3A_1893 : i32 to vector<16xi32>
    %lt3A_1895 = arith.cmpi slt, %and3A_1889, %lt3A_1894 : vector<16xi32>
    %add3A_1896 = arith.constant 16 : i32
    %add3A_1897 = vector.broadcast %add3A_1896 : i32 to vector<16xi32>
    %add3A_1898 = arith.addi %and3A_1889, %add3A_1897 : vector<16xi32>
    %select_n3A_1899 = arith.select %lt3A_1895, %add3A_1898, %and3A_1889 : vector<16xi1>, vector<16xi32>
    %broadcast_in_dim3A_1900 = vector.shape_cast %select_n3A_1899 : vector<16xi32> to vector<16x1xi32>
    %gather3A_1901 = vector.shape_cast %broadcast_in_dim3A_1900 : vector<16x1xi32> to vector<16xi32>
    %gather3A_1902 = tpu.dynamic_gather %div3A_10[%gather3A_1901] in [0] : vector<16xf32>, vector<16xi32> -> vector<16xf32>
    %lt3A_1903 = arith.constant 0 : i32
    %lt3A_1904 = vector.broadcast %lt3A_1903 : i32 to vector<16xi32>
    %lt3A_1905 = arith.cmpi slt, %and3A_1889, %lt3A_1904 : vector<16xi32>
    %add3A_1906 = arith.constant 16 : i32
    %add3A_1907 = vector.broadcast %add3A_1906 : i32 to vector<16xi32>
    %add3A_1908 = arith.addi %and3A_1889, %add3A_1907 : vector<16xi32>
    %select_n3A_1909 = arith.select %lt3A_1905, %add3A_1908, %and3A_1889 : vector<16xi1>, vector<16xi32>
    %broadcast_in_dim3A_1910 = vector.shape_cast %select_n3A_1909 : vector<16xi32> to vector<16x1xi32>
    %gather3A_1911 = vector.shape_cast %broadcast_in_dim3A_1910 : vector<16x1xi32> to vector<16xi32>
    %gather3A_1912 = tpu.dynamic_gather %div3A_20[%gather3A_1911] in [0] : vector<16xf32>, vector<16xi32> -> vector<16xf32>
    %eq3A_1913 = arith.constant 1 : i32
    %eq3A_1914 = vector.broadcast %eq3A_1913 : i32 to vector<16xi32>
    %eq3A_1915 = arith.cmpi eq, %shift_right_arithmetic3A_1892, %eq3A_1914 : vector<16xi32>
    %select_n3A_1916 = arith.select %eq3A_1915, %gather3A_1912, %gather3A_1902 : vector<16xi1>, vector<16xf32>
    %lt3A_1917 = arith.constant 0 : i32
    %lt3A_1918 = vector.broadcast %lt3A_1917 : i32 to vector<16xi32>
    %lt3A_1919 = arith.cmpi slt, %and3A_1889, %lt3A_1918 : vector<16xi32>
    %add3A_1920 = arith.constant 16 : i32
    %add3A_1921 = vector.broadcast %add3A_1920 : i32 to vector<16xi32>
    %add3A_1922 = arith.addi %and3A_1889, %add3A_1921 : vector<16xi32>
    %select_n3A_1923 = arith.select %lt3A_1919, %add3A_1922, %and3A_1889 : vector<16xi1>, vector<16xi32>
    %broadcast_in_dim3A_1924 = vector.shape_cast %select_n3A_1923 : vector<16xi32> to vector<16x1xi32>
    %gather3A_1925 = vector.shape_cast %broadcast_in_dim3A_1924 : vector<16x1xi32> to vector<16xi32>
    %gather3A_1926 = tpu.dynamic_gather %div3A_30[%gather3A_1925] in [0] : vector<16xf32>, vector<16xi32> -> vector<16xf32>
    %eq3A_1927 = arith.constant 2 : i32
    %eq3A_1928 = vector.broadcast %eq3A_1927 : i32 to vector<16xi32>
    %eq3A_1929 = arith.cmpi eq, %shift_right_arithmetic3A_1892, %eq3A_1928 : vector<16xi32>
    %select_n3A_1930 = arith.select %eq3A_1929, %gather3A_1926, %select_n3A_1916 : vector<16xi1>, vector<16xf32>
    %lt3A_1931 = arith.constant 0 : i32
    %lt3A_1932 = vector.broadcast %lt3A_1931 : i32 to vector<16xi32>
    %lt3A_1933 = arith.cmpi slt, %and3A_1889, %lt3A_1932 : vector<16xi32>
    %add3A_1934 = arith.constant 16 : i32
    %add3A_1935 = vector.broadcast %add3A_1934 : i32 to vector<16xi32>
    %add3A_1936 = arith.addi %and3A_1889, %add3A_1935 : vector<16xi32>
    %select_n3A_1937 = arith.select %lt3A_1933, %add3A_1936, %and3A_1889 : vector<16xi1>, vector<16xi32>
    %broadcast_in_dim3A_1938 = vector.shape_cast %select_n3A_1937 : vector<16xi32> to vector<16x1xi32>
    %gather3A_1939 = vector.shape_cast %broadcast_in_dim3A_1938 : vector<16x1xi32> to vector<16xi32>
    %gather3A_1940 = tpu.dynamic_gather %div3A_40[%gather3A_1939] in [0] : vector<16xf32>, vector<16xi32> -> vector<16xf32>
    %eq3A_1941 = arith.constant 3 : i32
    %eq3A_1942 = vector.broadcast %eq3A_1941 : i32 to vector<16xi32>
    %eq3A_1943 = arith.cmpi eq, %shift_right_arithmetic3A_1892, %eq3A_1942 : vector<16xi32>
    %select_n3A_1944 = arith.select %eq3A_1943, %gather3A_1940, %select_n3A_1930 : vector<16xi1>, vector<16xf32>
    %get3A_1945 = arith.constant 448 : index
    %get3A_1946 = tpu.vector_load %arg7[%get3A_1945] {strides = array<i32>} : memref<512xf32, #tpu.memory_space<vmem>>, vector<16xf32>,
    %get3A_1947 = vector.shape_cast %get3A_1946 : vector<16xf32> to vector<16xf32>
    %mul3A_1948 = arith.mulf %select_n3A_1944, %get3A_1947 : vector<16xf32>
    %add3A_1949 = arith.addf %add3A_1883, %mul3A_1948 : vector<16xf32>
    %get3A_1950 = arith.constant 464 : index
    %get3A_1951 = tpu.vector_load %arg6[%get3A_1950] {strides = array<i32>} : memref<512xi32, #tpu.memory_space<vmem>>, vector<16xi32>,
    %get3A_1952 = vector.shape_cast %get3A_1951 : vector<16xi32> to vector<16xi32>
    %and3A_1953 = arith.constant 15 : i32
    %and3A_1954 = vector.broadcast %and3A_1953 : i32 to vector<16xi32>
    %and3A_1955 = arith.andi %get3A_1952, %and3A_1954 : vector<16xi32>
    %shift_right_arithmetic3A_1956 = arith.constant 4 : i32
    %shift_right_arithmetic3A_1957 = vector.broadcast %shift_right_arithmetic3A_1956 : i32 to vector<16xi32>
    %shift_right_arithmetic3A_1958 = arith.shrsi %get3A_1952, %shift_right_arithmetic3A_1957 : vector<16xi32>
    %lt3A_1959 = arith.constant 0 : i32
    %lt3A_1960 = vector.broadcast %lt3A_1959 : i32 to vector<16xi32>
    %lt3A_1961 = arith.cmpi slt, %and3A_1955, %lt3A_1960 : vector<16xi32>
    %add3A_1962 = arith.constant 16 : i32
    %add3A_1963 = vector.broadcast %add3A_1962 : i32 to vector<16xi32>
    %add3A_1964 = arith.addi %and3A_1955, %add3A_1963 : vector<16xi32>
    %select_n3A_1965 = arith.select %lt3A_1961, %add3A_1964, %and3A_1955 : vector<16xi1>, vector<16xi32>
    %broadcast_in_dim3A_1966 = vector.shape_cast %select_n3A_1965 : vector<16xi32> to vector<16x1xi32>
    %gather3A_1967 = vector.shape_cast %broadcast_in_dim3A_1966 : vector<16x1xi32> to vector<16xi32>
    %gather3A_1968 = tpu.dynamic_gather %div3A_10[%gather3A_1967] in [0] : vector<16xf32>, vector<16xi32> -> vector<16xf32>
    %lt3A_1969 = arith.constant 0 : i32
    %lt3A_1970 = vector.broadcast %lt3A_1969 : i32 to vector<16xi32>
    %lt3A_1971 = arith.cmpi slt, %and3A_1955, %lt3A_1970 : vector<16xi32>
    %add3A_1972 = arith.constant 16 : i32
    %add3A_1973 = vector.broadcast %add3A_1972 : i32 to vector<16xi32>
    %add3A_1974 = arith.addi %and3A_1955, %add3A_1973 : vector<16xi32>
    %select_n3A_1975 = arith.select %lt3A_1971, %add3A_1974, %and3A_1955 : vector<16xi1>, vector<16xi32>
    %broadcast_in_dim3A_1976 = vector.shape_cast %select_n3A_1975 : vector<16xi32> to vector<16x1xi32>
    %gather3A_1977 = vector.shape_cast %broadcast_in_dim3A_1976 : vector<16x1xi32> to vector<16xi32>
    %gather3A_1978 = tpu.dynamic_gather %div3A_20[%gather3A_1977] in [0] : vector<16xf32>, vector<16xi32> -> vector<16xf32>
    %eq3A_1979 = arith.constant 1 : i32
    %eq3A_1980 = vector.broadcast %eq3A_1979 : i32 to vector<16xi32>
    %eq3A_1981 = arith.cmpi eq, %shift_right_arithmetic3A_1958, %eq3A_1980 : vector<16xi32>
    %select_n3A_1982 = arith.select %eq3A_1981, %gather3A_1978, %gather3A_1968 : vector<16xi1>, vector<16xf32>
    %lt3A_1983 = arith.constant 0 : i32
    %lt3A_1984 = vector.broadcast %lt3A_1983 : i32 to vector<16xi32>
    %lt3A_1985 = arith.cmpi slt, %and3A_1955, %lt3A_1984 : vector<16xi32>
    %add3A_1986 = arith.constant 16 : i32
    %add3A_1987 = vector.broadcast %add3A_1986 : i32 to vector<16xi32>
    %add3A_1988 = arith.addi %and3A_1955, %add3A_1987 : vector<16xi32>
    %select_n3A_1989 = arith.select %lt3A_1985, %add3A_1988, %and3A_1955 : vector<16xi1>, vector<16xi32>
    %broadcast_in_dim3A_1990 = vector.shape_cast %select_n3A_1989 : vector<16xi32> to vector<16x1xi32>
    %gather3A_1991 = vector.shape_cast %broadcast_in_dim3A_1990 : vector<16x1xi32> to vector<16xi32>
    %gather3A_1992 = tpu.dynamic_gather %div3A_30[%gather3A_1991] in [0] : vector<16xf32>, vector<16xi32> -> vector<16xf32>
    %eq3A_1993 = arith.constant 2 : i32
    %eq3A_1994 = vector.broadcast %eq3A_1993 : i32 to vector<16xi32>
    %eq3A_1995 = arith.cmpi eq, %shift_right_arithmetic3A_1958, %eq3A_1994 : vector<16xi32>
    %select_n3A_1996 = arith.select %eq3A_1995, %gather3A_1992, %select_n3A_1982 : vector<16xi1>, vector<16xf32>
    %lt3A_1997 = arith.constant 0 : i32
    %lt3A_1998 = vector.broadcast %lt3A_1997 : i32 to vector<16xi32>
    %lt3A_1999 = arith.cmpi slt, %and3A_1955, %lt3A_1998 : vector<16xi32>
    %add3A_2000 = arith.constant 16 : i32
    %add3A_2001 = vector.broadcast %add3A_2000 : i32 to vector<16xi32>
    %add3A_2002 = arith.addi %and3A_1955, %add3A_2001 : vector<16xi32>
    %select_n3A_2003 = arith.select %lt3A_1999, %add3A_2002, %and3A_1955 : vector<16xi1>, vector<16xi32>
    %broadcast_in_dim3A_2004 = vector.shape_cast %select_n3A_2003 : vector<16xi32> to vector<16x1xi32>
    %gather3A_2005 = vector.shape_cast %broadcast_in_dim3A_2004 : vector<16x1xi32> to vector<16xi32>
    %gather3A_2006 = tpu.dynamic_gather %div3A_40[%gather3A_2005] in [0] : vector<16xf32>, vector<16xi32> -> vector<16xf32>
    %eq3A_2007 = arith.constant 3 : i32
    %eq3A_2008 = vector.broadcast %eq3A_2007 : i32 to vector<16xi32>
    %eq3A_2009 = arith.cmpi eq, %shift_right_arithmetic3A_1958, %eq3A_2008 : vector<16xi32>
    %select_n3A_2010 = arith.select %eq3A_2009, %gather3A_2006, %select_n3A_1996 : vector<16xi1>, vector<16xf32>
    %get3A_2011 = arith.constant 464 : index
    %get3A_2012 = tpu.vector_load %arg7[%get3A_2011] {strides = array<i32>} : memref<512xf32, #tpu.memory_space<vmem>>, vector<16xf32>,
    %get3A_2013 = vector.shape_cast %get3A_2012 : vector<16xf32> to vector<16xf32>
    %mul3A_2014 = arith.mulf %select_n3A_2010, %get3A_2013 : vector<16xf32>
    %add3A_2015 = arith.addf %add3A_1949, %mul3A_2014 : vector<16xf32>
    %get3A_2016 = arith.constant 480 : index
    %get3A_2017 = tpu.vector_load %arg6[%get3A_2016] {strides = array<i32>} : memref<512xi32, #tpu.memory_space<vmem>>, vector<16xi32>,
    %get3A_2018 = vector.shape_cast %get3A_2017 : vector<16xi32> to vector<16xi32>
    %and3A_2019 = arith.constant 15 : i32
    %and3A_2020 = vector.broadcast %and3A_2019 : i32 to vector<16xi32>
    %and3A_2021 = arith.andi %get3A_2018, %and3A_2020 : vector<16xi32>
    %shift_right_arithmetic3A_2022 = arith.constant 4 : i32
    %shift_right_arithmetic3A_2023 = vector.broadcast %shift_right_arithmetic3A_2022 : i32 to vector<16xi32>
    %shift_right_arithmetic3A_2024 = arith.shrsi %get3A_2018, %shift_right_arithmetic3A_2023 : vector<16xi32>
    %lt3A_2025 = arith.constant 0 : i32
    %lt3A_2026 = vector.broadcast %lt3A_2025 : i32 to vector<16xi32>
    %lt3A_2027 = arith.cmpi slt, %and3A_2021, %lt3A_2026 : vector<16xi32>
    %add3A_2028 = arith.constant 16 : i32
    %add3A_2029 = vector.broadcast %add3A_2028 : i32 to vector<16xi32>
    %add3A_2030 = arith.addi %and3A_2021, %add3A_2029 : vector<16xi32>
    %select_n3A_2031 = arith.select %lt3A_2027, %add3A_2030, %and3A_2021 : vector<16xi1>, vector<16xi32>
    %broadcast_in_dim3A_2032 = vector.shape_cast %select_n3A_2031 : vector<16xi32> to vector<16x1xi32>
    %gather3A_2033 = vector.shape_cast %broadcast_in_dim3A_2032 : vector<16x1xi32> to vector<16xi32>
    %gather3A_2034 = tpu.dynamic_gather %div3A_10[%gather3A_2033] in [0] : vector<16xf32>, vector<16xi32> -> vector<16xf32>
    %lt3A_2035 = arith.constant 0 : i32
    %lt3A_2036 = vector.broadcast %lt3A_2035 : i32 to vector<16xi32>
    %lt3A_2037 = arith.cmpi slt, %and3A_2021, %lt3A_2036 : vector<16xi32>
    %add3A_2038 = arith.constant 16 : i32
    %add3A_2039 = vector.broadcast %add3A_2038 : i32 to vector<16xi32>
    %add3A_2040 = arith.addi %and3A_2021, %add3A_2039 : vector<16xi32>
    %select_n3A_2041 = arith.select %lt3A_2037, %add3A_2040, %and3A_2021 : vector<16xi1>, vector<16xi32>
    %broadcast_in_dim3A_2042 = vector.shape_cast %select_n3A_2041 : vector<16xi32> to vector<16x1xi32>
    %gather3A_2043 = vector.shape_cast %broadcast_in_dim3A_2042 : vector<16x1xi32> to vector<16xi32>
    %gather3A_2044 = tpu.dynamic_gather %div3A_20[%gather3A_2043] in [0] : vector<16xf32>, vector<16xi32> -> vector<16xf32>
    %eq3A_2045 = arith.constant 1 : i32
    %eq3A_2046 = vector.broadcast %eq3A_2045 : i32 to vector<16xi32>
    %eq3A_2047 = arith.cmpi eq, %shift_right_arithmetic3A_2024, %eq3A_2046 : vector<16xi32>
    %select_n3A_2048 = arith.select %eq3A_2047, %gather3A_2044, %gather3A_2034 : vector<16xi1>, vector<16xf32>
    %lt3A_2049 = arith.constant 0 : i32
    %lt3A_2050 = vector.broadcast %lt3A_2049 : i32 to vector<16xi32>
    %lt3A_2051 = arith.cmpi slt, %and3A_2021, %lt3A_2050 : vector<16xi32>
    %add3A_2052 = arith.constant 16 : i32
    %add3A_2053 = vector.broadcast %add3A_2052 : i32 to vector<16xi32>
    %add3A_2054 = arith.addi %and3A_2021, %add3A_2053 : vector<16xi32>
    %select_n3A_2055 = arith.select %lt3A_2051, %add3A_2054, %and3A_2021 : vector<16xi1>, vector<16xi32>
    %broadcast_in_dim3A_2056 = vector.shape_cast %select_n3A_2055 : vector<16xi32> to vector<16x1xi32>
    %gather3A_2057 = vector.shape_cast %broadcast_in_dim3A_2056 : vector<16x1xi32> to vector<16xi32>
    %gather3A_2058 = tpu.dynamic_gather %div3A_30[%gather3A_2057] in [0] : vector<16xf32>, vector<16xi32> -> vector<16xf32>
    %eq3A_2059 = arith.constant 2 : i32
    %eq3A_2060 = vector.broadcast %eq3A_2059 : i32 to vector<16xi32>
    %eq3A_2061 = arith.cmpi eq, %shift_right_arithmetic3A_2024, %eq3A_2060 : vector<16xi32>
    %select_n3A_2062 = arith.select %eq3A_2061, %gather3A_2058, %select_n3A_2048 : vector<16xi1>, vector<16xf32>
    %lt3A_2063 = arith.constant 0 : i32
    %lt3A_2064 = vector.broadcast %lt3A_2063 : i32 to vector<16xi32>
    %lt3A_2065 = arith.cmpi slt, %and3A_2021, %lt3A_2064 : vector<16xi32>
    %add3A_2066 = arith.constant 16 : i32
    %add3A_2067 = vector.broadcast %add3A_2066 : i32 to vector<16xi32>
    %add3A_2068 = arith.addi %and3A_2021, %add3A_2067 : vector<16xi32>
    %select_n3A_2069 = arith.select %lt3A_2065, %add3A_2068, %and3A_2021 : vector<16xi1>, vector<16xi32>
    %broadcast_in_dim3A_2070 = vector.shape_cast %select_n3A_2069 : vector<16xi32> to vector<16x1xi32>
    %gather3A_2071 = vector.shape_cast %broadcast_in_dim3A_2070 : vector<16x1xi32> to vector<16xi32>
    %gather3A_2072 = tpu.dynamic_gather %div3A_40[%gather3A_2071] in [0] : vector<16xf32>, vector<16xi32> -> vector<16xf32>
    %eq3A_2073 = arith.constant 3 : i32
    %eq3A_2074 = vector.broadcast %eq3A_2073 : i32 to vector<16xi32>
    %eq3A_2075 = arith.cmpi eq, %shift_right_arithmetic3A_2024, %eq3A_2074 : vector<16xi32>
    %select_n3A_2076 = arith.select %eq3A_2075, %gather3A_2072, %select_n3A_2062 : vector<16xi1>, vector<16xf32>
    %get3A_2077 = arith.constant 480 : index
    %get3A_2078 = tpu.vector_load %arg7[%get3A_2077] {strides = array<i32>} : memref<512xf32, #tpu.memory_space<vmem>>, vector<16xf32>,
    %get3A_2079 = vector.shape_cast %get3A_2078 : vector<16xf32> to vector<16xf32>
    %mul3A_2080 = arith.mulf %select_n3A_2076, %get3A_2079 : vector<16xf32>
    %add3A_2081 = arith.addf %add3A_2015, %mul3A_2080 : vector<16xf32>
    %get3A_2082 = arith.constant 496 : index
    %get3A_2083 = tpu.vector_load %arg6[%get3A_2082] {strides = array<i32>} : memref<512xi32, #tpu.memory_space<vmem>>, vector<16xi32>,
    %get3A_2084 = vector.shape_cast %get3A_2083 : vector<16xi32> to vector<16xi32>
    %and3A_2085 = arith.constant 15 : i32
    %and3A_2086 = vector.broadcast %and3A_2085 : i32 to vector<16xi32>
    %and3A_2087 = arith.andi %get3A_2084, %and3A_2086 : vector<16xi32>
    %shift_right_arithmetic3A_2088 = arith.constant 4 : i32
    %shift_right_arithmetic3A_2089 = vector.broadcast %shift_right_arithmetic3A_2088 : i32 to vector<16xi32>
    %shift_right_arithmetic3A_2090 = arith.shrsi %get3A_2084, %shift_right_arithmetic3A_2089 : vector<16xi32>
    %lt3A_2091 = arith.constant 0 : i32
    %lt3A_2092 = vector.broadcast %lt3A_2091 : i32 to vector<16xi32>
    %lt3A_2093 = arith.cmpi slt, %and3A_2087, %lt3A_2092 : vector<16xi32>
    %add3A_2094 = arith.constant 16 : i32
    %add3A_2095 = vector.broadcast %add3A_2094 : i32 to vector<16xi32>
    %add3A_2096 = arith.addi %and3A_2087, %add3A_2095 : vector<16xi32>
    %select_n3A_2097 = arith.select %lt3A_2093, %add3A_2096, %and3A_2087 : vector<16xi1>, vector<16xi32>
    %broadcast_in_dim3A_2098 = vector.shape_cast %select_n3A_2097 : vector<16xi32> to vector<16x1xi32>
    %gather3A_2099 = vector.shape_cast %broadcast_in_dim3A_2098 : vector<16x1xi32> to vector<16xi32>
    %gather3A_2100 = tpu.dynamic_gather %div3A_10[%gather3A_2099] in [0] : vector<16xf32>, vector<16xi32> -> vector<16xf32>
    %lt3A_2101 = arith.constant 0 : i32
    %lt3A_2102 = vector.broadcast %lt3A_2101 : i32 to vector<16xi32>
    %lt3A_2103 = arith.cmpi slt, %and3A_2087, %lt3A_2102 : vector<16xi32>
    %add3A_2104 = arith.constant 16 : i32
    %add3A_2105 = vector.broadcast %add3A_2104 : i32 to vector<16xi32>
    %add3A_2106 = arith.addi %and3A_2087, %add3A_2105 : vector<16xi32>
    %select_n3A_2107 = arith.select %lt3A_2103, %add3A_2106, %and3A_2087 : vector<16xi1>, vector<16xi32>
    %broadcast_in_dim3A_2108 = vector.shape_cast %select_n3A_2107 : vector<16xi32> to vector<16x1xi32>
    %gather3A_2109 = vector.shape_cast %broadcast_in_dim3A_2108 : vector<16x1xi32> to vector<16xi32>
    %gather3A_2110 = tpu.dynamic_gather %div3A_20[%gather3A_2109] in [0] : vector<16xf32>, vector<16xi32> -> vector<16xf32>
    %eq3A_2111 = arith.constant 1 : i32
    %eq3A_2112 = vector.broadcast %eq3A_2111 : i32 to vector<16xi32>
    %eq3A_2113 = arith.cmpi eq, %shift_right_arithmetic3A_2090, %eq3A_2112 : vector<16xi32>
    %select_n3A_2114 = arith.select %eq3A_2113, %gather3A_2110, %gather3A_2100 : vector<16xi1>, vector<16xf32>
    %lt3A_2115 = arith.constant 0 : i32
    %lt3A_2116 = vector.broadcast %lt3A_2115 : i32 to vector<16xi32>
    %lt3A_2117 = arith.cmpi slt, %and3A_2087, %lt3A_2116 : vector<16xi32>
    %add3A_2118 = arith.constant 16 : i32
    %add3A_2119 = vector.broadcast %add3A_2118 : i32 to vector<16xi32>
    %add3A_2120 = arith.addi %and3A_2087, %add3A_2119 : vector<16xi32>
    %select_n3A_2121 = arith.select %lt3A_2117, %add3A_2120, %and3A_2087 : vector<16xi1>, vector<16xi32>
    %broadcast_in_dim3A_2122 = vector.shape_cast %select_n3A_2121 : vector<16xi32> to vector<16x1xi32>
    %gather3A_2123 = vector.shape_cast %broadcast_in_dim3A_2122 : vector<16x1xi32> to vector<16xi32>
    %gather3A_2124 = tpu.dynamic_gather %div3A_30[%gather3A_2123] in [0] : vector<16xf32>, vector<16xi32> -> vector<16xf32>
    %eq3A_2125 = arith.constant 2 : i32
    %eq3A_2126 = vector.broadcast %eq3A_2125 : i32 to vector<16xi32>
    %eq3A_2127 = arith.cmpi eq, %shift_right_arithmetic3A_2090, %eq3A_2126 : vector<16xi32>
    %select_n3A_2128 = arith.select %eq3A_2127, %gather3A_2124, %select_n3A_2114 : vector<16xi1>, vector<16xf32>
    %lt3A_2129 = arith.constant 0 : i32
    %lt3A_2130 = vector.broadcast %lt3A_2129 : i32 to vector<16xi32>
    %lt3A_2131 = arith.cmpi slt, %and3A_2087, %lt3A_2130 : vector<16xi32>
    %add3A_2132 = arith.constant 16 : i32
    %add3A_2133 = vector.broadcast %add3A_2132 : i32 to vector<16xi32>
    %add3A_2134 = arith.addi %and3A_2087, %add3A_2133 : vector<16xi32>
    %select_n3A_2135 = arith.select %lt3A_2131, %add3A_2134, %and3A_2087 : vector<16xi1>, vector<16xi32>
    %broadcast_in_dim3A_2136 = vector.shape_cast %select_n3A_2135 : vector<16xi32> to vector<16x1xi32>
    %gather3A_2137 = vector.shape_cast %broadcast_in_dim3A_2136 : vector<16x1xi32> to vector<16xi32>
    %gather3A_2138 = tpu.dynamic_gather %div3A_40[%gather3A_2137] in [0] : vector<16xf32>, vector<16xi32> -> vector<16xf32>
    %eq3A_2139 = arith.constant 3 : i32
    %eq3A_2140 = vector.broadcast %eq3A_2139 : i32 to vector<16xi32>
    %eq3A_2141 = arith.cmpi eq, %shift_right_arithmetic3A_2090, %eq3A_2140 : vector<16xi32>
    %select_n3A_2142 = arith.select %eq3A_2141, %gather3A_2138, %select_n3A_2128 : vector<16xi1>, vector<16xf32>
    %get3A_2143 = arith.constant 496 : index
    %get3A_2144 = tpu.vector_load %arg7[%get3A_2143] {strides = array<i32>} : memref<512xf32, #tpu.memory_space<vmem>>, vector<16xf32>,
    %get3A_2145 = vector.shape_cast %get3A_2144 : vector<16xf32> to vector<16xf32>
    %mul3A_2146 = arith.mulf %select_n3A_2142, %get3A_2145 : vector<16xf32>
    %add3A_2147 = arith.addf %add3A_2081, %mul3A_2146 : vector<16xf32>
    %swap3A = arith.constant 0 : index
    %swap3A_2148 = tpu.vector_load %arg9[%swap3A] {strides = array<i32>} : memref<16xf32, #tpu.memory_space<vmem>>, vector<16xf32>,
    %swap3A_2149 = vector.shape_cast %swap3A_2148 : vector<16xf32> to vector<16xf32>
    %swap3A_2150 = vector.shape_cast %add3A_2147 : vector<16xf32> to vector<16xf32>
    tpu.vector_store %arg9[%swap3A], %swap3A_2150 {strides = array<i32>} : memref<16xf32, #tpu.memory_space<vmem>>, vector<16xf32>,
    "tpu.region"() ({
      %run_scoped3A = tpu.sem_alloc : memref<!tpu.dma_semaphore, #tpu.memory_space<semaphore_mem>>
      %dma_start3A = arith.constant 0 : i32
      %dma_start3A_2151 = tpu.memref_slice %arg5[%add3A, %dma_start3A] : memref<32x16xf32, #tpu.memory_space<hbm>> -> memref<1x16xf32, #tpu.memory_space<hbm>>
      %dma_start3A_2152 = tpu.memref_squeeze %dma_start3A_2151 : memref<1x16xf32, #tpu.memory_space<hbm>> -> memref<16xf32, #tpu.memory_space<hbm>>
      %dma_start3A_2153 = arith.constant 0 : i32
      %dma_start3A_2154 = tpu.memref_slice %arg5[%add3A, %dma_start3A_2153] : memref<32x16xf32, #tpu.memory_space<hbm>> -> memref<1x16xf32, #tpu.memory_space<hbm>>
      %dma_start3A_2155 = tpu.memref_squeeze %dma_start3A_2154 : memref<1x16xf32, #tpu.memory_space<hbm>> -> memref<16xf32, #tpu.memory_space<hbm>>
      tpu.enqueue_dma source(%arg9 : memref<16xf32, #tpu.memory_space<vmem>>) target(%dma_start3A_2155 : memref<16xf32, #tpu.memory_space<hbm>>) target_semaphore(%run_scoped3A : memref<!tpu.dma_semaphore, #tpu.memory_space<semaphore_mem>>)
      %dma_wait3A = arith.constant 0 : i32
      %dma_wait3A_2156 = tpu.memref_slice %arg5[%add3A, %dma_wait3A] : memref<32x16xf32, #tpu.memory_space<hbm>> -> memref<1x16xf32, #tpu.memory_space<hbm>>
      %dma_wait3A_2157 = tpu.memref_squeeze %dma_wait3A_2156 : memref<1x16xf32, #tpu.memory_space<hbm>> -> memref<16xf32, #tpu.memory_space<hbm>>
      %dma_wait3A_2158 = arith.constant 0 : i32
      %dma_wait3A_2159 = tpu.memref_slice %arg5[%add3A, %dma_wait3A_2158] : memref<32x16xf32, #tpu.memory_space<hbm>> -> memref<1x16xf32, #tpu.memory_space<hbm>>
      %dma_wait3A_2160 = tpu.memref_squeeze %dma_wait3A_2159 : memref<1x16xf32, #tpu.memory_space<hbm>> -> memref<16xf32, #tpu.memory_space<hbm>>
      tpu.wait_dma2 semaphore(%run_scoped3A : memref<!tpu.dma_semaphore, #tpu.memory_space<semaphore_mem>>) src(%arg9 : memref<16xf32, #tpu.memory_space<vmem>>) dst(%dma_wait3A_2160 : memref<16xf32, #tpu.memory_space<hbm>>)
      tpu.yield
    }) : () -> ()
    return
  }
}

module attributes {stable_mosaic.version = 14 : i64} {
  func.func @_tc_rowsse_kernel(%arg0: i32, %arg1: memref<16384x512xf32, #tpu.memory_space<any>>, %arg2: memref<16384x512xf32, #tpu.memory_space<any>>, %arg3: memref<1024x1xf32, #tpu.memory_space<vmem>>, %arg4: memref<4x1024x512xf32, #tpu.memory_space<vmem>>, %arg5: memref<4x1024x512xf32, #tpu.memory_space<vmem>>, %arg6: memref<2x4x!tpu.dma_semaphore, #tpu.memory_space<semaphore_mem>>) attributes {dimension_semantics = [#tpu.dimension_semantics<arbitrary>], iteration_bounds = array<i64: 16>, scalar_prefetch = 0 : i64, scratch_operands = 3 : i64, tpu.core_type = #tpu.core_type<tc>, window_params = [{}, {}, {transform_indices = @transform_2, window_bounds = array<i64: 1024, 1>}]} {
    %eq3A = arith.constant 0 : i32
    %eq3A_0 = arith.cmpi eq, %arg0, %eq3A : i32
    %convert_element_type3A = arith.extui %eq3A_0 : i1 to i32
    %cond3A = arith.constant 0 : i32
    %cond3A_1 = arith.cmpi ne, %convert_element_type3A, %cond3A : i32
    scf.if %cond3A_1 {
      %dma_start3A = arith.constant 0 : i32
      %dma_start3A_41 = arith.constant 0 : i32
      %dma_start3A_42 = arith.constant 0 : i32
      %dma_start3A_43 = tpu.memref_slice %arg6[%dma_start3A_41, %dma_start3A_42] : memref<2x4x!tpu.dma_semaphore, #tpu.memory_space<semaphore_mem>> -> memref<1x1x!tpu.dma_semaphore, #tpu.memory_space<semaphore_mem>>
      %dma_start3A_44 = tpu.memref_squeeze %dma_start3A_43 : memref<1x1x!tpu.dma_semaphore, #tpu.memory_space<semaphore_mem>> -> memref<!tpu.dma_semaphore, #tpu.memory_space<semaphore_mem>>
      %dma_start3A_45 = arith.constant 0 : i32
      %dma_start3A_46 = arith.constant 0 : i32
      %dma_start3A_47 = tpu.memref_slice %arg4[%dma_start3A, %dma_start3A_45, %dma_start3A_46] : memref<4x1024x512xf32, #tpu.memory_space<vmem>> -> memref<1x1024x512xf32, #tpu.memory_space<vmem>>
      %dma_start3A_48 = tpu.memref_squeeze %dma_start3A_47 : memref<1x1024x512xf32, #tpu.memory_space<vmem>> -> memref<1024x512xf32, #tpu.memory_space<vmem>>
      %dma_start3A_49 = arith.constant 0 : i32
      %dma_start3A_50 = arith.constant 0 : i32
      %dma_start3A_51 = tpu.memref_slice %arg1[%dma_start3A_49, %dma_start3A_50] : memref<16384x512xf32, #tpu.memory_space<any>> -> memref<1024x512xf32, #tpu.memory_space<any>>
      tpu.enqueue_dma source(%dma_start3A_51 : memref<1024x512xf32, #tpu.memory_space<any>>) target(%dma_start3A_48 : memref<1024x512xf32, #tpu.memory_space<vmem>>) target_semaphore(%dma_start3A_44 : memref<!tpu.dma_semaphore, #tpu.memory_space<semaphore_mem>>)
      %dma_start3A_52 = arith.constant 0 : i32
      %dma_start3A_53 = arith.constant 1 : i32
      %dma_start3A_54 = arith.constant 0 : i32
      %dma_start3A_55 = tpu.memref_slice %arg6[%dma_start3A_53, %dma_start3A_54] : memref<2x4x!tpu.dma_semaphore, #tpu.memory_space<semaphore_mem>> -> memref<1x1x!tpu.dma_semaphore, #tpu.memory_space<semaphore_mem>>
      %dma_start3A_56 = tpu.memref_squeeze %dma_start3A_55 : memref<1x1x!tpu.dma_semaphore, #tpu.memory_space<semaphore_mem>> -> memref<!tpu.dma_semaphore, #tpu.memory_space<semaphore_mem>>
      %dma_start3A_57 = arith.constant 0 : i32
      %dma_start3A_58 = arith.constant 0 : i32
      %dma_start3A_59 = tpu.memref_slice %arg5[%dma_start3A_52, %dma_start3A_57, %dma_start3A_58] : memref<4x1024x512xf32, #tpu.memory_space<vmem>> -> memref<1x1024x512xf32, #tpu.memory_space<vmem>>
      %dma_start3A_60 = tpu.memref_squeeze %dma_start3A_59 : memref<1x1024x512xf32, #tpu.memory_space<vmem>> -> memref<1024x512xf32, #tpu.memory_space<vmem>>
      %dma_start3A_61 = arith.constant 0 : i32
      %dma_start3A_62 = arith.constant 0 : i32
      %dma_start3A_63 = tpu.memref_slice %arg2[%dma_start3A_61, %dma_start3A_62] : memref<16384x512xf32, #tpu.memory_space<any>> -> memref<1024x512xf32, #tpu.memory_space<any>>
      tpu.enqueue_dma source(%dma_start3A_63 : memref<1024x512xf32, #tpu.memory_space<any>>) target(%dma_start3A_60 : memref<1024x512xf32, #tpu.memory_space<vmem>>) target_semaphore(%dma_start3A_56 : memref<!tpu.dma_semaphore, #tpu.memory_space<semaphore_mem>>) {priority = 1 : i32}
      %dma_start3A_64 = arith.constant 1 : i32
      %dma_start3A_65 = arith.constant 0 : i32
      %dma_start3A_66 = arith.constant 1 : i32
      %dma_start3A_67 = tpu.memref_slice %arg6[%dma_start3A_65, %dma_start3A_66] : memref<2x4x!tpu.dma_semaphore, #tpu.memory_space<semaphore_mem>> -> memref<1x1x!tpu.dma_semaphore, #tpu.memory_space<semaphore_mem>>
      %dma_start3A_68 = tpu.memref_squeeze %dma_start3A_67 : memref<1x1x!tpu.dma_semaphore, #tpu.memory_space<semaphore_mem>> -> memref<!tpu.dma_semaphore, #tpu.memory_space<semaphore_mem>>
      %dma_start3A_69 = arith.constant 0 : i32
      %dma_start3A_70 = arith.constant 0 : i32
      %dma_start3A_71 = tpu.memref_slice %arg4[%dma_start3A_64, %dma_start3A_69, %dma_start3A_70] : memref<4x1024x512xf32, #tpu.memory_space<vmem>> -> memref<1x1024x512xf32, #tpu.memory_space<vmem>>
      %dma_start3A_72 = tpu.memref_squeeze %dma_start3A_71 : memref<1x1024x512xf32, #tpu.memory_space<vmem>> -> memref<1024x512xf32, #tpu.memory_space<vmem>>
      %dma_start3A_73 = arith.constant 1024 : i32
      %dma_start3A_74 = arith.constant 0 : i32
      %dma_start3A_75 = tpu.memref_slice %arg1[%dma_start3A_73, %dma_start3A_74] : memref<16384x512xf32, #tpu.memory_space<any>> -> memref<1024x512xf32, #tpu.memory_space<any>>
      tpu.enqueue_dma source(%dma_start3A_75 : memref<1024x512xf32, #tpu.memory_space<any>>) target(%dma_start3A_72 : memref<1024x512xf32, #tpu.memory_space<vmem>>) target_semaphore(%dma_start3A_68 : memref<!tpu.dma_semaphore, #tpu.memory_space<semaphore_mem>>)
      %dma_start3A_76 = arith.constant 1 : i32
      %dma_start3A_77 = arith.constant 1 : i32
      %dma_start3A_78 = arith.constant 1 : i32
      %dma_start3A_79 = tpu.memref_slice %arg6[%dma_start3A_77, %dma_start3A_78] : memref<2x4x!tpu.dma_semaphore, #tpu.memory_space<semaphore_mem>> -> memref<1x1x!tpu.dma_semaphore, #tpu.memory_space<semaphore_mem>>
      %dma_start3A_80 = tpu.memref_squeeze %dma_start3A_79 : memref<1x1x!tpu.dma_semaphore, #tpu.memory_space<semaphore_mem>> -> memref<!tpu.dma_semaphore, #tpu.memory_space<semaphore_mem>>
      %dma_start3A_81 = arith.constant 0 : i32
      %dma_start3A_82 = arith.constant 0 : i32
      %dma_start3A_83 = tpu.memref_slice %arg5[%dma_start3A_76, %dma_start3A_81, %dma_start3A_82] : memref<4x1024x512xf32, #tpu.memory_space<vmem>> -> memref<1x1024x512xf32, #tpu.memory_space<vmem>>
      %dma_start3A_84 = tpu.memref_squeeze %dma_start3A_83 : memref<1x1024x512xf32, #tpu.memory_space<vmem>> -> memref<1024x512xf32, #tpu.memory_space<vmem>>
      %dma_start3A_85 = arith.constant 1024 : i32
      %dma_start3A_86 = arith.constant 0 : i32
      %dma_start3A_87 = tpu.memref_slice %arg2[%dma_start3A_85, %dma_start3A_86] : memref<16384x512xf32, #tpu.memory_space<any>> -> memref<1024x512xf32, #tpu.memory_space<any>>
      tpu.enqueue_dma source(%dma_start3A_87 : memref<1024x512xf32, #tpu.memory_space<any>>) target(%dma_start3A_84 : memref<1024x512xf32, #tpu.memory_space<vmem>>) target_semaphore(%dma_start3A_80 : memref<!tpu.dma_semaphore, #tpu.memory_space<semaphore_mem>>) {priority = 1 : i32}
      %dma_start3A_88 = arith.constant 2 : i32
      %dma_start3A_89 = arith.constant 0 : i32
      %dma_start3A_90 = arith.constant 2 : i32
      %dma_start3A_91 = tpu.memref_slice %arg6[%dma_start3A_89, %dma_start3A_90] : memref<2x4x!tpu.dma_semaphore, #tpu.memory_space<semaphore_mem>> -> memref<1x1x!tpu.dma_semaphore, #tpu.memory_space<semaphore_mem>>
      %dma_start3A_92 = tpu.memref_squeeze %dma_start3A_91 : memref<1x1x!tpu.dma_semaphore, #tpu.memory_space<semaphore_mem>> -> memref<!tpu.dma_semaphore, #tpu.memory_space<semaphore_mem>>
      %dma_start3A_93 = arith.constant 0 : i32
      %dma_start3A_94 = arith.constant 0 : i32
      %dma_start3A_95 = tpu.memref_slice %arg4[%dma_start3A_88, %dma_start3A_93, %dma_start3A_94] : memref<4x1024x512xf32, #tpu.memory_space<vmem>> -> memref<1x1024x512xf32, #tpu.memory_space<vmem>>
      %dma_start3A_96 = tpu.memref_squeeze %dma_start3A_95 : memref<1x1024x512xf32, #tpu.memory_space<vmem>> -> memref<1024x512xf32, #tpu.memory_space<vmem>>
      %dma_start3A_97 = arith.constant 2048 : i32
      %dma_start3A_98 = arith.constant 0 : i32
      %dma_start3A_99 = tpu.memref_slice %arg1[%dma_start3A_97, %dma_start3A_98] : memref<16384x512xf32, #tpu.memory_space<any>> -> memref<1024x512xf32, #tpu.memory_space<any>>
      tpu.enqueue_dma source(%dma_start3A_99 : memref<1024x512xf32, #tpu.memory_space<any>>) target(%dma_start3A_96 : memref<1024x512xf32, #tpu.memory_space<vmem>>) target_semaphore(%dma_start3A_92 : memref<!tpu.dma_semaphore, #tpu.memory_space<semaphore_mem>>)
      %dma_start3A_100 = arith.constant 2 : i32
      %dma_start3A_101 = arith.constant 1 : i32
      %dma_start3A_102 = arith.constant 2 : i32
      %dma_start3A_103 = tpu.memref_slice %arg6[%dma_start3A_101, %dma_start3A_102] : memref<2x4x!tpu.dma_semaphore, #tpu.memory_space<semaphore_mem>> -> memref<1x1x!tpu.dma_semaphore, #tpu.memory_space<semaphore_mem>>
      %dma_start3A_104 = tpu.memref_squeeze %dma_start3A_103 : memref<1x1x!tpu.dma_semaphore, #tpu.memory_space<semaphore_mem>> -> memref<!tpu.dma_semaphore, #tpu.memory_space<semaphore_mem>>
      %dma_start3A_105 = arith.constant 0 : i32
      %dma_start3A_106 = arith.constant 0 : i32
      %dma_start3A_107 = tpu.memref_slice %arg5[%dma_start3A_100, %dma_start3A_105, %dma_start3A_106] : memref<4x1024x512xf32, #tpu.memory_space<vmem>> -> memref<1x1024x512xf32, #tpu.memory_space<vmem>>
      %dma_start3A_108 = tpu.memref_squeeze %dma_start3A_107 : memref<1x1024x512xf32, #tpu.memory_space<vmem>> -> memref<1024x512xf32, #tpu.memory_space<vmem>>
      %dma_start3A_109 = arith.constant 2048 : i32
      %dma_start3A_110 = arith.constant 0 : i32
      %dma_start3A_111 = tpu.memref_slice %arg2[%dma_start3A_109, %dma_start3A_110] : memref<16384x512xf32, #tpu.memory_space<any>> -> memref<1024x512xf32, #tpu.memory_space<any>>
      tpu.enqueue_dma source(%dma_start3A_111 : memref<1024x512xf32, #tpu.memory_space<any>>) target(%dma_start3A_108 : memref<1024x512xf32, #tpu.memory_space<vmem>>) target_semaphore(%dma_start3A_104 : memref<!tpu.dma_semaphore, #tpu.memory_space<semaphore_mem>>) {priority = 1 : i32}
      %dma_start3A_112 = arith.constant 3 : i32
      %dma_start3A_113 = arith.constant 0 : i32
      %dma_start3A_114 = arith.constant 3 : i32
      %dma_start3A_115 = tpu.memref_slice %arg6[%dma_start3A_113, %dma_start3A_114] : memref<2x4x!tpu.dma_semaphore, #tpu.memory_space<semaphore_mem>> -> memref<1x1x!tpu.dma_semaphore, #tpu.memory_space<semaphore_mem>>
      %dma_start3A_116 = tpu.memref_squeeze %dma_start3A_115 : memref<1x1x!tpu.dma_semaphore, #tpu.memory_space<semaphore_mem>> -> memref<!tpu.dma_semaphore, #tpu.memory_space<semaphore_mem>>
      %dma_start3A_117 = arith.constant 0 : i32
      %dma_start3A_118 = arith.constant 0 : i32
      %dma_start3A_119 = tpu.memref_slice %arg4[%dma_start3A_112, %dma_start3A_117, %dma_start3A_118] : memref<4x1024x512xf32, #tpu.memory_space<vmem>> -> memref<1x1024x512xf32, #tpu.memory_space<vmem>>
      %dma_start3A_120 = tpu.memref_squeeze %dma_start3A_119 : memref<1x1024x512xf32, #tpu.memory_space<vmem>> -> memref<1024x512xf32, #tpu.memory_space<vmem>>
      %dma_start3A_121 = arith.constant 3072 : i32
      %dma_start3A_122 = arith.constant 0 : i32
      %dma_start3A_123 = tpu.memref_slice %arg1[%dma_start3A_121, %dma_start3A_122] : memref<16384x512xf32, #tpu.memory_space<any>> -> memref<1024x512xf32, #tpu.memory_space<any>>
      tpu.enqueue_dma source(%dma_start3A_123 : memref<1024x512xf32, #tpu.memory_space<any>>) target(%dma_start3A_120 : memref<1024x512xf32, #tpu.memory_space<vmem>>) target_semaphore(%dma_start3A_116 : memref<!tpu.dma_semaphore, #tpu.memory_space<semaphore_mem>>)
      %dma_start3A_124 = arith.constant 3 : i32
      %dma_start3A_125 = arith.constant 1 : i32
      %dma_start3A_126 = arith.constant 3 : i32
      %dma_start3A_127 = tpu.memref_slice %arg6[%dma_start3A_125, %dma_start3A_126] : memref<2x4x!tpu.dma_semaphore, #tpu.memory_space<semaphore_mem>> -> memref<1x1x!tpu.dma_semaphore, #tpu.memory_space<semaphore_mem>>
      %dma_start3A_128 = tpu.memref_squeeze %dma_start3A_127 : memref<1x1x!tpu.dma_semaphore, #tpu.memory_space<semaphore_mem>> -> memref<!tpu.dma_semaphore, #tpu.memory_space<semaphore_mem>>
      %dma_start3A_129 = arith.constant 0 : i32
      %dma_start3A_130 = arith.constant 0 : i32
      %dma_start3A_131 = tpu.memref_slice %arg5[%dma_start3A_124, %dma_start3A_129, %dma_start3A_130] : memref<4x1024x512xf32, #tpu.memory_space<vmem>> -> memref<1x1024x512xf32, #tpu.memory_space<vmem>>
      %dma_start3A_132 = tpu.memref_squeeze %dma_start3A_131 : memref<1x1024x512xf32, #tpu.memory_space<vmem>> -> memref<1024x512xf32, #tpu.memory_space<vmem>>
      %dma_start3A_133 = arith.constant 3072 : i32
      %dma_start3A_134 = arith.constant 0 : i32
      %dma_start3A_135 = tpu.memref_slice %arg2[%dma_start3A_133, %dma_start3A_134] : memref<16384x512xf32, #tpu.memory_space<any>> -> memref<1024x512xf32, #tpu.memory_space<any>>
      tpu.enqueue_dma source(%dma_start3A_135 : memref<1024x512xf32, #tpu.memory_space<any>>) target(%dma_start3A_132 : memref<1024x512xf32, #tpu.memory_space<vmem>>) target_semaphore(%dma_start3A_128 : memref<!tpu.dma_semaphore, #tpu.memory_space<semaphore_mem>>) {priority = 1 : i32}
    } else {
    }
    %rem3A = arith.constant 4 : i32
    %rem3A_2 = arith.remsi %arg0, %rem3A : i32
    %mul3A = arith.constant 1024 : i32
    %mul3A_3 = arith.muli %arg0, %mul3A : i32
    %dma_wait3A = arith.constant 0 : i32
    %dma_wait3A_4 = tpu.memref_slice %arg6[%dma_wait3A, %rem3A_2] : memref<2x4x!tpu.dma_semaphore, #tpu.memory_space<semaphore_mem>> -> memref<1x1x!tpu.dma_semaphore, #tpu.memory_space<semaphore_mem>>
    %dma_wait3A_5 = tpu.memref_squeeze %dma_wait3A_4 : memref<1x1x!tpu.dma_semaphore, #tpu.memory_space<semaphore_mem>> -> memref<!tpu.dma_semaphore, #tpu.memory_space<semaphore_mem>>
    %dma_wait3A_6 = arith.constant 0 : i32
    %dma_wait3A_7 = arith.constant 0 : i32
    %dma_wait3A_8 = tpu.memref_slice %arg4[%rem3A_2, %dma_wait3A_6, %dma_wait3A_7] : memref<4x1024x512xf32, #tpu.memory_space<vmem>> -> memref<1x1024x512xf32, #tpu.memory_space<vmem>>
    %dma_wait3A_9 = tpu.memref_squeeze %dma_wait3A_8 : memref<1x1024x512xf32, #tpu.memory_space<vmem>> -> memref<1024x512xf32, #tpu.memory_space<vmem>>
    %dma_wait3A_10 = arith.constant 0 : i32
    %dma_wait3A_11 = tpu.memref_slice %arg1[%mul3A_3, %dma_wait3A_10] : memref<16384x512xf32, #tpu.memory_space<any>> -> memref<1024x512xf32, #tpu.memory_space<any>>
    tpu.wait_dma2 semaphore(%dma_wait3A_5 : memref<!tpu.dma_semaphore, #tpu.memory_space<semaphore_mem>>) src(%dma_wait3A_11 : memref<1024x512xf32, #tpu.memory_space<any>>) dst(%dma_wait3A_9 : memref<1024x512xf32, #tpu.memory_space<vmem>>)
    %mul3A_12 = arith.constant 1024 : i32
    %mul3A_13 = arith.muli %arg0, %mul3A_12 : i32
    %dma_wait3A_14 = arith.constant 1 : i32
    %dma_wait3A_15 = tpu.memref_slice %arg6[%dma_wait3A_14, %rem3A_2] : memref<2x4x!tpu.dma_semaphore, #tpu.memory_space<semaphore_mem>> -> memref<1x1x!tpu.dma_semaphore, #tpu.memory_space<semaphore_mem>>
    %dma_wait3A_16 = tpu.memref_squeeze %dma_wait3A_15 : memref<1x1x!tpu.dma_semaphore, #tpu.memory_space<semaphore_mem>> -> memref<!tpu.dma_semaphore, #tpu.memory_space<semaphore_mem>>
    %dma_wait3A_17 = arith.constant 0 : i32
    %dma_wait3A_18 = arith.constant 0 : i32
    %dma_wait3A_19 = tpu.memref_slice %arg5[%rem3A_2, %dma_wait3A_17, %dma_wait3A_18] : memref<4x1024x512xf32, #tpu.memory_space<vmem>> -> memref<1x1024x512xf32, #tpu.memory_space<vmem>>
    %dma_wait3A_20 = tpu.memref_squeeze %dma_wait3A_19 : memref<1x1024x512xf32, #tpu.memory_space<vmem>> -> memref<1024x512xf32, #tpu.memory_space<vmem>>
    %dma_wait3A_21 = arith.constant 0 : i32
    %dma_wait3A_22 = tpu.memref_slice %arg2[%mul3A_13, %dma_wait3A_21] : memref<16384x512xf32, #tpu.memory_space<any>> -> memref<1024x512xf32, #tpu.memory_space<any>>
    tpu.wait_dma2 semaphore(%dma_wait3A_16 : memref<!tpu.dma_semaphore, #tpu.memory_space<semaphore_mem>>) src(%dma_wait3A_22 : memref<1024x512xf32, #tpu.memory_space<any>>) dst(%dma_wait3A_20 : memref<1024x512xf32, #tpu.memory_space<vmem>>)
    %get3A = arith.index_cast %rem3A_2 : i32 to index
    %get3A_23 = arith.constant 0 : index
    %get3A_24 = arith.constant 0 : index
    %get3A_25 = vector.load %arg4[%get3A, %get3A_23, %get3A_24] : memref<4x1024x512xf32, #tpu.memory_space<vmem>>, vector<1x1024x512xf32>
    %get3A_26 = vector.shape_cast %get3A_25 : vector<1x1024x512xf32> to vector<1024x512xf32>
    %get3A_27 = arith.index_cast %rem3A_2 : i32 to index
    %get3A_28 = arith.constant 0 : index
    %get3A_29 = arith.constant 0 : index
    %get3A_30 = vector.load %arg5[%get3A_27, %get3A_28, %get3A_29] : memref<4x1024x512xf32, #tpu.memory_space<vmem>>, vector<1x1024x512xf32>
    %get3A_31 = vector.shape_cast %get3A_30 : vector<1x1024x512xf32> to vector<1024x512xf32>
    %sub3A = arith.subf %get3A_26, %get3A_31 : vector<1024x512xf32>
    %mul3A_32 = arith.mulf %sub3A, %sub3A : vector<1024x512xf32>
    %reduce_sum3A = arith.constant dense<0.000000e+00> : vector<1024xf32>
    %reduce_sum3A_33 = vector.multi_reduction <add>, %mul3A_32, %reduce_sum3A [1] : vector<1024x512xf32> to vector<1024xf32>
    %broadcast_in_dim3A = vector.shape_cast %reduce_sum3A_33 : vector<1024xf32> to vector<1024x1xf32>
    %swap3A = arith.constant 0 : index
    %swap3A_34 = arith.constant 0 : index
    %swap3A_35 = vector.load %arg3[%swap3A, %swap3A_34] : memref<1024x1xf32, #tpu.memory_space<vmem>>, vector<1024x1xf32>
    tpu.vector_store %arg3[%swap3A, %swap3A_34], %broadcast_in_dim3A {strides = array<i32>} : memref<1024x1xf32, #tpu.memory_space<vmem>>, vector<1024x1xf32>,
    %add3A = arith.constant 4 : i32
    %add3A_36 = arith.addi %arg0, %add3A : i32
    %lt3A = arith.constant 16 : i32
    %lt3A_37 = arith.cmpi slt, %add3A_36, %lt3A : i32
    %convert_element_type3A_38 = arith.extui %lt3A_37 : i1 to i32
    %cond3A_39 = arith.constant 0 : i32
    %cond3A_40 = arith.cmpi ne, %convert_element_type3A_38, %cond3A_39 : i32
    scf.if %cond3A_40 {
      %add3A_41 = arith.constant 4 : i32
      %add3A_42 = arith.addi %arg0, %add3A_41 : i32
      %mul3A_43 = arith.constant 1024 : i32
      %mul3A_44 = arith.muli %add3A_42, %mul3A_43 : i32
      %dma_start3A = arith.constant 0 : i32
      %dma_start3A_45 = tpu.memref_slice %arg6[%dma_start3A, %rem3A_2] : memref<2x4x!tpu.dma_semaphore, #tpu.memory_space<semaphore_mem>> -> memref<1x1x!tpu.dma_semaphore, #tpu.memory_space<semaphore_mem>>
      %dma_start3A_46 = tpu.memref_squeeze %dma_start3A_45 : memref<1x1x!tpu.dma_semaphore, #tpu.memory_space<semaphore_mem>> -> memref<!tpu.dma_semaphore, #tpu.memory_space<semaphore_mem>>
      %dma_start3A_47 = arith.constant 0 : i32
      %dma_start3A_48 = arith.constant 0 : i32
      %dma_start3A_49 = tpu.memref_slice %arg4[%rem3A_2, %dma_start3A_47, %dma_start3A_48] : memref<4x1024x512xf32, #tpu.memory_space<vmem>> -> memref<1x1024x512xf32, #tpu.memory_space<vmem>>
      %dma_start3A_50 = tpu.memref_squeeze %dma_start3A_49 : memref<1x1024x512xf32, #tpu.memory_space<vmem>> -> memref<1024x512xf32, #tpu.memory_space<vmem>>
      %dma_start3A_51 = arith.constant 0 : i32
      %dma_start3A_52 = tpu.memref_slice %arg1[%mul3A_44, %dma_start3A_51] : memref<16384x512xf32, #tpu.memory_space<any>> -> memref<1024x512xf32, #tpu.memory_space<any>>
      tpu.enqueue_dma source(%dma_start3A_52 : memref<1024x512xf32, #tpu.memory_space<any>>) target(%dma_start3A_50 : memref<1024x512xf32, #tpu.memory_space<vmem>>) target_semaphore(%dma_start3A_46 : memref<!tpu.dma_semaphore, #tpu.memory_space<semaphore_mem>>)
      %mul3A_53 = arith.constant 1024 : i32
      %mul3A_54 = arith.muli %add3A_42, %mul3A_53 : i32
      %dma_start3A_55 = arith.constant 1 : i32
      %dma_start3A_56 = tpu.memref_slice %arg6[%dma_start3A_55, %rem3A_2] : memref<2x4x!tpu.dma_semaphore, #tpu.memory_space<semaphore_mem>> -> memref<1x1x!tpu.dma_semaphore, #tpu.memory_space<semaphore_mem>>
      %dma_start3A_57 = tpu.memref_squeeze %dma_start3A_56 : memref<1x1x!tpu.dma_semaphore, #tpu.memory_space<semaphore_mem>> -> memref<!tpu.dma_semaphore, #tpu.memory_space<semaphore_mem>>
      %dma_start3A_58 = arith.constant 0 : i32
      %dma_start3A_59 = arith.constant 0 : i32
      %dma_start3A_60 = tpu.memref_slice %arg5[%rem3A_2, %dma_start3A_58, %dma_start3A_59] : memref<4x1024x512xf32, #tpu.memory_space<vmem>> -> memref<1x1024x512xf32, #tpu.memory_space<vmem>>
      %dma_start3A_61 = tpu.memref_squeeze %dma_start3A_60 : memref<1x1024x512xf32, #tpu.memory_space<vmem>> -> memref<1024x512xf32, #tpu.memory_space<vmem>>
      %dma_start3A_62 = arith.constant 0 : i32
      %dma_start3A_63 = tpu.memref_slice %arg2[%mul3A_54, %dma_start3A_62] : memref<16384x512xf32, #tpu.memory_space<any>> -> memref<1024x512xf32, #tpu.memory_space<any>>
      tpu.enqueue_dma source(%dma_start3A_63 : memref<1024x512xf32, #tpu.memory_space<any>>) target(%dma_start3A_61 : memref<1024x512xf32, #tpu.memory_space<vmem>>) target_semaphore(%dma_start3A_57 : memref<!tpu.dma_semaphore, #tpu.memory_space<semaphore_mem>>) {priority = 1 : i32}
    } else {
    }
    return
  }
  func.func @transform_2(%arg0: i32) -> (i32, i32) {
    %c0_i32 = arith.constant 0 : i32
    %c0_i32_0 = arith.constant 0 : i32
    return %arg0, %c0_i32 : i32, i32
  }
}

</mosaic_0001>

<sc_bundles>
// kernel: kernel.4.cloned.1.call-start
scs
__scs_entry_jumppad:
0x0: {  	(pc) =	sbr.rel $0x88, $3  }
0x1: {  	(tag) =	ssettag $0x0;
	lr =	simm.s32 $0x1  }
0x2: {  	[smem:$0x3F9D] =	sst lr;
	_ =	strace $0xD0000000  }
0x3: {  	_ = 	snop  }
0x4: {  	_ = 	snop  }
0x5: {  	_ = 	snop  }
0x6: {  	_ = 	snop  }
0x7: {  	_ = 	snop  }
__scs_overlays_trampoline_lowered:
0x8: {  	[smem:$0x3FAC] =	sst s0  }
0x9: {  	[smem:$0x3FAD] =	sst s1  }
0xa: {  	[smem:$0x3FAE] =	sst s2  }
0xb: {  	[smem:$0x3FAF] =	sst s3  }
0xc: {  	[smem:$0x3FB0] =	sst s4  }
0xd: {  	[smem:$0x3FB1] =	sst s5  }
0xe: {  	[smem:$0x3FB2] =	sst s6  }
0xf: {  	[smem:$0x3FB3] =	sst s7  }
0x10: {  	[smem:$0x3FB4] =	sst s8  }
0x11: {  	[smem:$0x3FB5] =	sst s9;
	s0 =	simm.s32 @!p0 $0x0  }
0x12: {  	s1 =	sld [smem:$0x3F9B];
	s0 =	simm.s32 @p0 $0x1  }
0x13: {  	[smem:$0x3FB6] =	sst s0;
	s0 =	simm.s32 @!p1 $0x0  }
0x14: {  	s2 =	sld [smem:$0x3F9A];
	s0 =	simm.s32 @p1 $0x1  }
0x15: {  	[smem:$0x3FB7] =	sst s0;
	s0 =	simm.s32 @!p2 $0x0  }
0x16: {  	s3 =	sld [smem:$0x3FDB];
	s0 =	simm.s32 @p2 $0x1  }
0x17: {  	s4 =	simm.s32 $0x1BF5;
	[smem:$0x3FB9] =	sst s0  }
0x18: {  	s0 =	sld [smem:$0x3F9C];
	_ =	swait.ge [sflag:s4], $0x0  }
0x19: {  	s7 =	sld [smem:$0x3F9D]  }
0x1a: {  	s8 =	sadd.s32 $0xFFFFE003, lr  }
0x1b: {  	s9 =	sadd.s32 $0xFFFFFEF7, lr;
	s5 =	simm.s32 $0xFFFFFFFF;
	p2 =	slt.u32 s8, $0xFFFFF086  }
0x1c: {  	p1 =	slt.u32 s9, $0xF7A;
	s5 =	simm.s32 @!p2 $0x0  }
0x1d: {  	s5 =	simm.s32 @p1 $0x1;
	p0 =	seq.s32 s7, s2  }
0x1e: {  	s7 =	smul.u32 @!p0 $0xF7A, s2;
	p2 =	seq.s32 @!p0 s5, $0x0  }
0x1f: {  	s9 =	smul.u32 $0xF7A, s1;
	s8 =	simm.s32 @!p0 $0x1BF5;
	p2 =	por !p2, p0  }
0x20: {  	[sflag:s8] =	ssyncset.s32 @!p0 $0xFFFFF086;
	s6 =	sadd.s32 @!p0 s3, s7;
	s7 =	simm.s32 @!p0 $0x108  }
0x21: {  	s3 =	sadd.s32 s3, s9;
	s6 =	sadd.s32 @!p0 $0x88, s6;
	s7 =	simm.s32 @p2 $0x1082  }
0x22: {  	[simem:s7], [sflag:s8] =	dma.local @!p0 [hbm:s6], $0xF7A  }
0x23: {  	s9 =	sor.u32 $0xD0000000, s2;
	s6 =	simm.s32 $0x108;
	_ =	swait.ge @!p0 [sflag:s8], $0x0  }
0x24: {  	s3 =	sadd.s32 $0x88, s3;
	s6 =	simm.s32 @!p1 $0x1082;
	[sflag:s4] =	ssyncset.s32 $0xFFFFF086  }
0x25: {  	[simem:s6], [sflag:s4] =	dma.local [hbm:s3], $0xF7A  }
0x26: {  	[smem:$0x3F9D] =	sst s1;
	(tag) =	ssettag s2;
	_ =	strace s9  }
0x27: {  	s1 =	sld [smem:$0x3FAD]  }
0x28: {  	s2 =	sld [smem:$0x3FAE]  }
0x29: {  	s4 =	sld [smem:$0x3FB0]  }
0x2a: {  	p0 =	seq.s32 s5, $0x0;
	s5 =	sld [smem:$0x3FB1]  }
0x2b: {  	s6 =	sld [smem:$0x3FB2]  }
0x2c: {  	s7 =	sld [smem:$0x3FB3]  }
0x2d: {  	s3 =	simm.s32 $0x108;
	s8 =	sld [smem:$0x3FB4]  }
0x2e: {  	s3 =	simm.s32 @!p0 $0x1082;
	s9 =	sld [smem:$0x3FB5]  }
0x2f: {  	lr =	sadd.s32 s0, s3;
	s0 =	sld [smem:$0x3FAC]  }
0x30: {  	s3 =	sld [smem:$0x3FAF]  }
0x31: {  	[smem:$0x3FB8] =	sst s10  }
0x32: {  	s10 =	sld [smem:$0x3FB6];
	_ =	sdelay $0x3  }
0x33: {  	p0 =	seq.s32 s10, $0x1;
	s10 =	sld [smem:$0x3FB8];
	_ =	sdelay $0x3  }
0x34: {  	[smem:$0x3FB8] =	sst s10  }
0x35: {  	s10 =	sld [smem:$0x3FB7];
	_ =	sdelay $0x3  }
0x36: {  	p1 =	seq.s32 s10, $0x1;
	s10 =	sld [smem:$0x3FB8];
	_ =	sdelay $0x3  }
0x37: {  	[smem:$0x3FB8] =	sst s10  }
0x38: {  	s10 =	sld [smem:$0x3FB9]  }
0x39: {  	_ = 	snop;
	(pc) =	sbr.ind lr, $3  }
0x3a: {  	_ = 	snop  }
0x3b: {  	_ = 	snop  }
0x3c: {  	p2 =	seq.s32 s10, $0x1;
	s10 =	sld [smem:$0x3FB8]  }
0x3d: {  	_ =	shalt  }
0x3e: {  	_ =	shalt  }
0x3f: {  	_ =	shalt  }
0x40: {  	_ =	shalt  }
0x41: {  	_ =	shalt  }
0x42: {  	_ =	shalt  }
0x43: {  	_ =	shalt  }
0x44: {  	_ =	shalt  }
0x45: {  	_ =	shalt  }
0x46: {  	_ =	shalt  }
0x47: {  	_ =	shalt  }
0x48: {  	_ =	shalt  }
0x49: {  	_ =	shalt  }
0x4a: {  	_ =	shalt  }
0x4b: {  	_ =	shalt  }
0x4c: {  	_ =	shalt  }
0x4d: {  	_ =	shalt  }
0x4e: {  	_ =	shalt  }
0x4f: {  	_ =	shalt  }
0x50: {  	_ =	shalt  }
0x51: {  	_ =	shalt  }
0x52: {  	_ =	shalt  }
0x53: {  	_ =	shalt  }
0x54: {  	_ =	shalt  }
0x55: {  	_ =	shalt  }
0x56: {  	_ =	shalt  }
0x57: {  	_ =	shalt  }
0x58: {  	_ =	shalt  }
0x59: {  	_ =	shalt  }
0x5a: {  	_ =	shalt  }
0x5b: {  	_ =	shalt  }
0x5c: {  	_ =	shalt  }
0x5d: {  	_ =	shalt  }
0x5e: {  	_ =	shalt  }
0x5f: {  	_ =	shalt  }
0x60: {  	_ =	shalt  }
0x61: {  	_ =	shalt  }
0x62: {  	_ =	shalt  }
0x63: {  	_ =	shalt  }
0x64: {  	_ =	shalt  }
0x65: {  	_ =	shalt  }
0x66: {  	_ =	shalt  }
0x67: {  	_ =	shalt  }
0x68: {  	_ =	shalt  }
0x69: {  	_ =	shalt  }
0x6a: {  	_ =	shalt  }
0x6b: {  	_ =	shalt  }
0x6c: {  	_ =	shalt  }
0x6d: {  	_ =	shalt  }
0x6e: {  	_ =	shalt  }
0x6f: {  	_ =	shalt  }
0x70: {  	_ =	shalt  }
0x71: {  	_ =	shalt  }
0x72: {  	_ =	shalt  }
0x73: {  	_ =	shalt  }
0x74: {  	_ =	shalt  }
0x75: {  	_ =	shalt  }
0x76: {  	_ =	shalt  }
0x77: {  	_ =	shalt  }
0x78: {  	_ =	shalt  }
0x79: {  	_ =	shalt  }
0x7a: {  	_ =	shalt  }
0x7b: {  	_ =	shalt  }
0x7c: {  	_ =	shalt  }
0x7d: {  	_ =	shalt  }
0x7e: {  	_ =	shalt  }
0x7f: {  	_ =	shalt  }
0x80: {  	_ =	shalt  }
0x81: {  	_ =	shalt  }
0x82: {  	_ =	shalt  }
0x83: {  	_ =	shalt  }
0x84: {  	_ =	shalt  }
0x85: {  	_ =	shalt  }
0x86: {  	_ =	shalt  }
0x87: {  	_ =	shalt  }
.Lfunc_end0:
.L_simem_size_0:
called_computation_lowered:
.L_overlay_start_0:
0x88: {  	s2 =	sld [smem:$0x3FD9]  }
0x89: {  	s3 =	sld [smem:$0x3FFE];
	_ =	sdelay $0x1  }
0x8a: {  	s1 =	srdreg.scid  }
0x8b: {  	s0 =	sand.u32 $0x1, s1  }
0x8c: {  	s17 =	sshll.u32 s0, $0xA;
	s2 =	sadd.s32 s3, s2  }
0x8d: {  	s2 =	sadd.s32 s2, s17  }
0x8e: {  	[smem:$0x3FC4] =	sst s2  }
0x8f: {  	_ = 	snop  }
0x90: {  	s2 =	sld [smem:$0x3FC7]  }
0x91: {  	s18 =	sld [smem:$0x3FC6];
	(tm) =	ssettm $0x1  }
0x92: {  	s4 =	sld [smem:$0x3FFB];
	_ =	sdelay $0x3  }
0x93: {  	_ =	strace s4  }
0x94: {  	s4 =	sld [smem:$0x3FFC];
	_ =	sdelay $0x3  }
0x95: {  	_ =	strace s4  }
0x96: {  	s4 =	sld [smem:$0x3FFD];
	_ =	sdelay $0x3  }
0x97: {  	_ =	strace s4  }
0x98: {  	_ =	strace $0x8FFFFFFF  }
0x99: {  	s19 =	sld [smem:$0x3FDB];
	_ =	sdelay $0x1  }
0x9a: {  	s5 =	simm.s32 $_scs_section_size  }
0x9b: {  	s6 =	simm.s32 $_size__tile_overlayer_lowered;
	s7 =	simm.s32 $_tile_overlayer_lowered  }
0x9c: {  	s22 =	simm.s32 $0x1BFF;
	s21 =	sshll.u32 s7, $0x1;
	s4 =	sadd.s32 s5, s19  }
0x9d: {  	s8 =	simm.s32 $0x0;
	s20 =	sshll.u32 s6, $0x1;
	s6 =	sadd.s32 s21, s4  }
0x9e: {  	[timem:s8], [sflag:s22] =	dma.local [hbm:s6], s20  }
0x9f: {  	_ =	swait.ge [sflag:s22], s20  }
0xa0: {  	s5 =	ssub.s32 $0x0, s20;
	[sflag:s22] =	ssyncset.done $0x0  }
0xa1: {  	[sflag:s22] =	ssyncadd.s32 s5;
	_ =	sdelay $0x1  }
0xa2: {  	s23 =	simm.s32 $0x1B8B  }
0xa3: {  	_ =	swait.ge [sflag:s23], $0x1  }
0xa4: {  	[sflag:s23] =	ssyncset.done $0x0  }
0xa5: {  	s25 =	simm.s32 $0x1B8E;
	s24 =	sld [smem:$0x3FFE];
	[sflag:s23] =	ssyncadd.s32 $0xFFFFFFFF  }
0xa6: {  	s26 =	simm.s32 $execute0_lowered;
	[smem:$0x3FD2] =	sst s25  }
0xa7: {  	s6 =	sshll.u32 s26, $0x1;
	_ =	strace $0x80000046;
	[dreg:$0x1] =	wrdreg $0xFFFFFFFF  }
0xa8: {  	s28 =	simm.s32 $_size_execute0_lowered;
	s4 =	sadd.s32 s4, s6;
	[dreg:$0x0] =	wrdreg $0x0  }
0xa9: {  	s6 =	sshll.u32 s28, $0x1;
	[dreg:$0x2] =	wrdreg s4  }
0xaa: {  	[dreg:$0x3] =	wrdreg s6  }
0xab: {  	[dreg:$0x4] =	wrdreg $0xC0  }
0xac: {  	_ =	task [dreg:s8], $0x5FFFF  }
0xad: {  	[dreg:$0x1] =	wrdreg $0xFFFFFFFF  }
0xae: {  	[dreg:$0x0] =	wrdreg $0x60  }
0xaf: {  	[dreg:$0x2] =	wrdreg s2  }
0xb0: {  	[dreg:$0x3] =	wrdreg s18  }
0xb1: {  	[dreg:$0x4] =	wrdreg s24  }
0xb2: {  	[dreg:$0x5] =	wrdreg $0x9  }
0xb3: {  	_ =	task.clear_ibuf [dreg:s8], $0x6FFFF;
	_ =	strace $0x90000046  }
0xb4: {  	s29 =	simm.s32 $0x9;
	_ =	strace $0x80000048  }
0xb5: {  	_ =	swait.ge [sflag:s29], $0x1  }
0xb6: {  	[sflag:s29] =	ssyncadd.s32 $0xFFFFFFFF  }
0xb7: {  	_ =	strace $0x90000048  }
0xb8: {  	_ =	sfence  }
0xb9: {  	s30 =	sld [smem:$0x0];
	_ =	sdelay $0x2  }
0xba: {  	s31 =	sshll.u32 s1, $0xD;
	s1 =	sshrl.u32 s1, $0x2  }
0xbb: {  	s3 =	sand.u32 $0x4000, s31;
	s1 =	sadd.s32 s1, s30  }
0xbc: {  	s0 =	sor.u32 s3, s0;
	s1 =	sshll.u32 s1, $0x11  }
0xbd: {  	s0 =	sor.u32 s1, s0  }
0xbe: {  	s0 =	sadd.s32 $0x8F2B, s0  }
0xbf: {  	[sflag:s0] =	ssyncadd.remote.s32 $0x1  }
0xc0: {  	_ =	sfence.sel $0xFFFF  }
0xc1: {  	[dreg:$0x0] =	wrdreg $0xFFFFFFFF;
	(pc) =	sbr.abs _section_cstart, $3  }
0xc2: {  	[dreg:$0x1] =	wrdreg $0xFFFFFFFF  }
0xc3: {  	_ =	task.clear_ibuf [dreg:s8], $0x2FFFF;
	_ =	strace $0x9FFFFFFF  }
0xc4: {  	(tm) =	ssettm $0x7FFFFFFF  }
0xc5: {  	_ =	shalt  }
tec
execute0_lowered:
.L_overlay_start_1:
0x0: {  	(tag) =	ssettag $0x1  }
0x1: {  	s4 =	rddreg [dreg:$0x0]  }
0x2: {  	s2 =	rddreg [dreg:$0x1]  }
0x3: {  	s5 =	rddreg [dreg:$0x2]  }
0x4: {  	s0 =	rddreg [dreg:$0x3];
	s6 =	srdreg.scid  }
0x5: {  	s1 =	stileid.u32;
	s3 =	simm.s32 $0x0;
	s10 =	simm.s32 $0x400  }
0x6: {  	s11 =	simm.s32 $0x480;
	s6 =	sand.u32 $0x1, s6;
	s7 =	sshll.u32 s1, $0x1  }
0x7: {  	[smem:$0x7FF] =	sst s3;
	s7 =	sor.u32 s6, s7;
	s6 =	ssub.s32 $0x2, s6  }
0x8: {  	_ =	strace $0x80000047;
	s8 =	sshll.u32 s7, $0x4;
	s9 =	sshrl.u32 s6, $0x1  }
0x9: {  	s7 =	sshll.u32 s7, $0x6;
	s8 =	sadd.s32 s8, s5;
	s9 =	ssub.s32 s6, s9  }
0xa: {  	s4 =	sadd.s32 s4, s7;
	s5 =	sadd.s32 s5, s7;
	s6 =	sadd.s32 $0x800, s8  }
0xb: {  	s7 =	smax.u32 s9, $0x1;
	s8 =	simm.s32 $0x1;
	s9 =	simm.s32 $0x200  }
.LBB2_1:
0xc: {  	[tilespmem:s3], [sflag:$0x1] =	stream.linear.gather [hbm4b:s4+s3], $0x200, $0x38;
	[tilespmem:$0x500] =	vst v63  }
0xd: {  	_ =	swait.ge [sflag:s8], $0x200  }
0xe: {  	[sflag:s8] =	ssyncset.done $0x0  }
0xf: {  	[sflag:s8] =	ssyncadd.s32 $0xFFFFFE00  }
0x10: {  	[tilespmem:s9], [sflag:$0x1] =	stream.linear.gather [hbm4b:s5+s3], $0x200, $0x38;
	[tilespmem:$0x500] =	vst v63  }
0x11: {  	_ =	swait.ge [sflag:s8], $0x200  }
0x12: {  	[sflag:s8] =	ssyncset.done $0x0  }
0x13: {  	[sflag:s8] =	ssyncadd.s32 $0xFFFFFE00  }
0x14: {  	[tilespmem:s10], [sflag:$0x1] =	stream.linear.gather [hbm4b:s2+s3], $0x80, $0x38;
	[tilespmem:$0x500] =	vst v63  }
0x15: {  	_ =	swait.ge [sflag:s8], $0x80  }
0x16: {  	[sflag:s8] =	ssyncset.done $0x0  }
0x17: {  	[sflag:s8] =	ssyncadd.s32 $0xFFFFFF80  }
0x18: {  	v0 =	vld [tilespmem:$0x400];
	_ =	sdelay $0x4  }
0x19: {  	v1 =	vld [tilespmem:$0x410];
	v0 =	vadd.f32 $1.000000010e-01, v0;
	_ =	sdelay $0x1  }
0x1a: {  	v2 =	vld [tilespmem:$0x420];
	v0 =	vmul.f32 v0, v0  }
0x1b: {  	v3 =	vld [tilespmem:$0x430]  }
0x1c: {  	v46 =	vld [tilespmem:$0x0];
	(erf) = vrcp.f32 v0  }
0x1d: {  	v5 =	vld [tilespmem:$0x10];
	v1 =	vadd.f32 $1.000000010e-01, v1  }
0x1e: {  	v48 =	vld [tilespmem:$0x20]  }
0x1f: {  	v53 =	vld [tilespmem:$0x30];
	v1 =	vmul.f32 v1, v1  }
0x20: {  	v59 =	vld [tilespmem:$0x40]  }
0x21: {  	v17 =	vld [tilespmem:$0x50];
	v2 =	vadd.f32 $1.000000010e-01, v2;
	(erf) = vrcp.f32 v1  }
0x22: {  	v24 =	vld [tilespmem:$0x60];
	v3 =	vadd.f32 $1.000000010e-01, v3  }
0x23: {  	v31 =	vld [tilespmem:$0x70];
	v4 =	vand.u32 $0xF, v46;
	v44 =	vmul.f32 v2, v2  }
0x24: {  	v38 =	vld [tilespmem:$0x80];
	v47 =	vand.u32 $0xF, v5;
	v52 =	vand.u32 $0xF, v48;
	v45 =	vmul.f32 v3, v3  }
0x25: {  	v58 =	vand.u32 $0xF, v53;
	v16 =	vand.u32 $0xF, v59;
	(erf) = vrcp.f32 v44;
	v1 =	vpop (erf)  }
0x26: {  	v23 =	vand.u32 $0xF, v17;
	(erf) = vrcp.f32 v45;
	v7 =	vperm.xlane v1, v4  }
0x27: {  	v30 =	vand.u32 $0xF, v24;
	v49 =	vperm.xlane v1, v47;
	v54 =	vperm.xlane v1, v52  }
0x28: {  	v37 =	vand.u32 $0xF, v31;
	v60 =	vperm.xlane v1, v58;
	v18 =	vperm.xlane v1, v16  }
0x29: {  	v44 =	vand.u32 $0xF, v38;
	v25 =	vperm.xlane v1, v23;
	v32 =	vperm.xlane v1, v30  }
0x2a: {  	v6 =	vshra.s32 v46, $0x4;
	v2 =	vpop (erf);
	v39 =	vperm.xlane v1, v37;
	v46 =	vperm.xlane v1, v44  }
0x2b: {  	v8 =	vperm.xlane v2, v4;
	v50 =	vperm.xlane v2, v47  }
0x2c: {  	v5 =	vshra.s32 v5, $0x4;
	v55 =	vperm.xlane v2, v52;
	v61 =	vperm.xlane v2, v58  }
0x2d: {  	vm0 =	veq.s32 v6, $0x1;
	v19 =	vperm.xlane v2, v16;
	v26 =	vperm.xlane v2, v23  }
0x2e: {  	vm5 =	veq.s32 v6, $0x2;
	v0 =	vpop (erf);
	v33 =	vperm.xlane v2, v30;
	v40 =	vperm.xlane v2, v37  }
0x2f: {  	vm6 =	veq.s32 v6, $0x3;
	v9 =	vperm.xlane v0, v4;
	v51 =	vperm.xlane v0, v47  }
0x30: {  	vm7 =	veq.s32 v5, $0x1;
	v45 =	vld [tilespmem:$0x90];
	v56 =	vperm.xlane v0, v52;
	v62 =	vperm.xlane v0, v58  }
0x31: {  	vm8 =	veq.s32 v5, $0x2;
	v20 =	vperm.xlane v0, v16;
	v27 =	vperm.xlane v0, v23  }
0x32: {  	v10 =	vld [tilespmem:$0x200];
	vm9 =	veq.s32 v5, $0x3;
	v3 =	vpop (erf);
	v34 =	vperm.xlane v0, v30;
	v41 =	vperm.xlane v0, v37  }
0x33: {  	v11 =	vld [tilespmem:$0x210];
	v7 =	vsel vm0, v8, v7;
	v4 =	vperm.xlane v3, v4;
	v8 =	vsel vm7, v50, v49  }
0x34: {  	v6 =	vperm.xlane v3, v47;
	v47 =	vperm.xlane v2, v44;
	v7 =	vsel vm5, v9, v7  }
0x35: {  	v8 =	vsel vm8, v51, v8;
	v51 =	vand.u32 $0xF, v45;
	v4 =	vsel vm6, v4, v7  }
0x36: {  	v5 =	vsel vm9, v6, v8;
	v7 =	vshra.s32 v48, $0x4;
	v6 =	vperm.xlane v3, v52  }
0x37: {  	v8 =	vshra.s32 v53, $0x4;
	v48 =	vperm.xlane v0, v44;
	v53 =	vperm.xlane v1, v51  }
0x38: {  	v4 =	vmul.f32 v10, v4;
	v5 =	vmul.f32 v11, v5;
	vm10 =	veq.s32 v7, $0x1  }
0x39: {  	vm11 =	veq.s32 v7, $0x2;
	vm12 =	veq.s32 v7, $0x3;
	vm13 =	veq.s32 v8, $0x1  }
0x3a: {  	vm14 =	veq.s32 v8, $0x2;
	vm15 =	veq.s32 v8, $0x3;
	v7 =	vshra.s32 v59, $0x4  }
0x3b: {  	v8 =	vshra.s32 v17, $0x4;
	v9 =	vsel vm10, v55, v54;
	vm4 =	veq.s32 v7, $0x1  }
0x3c: {  	vm5 =	veq.s32 v7, $0x2;
	vm6 =	veq.s32 v7, $0x3;
	vm7 =	veq.s32 v8, $0x1  }
0x3d: {  	v12 =	vld [tilespmem:$0x220];
	vm8 =	veq.s32 v8, $0x2;
	vm9 =	veq.s32 v8, $0x3;
	v7 =	vshra.s32 v24, $0x4  }
0x3e: {  	v52 =	vld [tilespmem:$0xA0];
	v8 =	vshra.s32 v31, $0x4;
	v54 =	vperm.xlane v2, v51;
	v55 =	vperm.xlane v0, v51  }
0x3f: {  	v4 =	vadd.f32 $0.0e+00, v4;
	v9 =	vsel vm11, v56, v9;
	vm10 =	veq.s32 v7, $0x1  }
0x40: {  	vm11 =	veq.s32 v7, $0x2;
	v57 =	vsel vm12, v6, v9;
	v9 =	vsel vm13, v61, v60  }
0x41: {  	v63 =	vld [tilespmem:$0x230];
	v6 =	vperm.xlane v3, v58;
	vm12 =	veq.s32 v7, $0x3;
	vm13 =	veq.s32 v8, $0x1  }
0x42: {  	v59 =	vld [tilespmem:$0xB0];
	v7 =	vshra.s32 v38, $0x4;
	v4 =	vadd.f32 v5, v4;
	v5 =	vmul.f32 v12, v57  }
0x43: {  	v9 =	vsel vm14, v62, v9;
	vm14 =	veq.s32 v8, $0x2;
	v58 =	vand.u32 $0xF, v52  }
0x44: {  	v15 =	vsel vm15, v6, v9;
	v9 =	vsel vm4, v19, v18;
	v6 =	vperm.xlane v3, v16  }
0x45: {  	vm15 =	veq.s32 v8, $0x3;
	vm4 =	veq.s32 v7, $0x1;
	v60 =	vperm.xlane v1, v58  }
0x46: {  	v17 =	vld [tilespmem:$0xC0];
	v8 =	vshra.s32 v45, $0x4;
	v61 =	vperm.xlane v2, v58;
	v62 =	vperm.xlane v0, v58  }
0x47: {  	v21 =	vld [tilespmem:$0x240];
	v16 =	vand.u32 $0xF, v59;
	v4 =	vadd.f32 v5, v4;
	v5 =	vmul.f32 v63, v15  }
0x48: {  	v9 =	vsel vm5, v20, v9;
	vm5 =	veq.s32 v7, $0x2;
	v18 =	vperm.xlane v1, v16  }
0x49: {  	v19 =	vperm.xlane v2, v16;
	v20 =	vperm.xlane v0, v16;
	v22 =	vsel vm6, v6, v9  }
0x4a: {  	v9 =	vsel vm7, v26, v25;
	v6 =	vperm.xlane v3, v23;
	vm6 =	veq.s32 v7, $0x3  }
0x4b: {  	v24 =	vld [tilespmem:$0xD0];
	vm7 =	veq.s32 v8, $0x1;
	v7 =	vshra.s32 v52, $0x4;
	v23 =	vand.u32 $0xF, v17  }
0x4c: {  	v28 =	vld [tilespmem:$0x250];
	v4 =	vadd.f32 v5, v4;
	v5 =	vmul.f32 v21, v22;
	v9 =	vsel vm8, v27, v9  }
0x4d: {  	vm8 =	veq.s32 v8, $0x2;
	v25 =	vperm.xlane v1, v23;
	v26 =	vperm.xlane v2, v23  }
0x4e: {  	v27 =	vperm.xlane v0, v23;
	v29 =	vsel vm9, v6, v9;
	v9 =	vsel vm10, v33, v32  }
0x4f: {  	v35 =	vld [tilespmem:$0x260];
	v6 =	vperm.xlane v3, v30;
	vm9 =	veq.s32 v8, $0x3;
	vm10 =	veq.s32 v7, $0x1  }
0x50: {  	v31 =	vld [tilespmem:$0xE0];
	v8 =	vshra.s32 v59, $0x4;
	v30 =	vand.u32 $0xF, v24;
	v4 =	vadd.f32 v5, v4  }
0x51: {  	v5 =	vmul.f32 v28, v29;
	v9 =	vsel vm11, v34, v9;
	v32 =	vperm.xlane v1, v30  }
0x52: {  	vm11 =	veq.s32 v7, $0x2;
	v33 =	vperm.xlane v2, v30;
	v34 =	vperm.xlane v0, v30  }
0x53: {  	v36 =	vsel vm12, v6, v9;
	v9 =	vsel vm13, v40, v39;
	v6 =	vperm.xlane v3, v37  }
0x54: {  	v38 =	vld [tilespmem:$0xF0];
	vm12 =	veq.s32 v7, $0x3;
	vm13 =	veq.s32 v8, $0x1;
	v7 =	vshra.s32 v17, $0x4  }
0x55: {  	v42 =	vld [tilespmem:$0x270];
	v37 =	vand.u32 $0xF, v31;
	v4 =	vadd.f32 v5, v4;
	v5 =	vmul.f32 v35, v36  }
0x56: {  	v9 =	vsel vm14, v41, v9;
	vm14 =	veq.s32 v8, $0x2;
	v39 =	vperm.xlane v1, v37  }
0x57: {  	v40 =	vperm.xlane v2, v37;
	v41 =	vperm.xlane v0, v37;
	v43 =	vsel vm15, v6, v9  }
0x58: {  	v9 =	vsel vm4, v47, v46;
	v6 =	vperm.xlane v3, v44;
	vm15 =	veq.s32 v8, $0x3  }
0x59: {  	v45 =	vld [tilespmem:$0x100];
	vm4 =	veq.s32 v7, $0x1;
	v8 =	vshra.s32 v24, $0x4;
	v44 =	vand.u32 $0xF, v38  }
0x5a: {  	v49 =	vld [tilespmem:$0x280];
	v4 =	vadd.f32 v5, v4;
	v5 =	vmul.f32 v42, v43;
	v9 =	vsel vm5, v48, v9  }
0x5b: {  	vm5 =	veq.s32 v7, $0x2;
	v46 =	vperm.xlane v1, v44;
	v47 =	vperm.xlane v2, v44  }
0x5c: {  	v48 =	vperm.xlane v0, v44;
	v50 =	vsel vm6, v6, v9;
	v9 =	vsel vm7, v54, v53  }
0x5d: {  	v56 =	vld [tilespmem:$0x290];
	v6 =	vperm.xlane v3, v51;
	vm6 =	veq.s32 v7, $0x3;
	vm7 =	veq.s32 v8, $0x1  }
0x5e: {  	v52 =	vld [tilespmem:$0x110];
	v7 =	vshra.s32 v31, $0x4;
	v51 =	vand.u32 $0xF, v45;
	v4 =	vadd.f32 v5, v4  }
0x5f: {  	v5 =	vmul.f32 v49, v50;
	v9 =	vsel vm8, v55, v9;
	v53 =	vperm.xlane v1, v51  }
0x60: {  	vm8 =	veq.s32 v8, $0x2;
	v54 =	vperm.xlane v2, v51;
	v55 =	vperm.xlane v0, v51  }
0x61: {  	v57 =	vsel vm9, v6, v9;
	v9 =	vsel vm10, v61, v60;
	v6 =	vperm.xlane v3, v58  }
0x62: {  	v59 =	vld [tilespmem:$0x120];
	vm9 =	veq.s32 v8, $0x3;
	vm10 =	veq.s32 v7, $0x1;
	v8 =	vshra.s32 v38, $0x4  }
0x63: {  	v63 =	vld [tilespmem:$0x2A0];
	v58 =	vand.u32 $0xF, v52;
	v4 =	vadd.f32 v5, v4;
	v5 =	vmul.f32 v56, v57  }
0x64: {  	v9 =	vsel vm11, v62, v9;
	vm11 =	veq.s32 v7, $0x2;
	v60 =	vperm.xlane v1, v58  }
0x65: {  	v61 =	vperm.xlane v2, v58;
	v62 =	vperm.xlane v0, v58;
	v15 =	vsel vm12, v6, v9  }
0x66: {  	v9 =	vsel vm13, v19, v18;
	v6 =	vperm.xlane v3, v16;
	vm12 =	veq.s32 v7, $0x3  }
0x67: {  	v17 =	vld [tilespmem:$0x130];
	vm13 =	veq.s32 v8, $0x1;
	v7 =	vshra.s32 v45, $0x4;
	v16 =	vand.u32 $0xF, v59  }
0x68: {  	v21 =	vld [tilespmem:$0x2B0];
	v4 =	vadd.f32 v5, v4;
	v5 =	vmul.f32 v63, v15;
	v9 =	vsel vm14, v20, v9  }
0x69: {  	vm14 =	veq.s32 v8, $0x2;
	v18 =	vperm.xlane v1, v16;
	v19 =	vperm.xlane v2, v16  }
0x6a: {  	v20 =	vperm.xlane v0, v16;
	v22 =	vsel vm15, v6, v9;
	v9 =	vsel vm4, v26, v25  }
0x6b: {  	v28 =	vld [tilespmem:$0x2C0];
	v6 =	vperm.xlane v3, v23;
	vm15 =	veq.s32 v8, $0x3;
	vm4 =	veq.s32 v7, $0x1  }
0x6c: {  	v24 =	vld [tilespmem:$0x140];
	v8 =	vshra.s32 v52, $0x4;
	v23 =	vand.u32 $0xF, v17;
	v4 =	vadd.f32 v5, v4  }
0x6d: {  	v5 =	vmul.f32 v21, v22;
	v9 =	vsel vm5, v27, v9;
	v25 =	vperm.xlane v1, v23  }
0x6e: {  	vm5 =	veq.s32 v7, $0x2;
	v26 =	vperm.xlane v2, v23;
	v27 =	vperm.xlane v0, v23  }
0x6f: {  	v29 =	vsel vm6, v6, v9;
	v9 =	vsel vm7, v33, v32;
	v6 =	vperm.xlane v3, v30  }
0x70: {  	v31 =	vld [tilespmem:$0x150];
	vm6 =	veq.s32 v7, $0x3;
	vm7 =	veq.s32 v8, $0x1;
	v7 =	vshra.s32 v59, $0x4  }
0x71: {  	v35 =	vld [tilespmem:$0x2D0];
	v30 =	vand.u32 $0xF, v24;
	v4 =	vadd.f32 v5, v4;
	v5 =	vmul.f32 v28, v29  }
0x72: {  	v9 =	vsel vm8, v34, v9;
	vm8 =	veq.s32 v8, $0x2;
	v32 =	vperm.xlane v1, v30  }
0x73: {  	v33 =	vperm.xlane v2, v30;
	v34 =	vperm.xlane v0, v30;
	v36 =	vsel vm9, v6, v9  }
0x74: {  	v9 =	vsel vm10, v40, v39;
	v6 =	vperm.xlane v3, v37;
	vm9 =	veq.s32 v8, $0x3  }
0x75: {  	v38 =	vld [tilespmem:$0x160];
	vm10 =	veq.s32 v7, $0x1;
	v8 =	vshra.s32 v17, $0x4;
	v37 =	vand.u32 $0xF, v31  }
0x76: {  	v42 =	vld [tilespmem:$0x2E0];
	v4 =	vadd.f32 v5, v4;
	v5 =	vmul.f32 v35, v36;
	v9 =	vsel vm11, v41, v9  }
0x77: {  	vm11 =	veq.s32 v7, $0x2;
	v39 =	vperm.xlane v1, v37;
	v40 =	vperm.xlane v2, v37  }
0x78: {  	v59 =	vld [tilespmem:$0x190];
	v41 =	vperm.xlane v0, v37;
	v43 =	vsel vm12, v6, v9;
	v9 =	vsel vm13, v47, v46  }
0x79: {  	v6 =	vperm.xlane v3, v44;
	vm12 =	veq.s32 v7, $0x3;
	vm13 =	veq.s32 v8, $0x1  }
0x7a: {  	v45 =	vld [tilespmem:$0x170];
	v7 =	vshra.s32 v24, $0x4;
	v44 =	vand.u32 $0xF, v38;
	v4 =	vadd.f32 v5, v4  }
0x7b: {  	v49 =	vld [tilespmem:$0x2F0];
	v5 =	vmul.f32 v42, v43;
	v9 =	vsel vm14, v48, v9;
	v46 =	vperm.xlane v1, v44  }
0x7c: {  	vm14 =	veq.s32 v8, $0x2;
	v47 =	vperm.xlane v2, v44;
	v48 =	vperm.xlane v0, v44  }
0x7d: {  	v17 =	vand.u32 $0xF, v59;
	v50 =	vsel vm15, v6, v9;
	v9 =	vsel vm4, v54, v53  }
0x7e: {  	v56 =	vld [tilespmem:$0x300];
	v6 =	vperm.xlane v3, v51;
	vm15 =	veq.s32 v8, $0x3;
	vm4 =	veq.s32 v7, $0x1  }
0x7f: {  	v52 =	vld [tilespmem:$0x180];
	v8 =	vshra.s32 v31, $0x4;
	v51 =	vand.u32 $0xF, v45;
	v4 =	vadd.f32 v5, v4  }
0x80: {  	v5 =	vmul.f32 v49, v50;
	v9 =	vsel vm5, v55, v9;
	v53 =	vperm.xlane v1, v51  }
0x81: {  	vm5 =	veq.s32 v7, $0x2;
	v54 =	vperm.xlane v2, v51;
	v55 =	vperm.xlane v0, v51  }
0x82: {  	v57 =	vsel vm6, v6, v9;
	v9 =	vsel vm7, v61, v60;
	v6 =	vperm.xlane v3, v58  }
0x83: {  	vm6 =	veq.s32 v7, $0x3;
	vm7 =	veq.s32 v8, $0x1;
	v7 =	vshra.s32 v38, $0x4  }
0x84: {  	v63 =	vld [tilespmem:$0x310];
	v58 =	vand.u32 $0xF, v52;
	v4 =	vadd.f32 v5, v4;
	v5 =	vmul.f32 v56, v57  }
0x85: {  	v9 =	vsel vm8, v62, v9;
	vm8 =	veq.s32 v8, $0x2;
	v60 =	vperm.xlane v1, v58  }
0x86: {  	v61 =	vperm.xlane v2, v58;
	v62 =	vperm.xlane v0, v58;
	v15 =	vsel vm9, v6, v9  }
0x87: {  	v9 =	vsel vm10, v19, v18;
	v6 =	vperm.xlane v3, v16;
	vm9 =	veq.s32 v8, $0x3  }
0x88: {  	v21 =	vld [tilespmem:$0x320];
	vm10 =	veq.s32 v7, $0x1;
	v8 =	vshra.s32 v45, $0x4;
	v19 =	vperm.xlane v1, v17  }
0x89: {  	v4 =	vadd.f32 v5, v4;
	v5 =	vmul.f32 v63, v15;
	v9 =	vsel vm11, v20, v9  }
0x8a: {  	vm11 =	veq.s32 v7, $0x2;
	v20 =	vperm.xlane v2, v17;
	v22 =	vsel vm12, v6, v9  }
0x8b: {  	v28 =	vld [tilespmem:$0x330];
	v9 =	vsel vm13, v26, v25;
	v6 =	vperm.xlane v3, v23;
	vm12 =	veq.s32 v7, $0x3  }
0x8c: {  	v18 =	vld [tilespmem:$0x1A0];
	vm13 =	veq.s32 v8, $0x1;
	v7 =	vshra.s32 v52, $0x4;
	v4 =	vadd.f32 v5, v4  }
0x8d: {  	v5 =	vmul.f32 v21, v22;
	v9 =	vsel vm14, v27, v9;
	vm14 =	veq.s32 v8, $0x2  }
0x8e: {  	v21 =	vperm.xlane v0, v17;
	v29 =	vsel vm15, v6, v9;
	v9 =	vsel vm4, v33, v32  }
0x8f: {  	v6 =	vperm.xlane v3, v30;
	vm15 =	veq.s32 v8, $0x3;
	vm4 =	veq.s32 v7, $0x1  }
0x90: {  	v35 =	vld [tilespmem:$0x340];
	v8 =	vshra.s32 v59, $0x4;
	v4 =	vadd.f32 v5, v4;
	v5 =	vmul.f32 v28, v29  }
0x91: {  	v25 =	vld [tilespmem:$0x1B0];
	v9 =	vsel vm5, v34, v9;
	vm5 =	veq.s32 v7, $0x2;
	v24 =	vand.u32 $0xF, v18  }
0x92: {  	v36 =	vsel vm6, v6, v9;
	v9 =	vsel vm7, v40, v39;
	v6 =	vperm.xlane v3, v37  }
0x93: {  	vm6 =	veq.s32 v7, $0x3;
	vm7 =	veq.s32 v8, $0x1;
	v26 =	vperm.xlane v1, v24  }
0x94: {  	v7 =	vshra.s32 v18, $0x4;
	v27 =	vperm.xlane v2, v24;
	v28 =	vperm.xlane v0, v24  }
0x95: {  	v42 =	vld [tilespmem:$0x350];
	v4 =	vadd.f32 v5, v4;
	v5 =	vmul.f32 v35, v36;
	v9 =	vsel vm8, v41, v9  }
0x96: {  	v32 =	vld [tilespmem:$0x1C0];
	vm8 =	veq.s32 v8, $0x2;
	v31 =	vand.u32 $0xF, v25;
	v43 =	vsel vm9, v6, v9  }
0x97: {  	v9 =	vsel vm10, v47, v46;
	v6 =	vperm.xlane v3, v44;
	vm9 =	veq.s32 v8, $0x3  }
0x98: {  	vm10 =	veq.s32 v7, $0x1;
	v8 =	vshra.s32 v25, $0x4;
	v33 =	vperm.xlane v1, v31  }
0x99: {  	v49 =	vld [tilespmem:$0x360];
	v34 =	vperm.xlane v2, v31;
	v35 =	vperm.xlane v0, v31;
	v4 =	vadd.f32 v5, v4  }
0x9a: {  	v39 =	vld [tilespmem:$0x1D0];
	v5 =	vmul.f32 v42, v43;
	v9 =	vsel vm11, v48, v9;
	vm11 =	veq.s32 v7, $0x2  }
0x9b: {  	v38 =	vand.u32 $0xF, v32;
	v50 =	vsel vm12, v6, v9;
	v9 =	vsel vm13, v54, v53  }
0x9c: {  	v6 =	vperm.xlane v3, v51;
	vm12 =	veq.s32 v7, $0x3;
	vm13 =	veq.s32 v8, $0x1  }
0x9d: {  	v7 =	vshra.s32 v32, $0x4;
	v40 =	vperm.xlane v1, v38;
	v41 =	vperm.xlane v2, v38  }
0x9e: {  	v56 =	vld [tilespmem:$0x370];
	v42 =	vperm.xlane v0, v38;
	v4 =	vadd.f32 v5, v4;
	v5 =	vmul.f32 v49, v50  }
0x9f: {  	v46 =	vld [tilespmem:$0x1E0];
	v9 =	vsel vm14, v55, v9;
	vm14 =	veq.s32 v8, $0x2;
	v45 =	vand.u32 $0xF, v39  }
0xa0: {  	v57 =	vsel vm15, v6, v9;
	v9 =	vsel vm4, v61, v60;
	v6 =	vperm.xlane v3, v58  }
0xa1: {  	vm15 =	veq.s32 v8, $0x3;
	vm4 =	veq.s32 v7, $0x1;
	v47 =	vperm.xlane v1, v45  }
0xa2: {  	v8 =	vshra.s32 v39, $0x4;
	v48 =	vperm.xlane v2, v45;
	v49 =	vperm.xlane v0, v45  }
0xa3: {  	v63 =	vld [tilespmem:$0x380];
	v4 =	vadd.f32 v5, v4;
	v5 =	vmul.f32 v56, v57;
	v9 =	vsel vm5, v62, v9  }
0xa4: {  	v53 =	vld [tilespmem:$0x1F0];
	vm5 =	veq.s32 v7, $0x2;
	v52 =	vand.u32 $0xF, v46;
	v16 =	vsel vm6, v6, v9  }
0xa5: {  	v9 =	vsel vm7, v20, v19;
	v6 =	vperm.xlane v3, v17;
	vm6 =	veq.s32 v7, $0x3  }
0xa6: {  	vm7 =	veq.s32 v8, $0x1;
	v7 =	vshra.s32 v46, $0x4;
	v54 =	vperm.xlane v1, v52  }
0xa7: {  	v55 =	vperm.xlane v2, v52;
	v56 =	vperm.xlane v0, v52;
	v4 =	vadd.f32 v5, v4  }
0xa8: {  	v22 =	vld [tilespmem:$0x390];
	v5 =	vmul.f32 v63, v16;
	v9 =	vsel vm8, v21, v9;
	vm8 =	veq.s32 v8, $0x2  }
0xa9: {  	v59 =	vand.u32 $0xF, v53;
	v23 =	vsel vm9, v6, v9;
	v9 =	vsel vm10, v27, v26  }
0xaa: {  	v29 =	vld [tilespmem:$0x3A0];
	v6 =	vperm.xlane v3, v24;
	vm9 =	veq.s32 v8, $0x3;
	vm10 =	veq.s32 v7, $0x1  }
0xab: {  	v8 =	vshra.s32 v53, $0x4;
	v1 =	vperm.xlane v1, v59;
	v2 =	vperm.xlane v2, v59  }
0xac: {  	v36 =	vld [tilespmem:$0x3B0];
	v0 =	vperm.xlane v0, v59;
	v61 =	vperm.xlane v3, v59;
	v4 =	vadd.f32 v5, v4  }
0xad: {  	v5 =	vmul.f32 v22, v23;
	v9 =	vsel vm11, v28, v9;
	vm11 =	veq.s32 v7, $0x2  }
0xae: {  	v43 =	vld [tilespmem:$0x3C0];
	v30 =	vsel vm12, v6, v9;
	v9 =	vsel vm13, v34, v33;
	v6 =	vperm.xlane v3, v31  }
0xaf: {  	v4 =	vadd.f32 v5, v4;
	v5 =	vmul.f32 v29, v30;
	v9 =	vsel vm14, v35, v9  }
0xb0: {  	v50 =	vld [tilespmem:$0x3D0];
	v37 =	vsel vm15, v6, v9;
	v9 =	vsel vm4, v41, v40;
	v6 =	vperm.xlane v3, v38  }
0xb1: {  	v4 =	vadd.f32 v5, v4;
	v5 =	vmul.f32 v36, v37;
	v9 =	vsel vm5, v42, v9  }
0xb2: {  	v44 =	vsel vm6, v6, v9;
	v9 =	vsel vm7, v48, v47;
	v6 =	vperm.xlane v3, v45  }
0xb3: {  	v58 =	vld [tilespmem:$0x3E0];
	v4 =	vadd.f32 v5, v4;
	v5 =	vmul.f32 v43, v44;
	v9 =	vsel vm8, v49, v9  }
0xb4: {  	vm13 =	veq.s32 v8, $0x1;
	v51 =	vsel vm9, v6, v9;
	v9 =	vsel vm10, v55, v54  }
0xb5: {  	v60 =	vld [tilespmem:$0x3F0];
	v6 =	vperm.xlane v3, v52;
	v4 =	vadd.f32 v5, v4;
	v5 =	vmul.f32 v50, v51  }
0xb6: {  	vm12 =	veq.s32 v7, $0x3;
	v1 =	vsel vm13, v2, v1;
	v57 =	vsel vm11, v56, v9  }
0xb7: {  	vm14 =	veq.s32 v8, $0x2;
	v4 =	vadd.f32 v5, v4;
	v5 =	vsel vm12, v6, v57  }
0xb8: {  	v0 =	vsel vm14, v0, v1;
	vm15 =	veq.s32 v8, $0x3;
	v62 =	vmul.f32 v58, v5  }
0xb9: {  	v0 =	vsel vm15, v61, v0  }
0xba: {  	v0 =	vmul.f32 v60, v0;
	v63 =	vadd.f32 v62, v4;
	_ =	sdelay $0x1  }
0xbb: {  	v0 =	vadd.f32 v0, v63  }
0xbc: {  	p0 =	sne.s32 s7, $0x1  }
.Ltmp0:
0xbd: {  	[tilespmem:$0x480] =	vst v0;
	(pc) =	sbr.rel @p0 .LBB2_1-.Ltmp0, $4  }
0xbe: {  	[hbm4b:s6+s3] =	stream.linear.scatter [tilespmem:s11], [sflag:$0x1], $0x80, $0x38;
	[tilespmem:$0x500] =	vst v63  }
0xbf: {  	_ =	swait.ge [sflag:s8], $0x80  }
0xc0: {  	[sflag:s8] =	ssyncset.done $0x0  }
0xc1: {  	s7 =	sadd.s32 $0xFFFFFFFF, s7;
	[sflag:s8] =	ssyncadd.s32 $0xFFFFFF80  }
0xc2: {  	_ =	sfence.sel $0x180000  }
0xc3: {  	[bflag:$0x0] =	sbarrier.arrive $0xFFFF  }
0xc4: {  	p0 =	sne.s32 s1, $0x0;
	_ =	strace $0x90000047  }
0xc5: {  	s0 =	sadd.s32 @!p0 $0x100000, s0;
	[bflag:$0x2] =	sbarrier.arrive $0xFFFF  }
0xc6: {  	[sflag:s0] =	ssyncadd.tile.s32 @!p0 $0x1;
	_ =	shalt  }
.Lfunc_end2:
_tile_overlayer_lowered:
.L_overlay_start_2:
0xc7: {  	(tag) =	ssettag $0x2  }
0xc8: {  	s0 =	rddreg [dreg:$0x0];
	s2 =	stileid.u32  }
0xc9: {  	s1 =	rddreg [dreg:$0x1];
	p0 =	sne.s32 s2, $0x0  }
0xca: {  	s3 =	rddreg [dreg:$0x2];
	[bflag:$0x3] =	sbarrier.arrive $0xFFFF;
	s2 =	simm.s32 @!p0 $0x1C01  }
0xcb: {  	[timem:s3], [sflag:s2] =	dma.local @!p0 [hbm:s0], s1  }
0xcc: {  	s0 =	simm.s32 @!p0 $0x1  }
0xcd: {  	_ =	swait.ge @!p0 [sflag:s0], s1  }
0xce: {  	s1 =	ssub.s32 @!p0 $0x0, s1;
	[sflag:s0] =	ssyncset.done @!p0 $0x0  }
0xcf: {  	[sflag:s0] =	ssyncadd.s32 @!p0 s1  }
0xd0: {  	[bflag:$0x3] =	sbarrier.arrive $0xFFFF  }
0xd1: {  	_ =	shalt  }

</sc_bundles>
